<compile_context>
chip_gen: v7x
topology: tpu7x:2x2x1
jax: 0.10.2.dev20260603
libtpu: 0.0.44.dev20260713+nightly
codegen_flags: <defaults>
</compile_context>

<pallas_src>
import functools

import jax
import jax.numpy as jnp
from jax import lax
from jax.experimental import pallas as pl
from jax.experimental.pallas import tpu as pltpu
from jax.experimental.pallas import tpu_sc as plsc

_N = 4096
_K = 20
_G = 4

_NC = 2
_NS = 16
_NW = _NC * _NS
_CHUNK = 128


def _prep_body(x_ref, wa_ref, wj_ref, b_ref, a_ref, c_ref, sq_ref):
    x = x_ref[...]
    a_ref[...] = (
        jnp.dot(x, wa_ref[...], preferred_element_type=jnp.float32) + b_ref[...]
    )
    c_ref[...] = jnp.dot(x, wj_ref[...], preferred_element_type=jnp.float32)
    sq_ref[...] = jnp.sum(x * x, axis=1, keepdims=True)


def _prep(x, wa, wj, b):
    n, _ = x.shape
    d_out = wa.shape[1]
    d_pad = wj.shape[1]
    return pl.pallas_call(
        _prep_body,
        out_shape=(
            jax.ShapeDtypeStruct((n, d_out), jnp.float32),
            jax.ShapeDtypeStruct((n, d_pad), jnp.float32),
            jax.ShapeDtypeStruct((n, 1), jnp.float32),
        ),
    )(x, wa, wj, b.reshape(1, -1))


_TOPK_BLK = 256


def _topk_body(xb_ref, xf_ref, sqc_ref, sqr_ref, bc_ref, br_ref, idx_ref):
    g = lax.dot_general(
        xb_ref[...], xf_ref[...], (((1,), (1,)), ((), ())),
        preferred_element_type=jnp.float32,
    )
    d = sqc_ref[...] + sqr_ref[...] - 2.0 * g
    d = jnp.where(bc_ref[...] != br_ref[...], jnp.inf, d)
    iota = lax.broadcasted_iota(jnp.int32, d.shape, 1)
    for s in range(_K):
        v = jnp.min(d, axis=1, keepdims=True)
        cand = jnp.where(d == v, iota, _N)
        ix = jnp.min(cand, axis=1, keepdims=True)
        idx_ref[:, s : s + 1] = ix
        d = jnp.where(iota == ix, jnp.inf, d)


def _topk(x, sq, batch_col, batch_row):
    n, d_in = x.shape
    grid = n // _TOPK_BLK
    return pl.pallas_call(
        _topk_body,
        grid=(grid,),
        in_specs=[
            pl.BlockSpec((_TOPK_BLK, d_in), lambda i: (i, 0)),
            pl.BlockSpec((n, d_in), lambda i: (0, 0)),
            pl.BlockSpec((_TOPK_BLK, 1), lambda i: (i, 0)),
            pl.BlockSpec((1, n), lambda i: (0, 0)),
            pl.BlockSpec((_TOPK_BLK, 1), lambda i: (i, 0)),
            pl.BlockSpec((1, n), lambda i: (0, 0)),
        ],
        out_specs=pl.BlockSpec((_TOPK_BLK, _K), lambda i: (i, 0)),
        out_shape=jax.ShapeDtypeStruct((n, _K), jnp.int32),
    )(x, x, sq, sq.reshape(1, n), batch_col, batch_row)


def _sc_gather(table, idx_flat):
    b_total = idx_flat.shape[0]
    d = table.shape[1]
    b_per_w = b_total // _NW
    n_ch = b_per_w // _CHUNK
    mesh = plsc.VectorSubcoreMesh(
        core_axis_name="c", subcore_axis_name="s",
        num_cores=_NC, num_subcores=_NS,
    )

    @functools.partial(
        pl.kernel,
        out_type=jax.ShapeDtypeStruct((b_total, d), jnp.float32),
        mesh=mesh,
        scratch_types=[
            pltpu.VMEM((_CHUNK,), jnp.int32),
            pltpu.VMEM((_CHUNK, d), jnp.float32),
            pltpu.SemaphoreType.DMA,
        ],
    )
    def gather_kernel(table_hbm, idx_hbm, out_hbm, idx_c, rows_v, sem):
        wid = lax.axis_index("s") * _NC + lax.axis_index("c")
        base = wid * b_per_w

        def body(ch, carry):
            e0 = base + ch * _CHUNK
            pltpu.sync_copy(idx_hbm.at[pl.ds(e0, _CHUNK)], idx_c)
            pltpu.async_copy(table_hbm.at[idx_c], rows_v, sem).wait()
            pltpu.sync_copy(rows_v, out_hbm.at[pl.ds(e0, _CHUNK)])
            return carry

        lax.fori_loop(0, n_ch, body, 0)

    return gather_kernel(table, idx_flat)


_AGG_BLK = 256


def _aggr_body(d_out, g_ref, a_ref, o_ref):
    m = jnp.max(g_ref[...][:, :, :d_out], axis=1)
    o_ref[...] = jnp.maximum(a_ref[...] + m, 0.0)


def _aggr(g3, a):
    n, k, d_pad = g3.shape
    d_out = a.shape[1]
    grid = n // _AGG_BLK
    return pl.pallas_call(
        functools.partial(_aggr_body, d_out),
        grid=(grid,),
        in_specs=[
            pl.BlockSpec((_AGG_BLK, k, d_pad), lambda i: (i, 0, 0)),
            pl.BlockSpec((_AGG_BLK, d_out), lambda i: (i, 0)),
        ],
        out_specs=pl.BlockSpec((_AGG_BLK, d_out), lambda i: (i, 0)),
        out_shape=jax.ShapeDtypeStruct((n, d_out), jnp.float32),
    )(g3, a)


def _edge_conv(x, batch_col, batch_row, w, b):
    d_in = x.shape[1]
    d_out = w.shape[1]
    d_pad = -(-d_out // 128) * 128
    wi, wj = w[:d_in], w[d_in:]
    wj_p = jnp.pad(wj, ((0, 0), (0, d_pad - d_out)))
    a, c, sq = _prep(x, wi - wj, wj_p, b)
    idx = _topk(x, sq, batch_col, batch_row)
    g = _sc_gather(c, idx.reshape(-1))
    return _aggr(g.reshape(_N, _K, d_pad), a)


_FIN_BLK = 512


def _final_body(x_ref, w_ref, b_ref, bc_ref, br_ref, o_ref, sum_ref, cnt_ref):
    i = pl.program_id(0)
    f = w_ref.shape[1]

    @pl.when(i == 0)
    def _():
        o_ref[...] = jnp.full(o_ref.shape, -jnp.inf, jnp.float32)
        sum_ref[...] = jnp.zeros_like(sum_ref)
        cnt_ref[...] = jnp.zeros_like(cnt_ref)

    h = jnp.maximum(
        jnp.dot(x_ref[...], w_ref[...], preferred_element_type=jnp.float32)
        + b_ref[...],
        0.0,
    )
    bc = bc_ref[...]
    br = br_ref[...]
    gi = lax.broadcasted_iota(jnp.int32, (_G, br.shape[1]), 0)
    onehot = (gi == br).astype(jnp.float32)
    sum_ref[...] += jnp.dot(onehot, h, preferred_element_type=jnp.float32)
    cnt_ref[...] += jnp.sum(onehot, axis=1, keepdims=True)
    parts = [
        jnp.max(jnp.where(bc == g, h, -jnp.inf), axis=0, keepdims=True)
        for g in range(_G)
    ]
    pmax = jnp.concatenate(parts, axis=0)
    o_ref[:, :f] = jnp.maximum(o_ref[:, :f], pmax)

    @pl.when(i == pl.num_programs(0) - 1)
    def _():
        o_ref[:, f:] = sum_ref[...] / cnt_ref[:, :1]


def _final(xcat, w5, b5, batch_col, batch_row):
    n, d_in = xcat.shape
    f = w5.shape[1]
    grid = n // _FIN_BLK
    return pl.pallas_call(
        _final_body,
        grid=(grid,),
        in_specs=[
            pl.BlockSpec((_FIN_BLK, d_in), lambda i: (i, 0)),
            pl.BlockSpec((d_in, f), lambda i: (0, 0)),
            pl.BlockSpec((1, f), lambda i: (0, 0)),
            pl.BlockSpec((_FIN_BLK, 1), lambda i: (i, 0)),
            pl.BlockSpec((1, _FIN_BLK), lambda i: (0, i)),
        ],
        out_specs=pl.BlockSpec((_G, 2 * f), lambda i: (0, 0)),
        out_shape=jax.ShapeDtypeStruct((_G, 2 * f), jnp.float32),
        scratch_shapes=[
            pltpu.VMEM((_G, f), jnp.float32),
            pltpu.VMEM((_G, 1), jnp.float32),
        ],
    )(xcat, w5, b5.reshape(1, f), batch_col, batch_row)


def kernel(pos, batch, W1, b1, W2, b2, W3, b3, W4, b4, W5, b5):
    b32 = batch.astype(jnp.int32)
    bc = b32.reshape(-1, 1)
    br = b32.reshape(1, -1)
    x1 = _edge_conv(pos, bc, br, W1, b1)
    x2 = _edge_conv(x1, bc, br, W2, b2)
    x3 = _edge_conv(x2, bc, br, W3, b3)
    x4 = _edge_conv(x3, bc, br, W4, b4)
    xcat = jnp.concatenate([x1, x2, x3, x4], axis=1)
    return _final(xcat, W5, b5, bc, br)

# --- scband reference (transcript-rebuilt; emitter-appended) ---
"""Pipeline reference for scband-generator-62594853372381 (READ-ONLY COPY).

The authoritative reference and input builder live on the scoring server;
editing this copy changes nothing except your own understanding.
"""

import jax, jax.numpy as jnp
import numpy as np

K_NN = 20
NUM_GRAPHS = 4


def dyn_edge_conv(x, batch, k, W, b):
    # dynamic kNN graph on current features, restricted to same point cloud
    sq = jnp.sum(x * x, axis=1)
    d = sq[:, None] + sq[None, :] - 2.0 * (x @ x.T)
    mask = batch[:, None] != batch[None, :]
    d = jnp.where(mask, jnp.inf, d)
    _, idx = jax.lax.top_k(-d, k)  # [N, k] neighbor indices (includes self, dist 0)
    xj = x[idx]                    # [N, k, d] gather
    xi = jnp.broadcast_to(x[:, None, :], xj.shape)
    e = jnp.concatenate([xi, xj - xi], axis=-1)  # [N, k, 2d] edge features
    h = jax.nn.relu(e @ W + b)     # MLP([2*in, out]) = Linear + ReLU
    return jnp.max(h, axis=1)      # aggr='max' over neighbors


def setup_inputs(seed: int = 0) -> dict:
    key = jax.random.key(seed)
    ks = jax.random.split(key, 8)
    N = 4096
    pos = jax.random.normal(ks[0], (N, 3), dtype=jnp.float32)
    batch = jnp.sort(jax.random.randint(ks[1], (N,), 0, NUM_GRAPHS)).astype(jnp.int64)

    def lin(k, fi, fo):
        s = 1.0 / np.sqrt(fi)
        kw, kb = jax.random.split(k)
        W = jax.random.uniform(kw, (fi, fo), jnp.float32, -s, s)
        b = jax.random.uniform(kb, (fo,), jnp.float32, -s, s)
        return W, b

    W1, b1 = lin(ks[2], 2 * 3, 64)
    W2, b2 = lin(ks[3], 2 * 64, 64)
    W3, b3 = lin(ks[4], 2 * 64, 128)
    W4, b4 = lin(ks[5], 2 * 128, 256)
    W5, b5 = lin(ks[6], 64 + 64 + 128 + 256, 1024)
    return {"pos": pos, "batch": batch,
            "W1": W1, "b1": b1, "W2": W2, "b2": b2,
            "W3": W3, "b3": b3, "W4": W4, "b4": b4,
            "W5": W5, "b5": b5}


def reference(pos, batch, W1, b1, W2, b2, W3, b3, W4, b4, W5, b5):
    x1 = dyn_edge_conv(pos, batch, K_NN, W1, b1)
    x2 = dyn_edge_conv(x1, batch, K_NN, W2, b2)
    x3 = dyn_edge_conv(x2, batch, K_NN, W3, b3)
    x4 = dyn_edge_conv(x3, batch, K_NN, W4, b4)
    out = jax.nn.relu(jnp.concatenate([x1, x2, x3, x4], axis=1) @ W5 + b5)
    out1 = jax.ops.segment_max(out, batch, num_segments=NUM_GRAPHS)
    cnt = jax.ops.segment_sum(jnp.ones((out.shape[0], 1), jnp.float32), batch, num_segments=NUM_GRAPHS)
    out2 = jax.ops.segment_sum(out, batch, num_segments=NUM_GRAPHS) / cnt
    return jnp.concatenate([out1, out2], axis=1)

if __name__ == "__main__":
    import jax
    _d = setup_inputs()
    print(jax.jit(kernel)(*tuple(_d.values())))

</pallas_src>

<mosaic_0001>
#map = affine_map<(d0, d1) -> (0, 0)>
#map1 = affine_map<(d0, d1) -> (0)>
module attributes {stable_mosaic.version = 14 : i64} {
  func.func @gather_kernel(%arg0: i32, %arg1: i32, %arg2: memref<4096x128xf32, #tpu.memory_space<hbm>>, %arg3: memref<81920xi32, #tpu.memory_space<hbm>>, %arg4: memref<81920x128xf32, #tpu.memory_space<hbm>>, %arg5: memref<128xi32, #tpu.memory_space<vmem>>, %arg6: memref<128x128xf32, #tpu.memory_space<vmem>>, %arg7: memref<!tpu.dma_semaphore, #tpu.memory_space<semaphore_mem>>) attributes {dimension_semantics = [#tpu.dimension_semantics<core_parallel>, #tpu.dimension_semantics<subcore_parallel>], iteration_bounds = array<i64: 2, 16>, scalar_prefetch = 0 : i64, scratch_operands = 3 : i64, tpu.core_type = #tpu.core_type<sc_vector_subcore>, window_params = [{transform_indices = #map}, {transform_indices = #map1}, {transform_indices = #map}]} {
    %mul3A = arith.constant 2 : i32
    %mul3A_0 = arith.muli %arg1, %mul3A : i32
    %add3A = arith.addi %mul3A_0, %arg0 : i32
    %mul3A_1 = arith.constant 2560 : i32
    %mul3A_2 = arith.muli %add3A, %mul3A_1 : i32
    %scan3A = arith.constant 0 : i32
    %scan3A_3 = arith.constant 0 : i32
    %scan3A_4 = arith.constant 20 : i32
    %scan3A_5 = arith.addi %scan3A_3, %scan3A_4 : i32
    %scan3A_6 = arith.constant 1 : i32
    scf.for %scan3A_8 = %scan3A_3 to %scan3A_5 step %scan3A_6  : i32 {
      %mul3A_9 = arith.constant 128 : i32
      %mul3A_10 = arith.muli %scan3A_8, %mul3A_9 : i32
      %add3A_11 = arith.addi %mul3A_2, %mul3A_10 : i32
      "tpu.region"() ({
        %run_scoped3A = tpu.sem_alloc : memref<!tpu.dma_semaphore, #tpu.memory_space<semaphore_mem>>
        %dma_start3A_16 = tpu.memref_slice %arg3[%add3A_11] : memref<81920xi32, #tpu.memory_space<hbm>> -> memref<128xi32, #tpu.memory_space<hbm>>
        %dma_start3A_17 = tpu.memref_slice %arg3[%add3A_11] : memref<81920xi32, #tpu.memory_space<hbm>> -> memref<128xi32, #tpu.memory_space<hbm>>
        tpu.enqueue_dma source(%dma_start3A_17 : memref<128xi32, #tpu.memory_space<hbm>>) target(%arg5 : memref<128xi32, #tpu.memory_space<vmem>>) target_semaphore(%run_scoped3A : memref<!tpu.dma_semaphore, #tpu.memory_space<semaphore_mem>>)
        %dma_wait3A_18 = tpu.memref_slice %arg3[%add3A_11] : memref<81920xi32, #tpu.memory_space<hbm>> -> memref<128xi32, #tpu.memory_space<hbm>>
        %dma_wait3A_19 = tpu.memref_slice %arg3[%add3A_11] : memref<81920xi32, #tpu.memory_space<hbm>> -> memref<128xi32, #tpu.memory_space<hbm>>
        tpu.wait_dma2 semaphore(%run_scoped3A : memref<!tpu.dma_semaphore, #tpu.memory_space<semaphore_mem>>) src(%dma_wait3A_19 : memref<128xi32, #tpu.memory_space<hbm>>) dst(%arg5 : memref<128xi32, #tpu.memory_space<vmem>>)
        tpu.yield
      }) : () -> ()
      %dma_start3A = arith.constant 0 : i32
      %dma_start3A_12 = arith.constant 0 : i32
      %dma_start3A_13 = tpu.memref_slice %arg2[%dma_start3A, %dma_start3A_12] : memref<4096x128xf32, #tpu.memory_space<hbm>> -> memref<4096x128xf32, #tpu.memory_space<hbm>>
      tpu.enqueue_indirect_dma source(%dma_start3A_13 : memref<4096x128xf32, #tpu.memory_space<hbm>>) target(%arg6 : memref<128x128xf32, #tpu.memory_space<vmem>>) offsets(%arg5 : memref<128xi32, #tpu.memory_space<vmem>>) semaphore(%arg7 : memref<!tpu.dma_semaphore, #tpu.memory_space<semaphore_mem>>)
      %dma_wait3A = arith.constant 0 : i32
      %dma_wait3A_14 = arith.constant 0 : i32
      %dma_wait3A_15 = tpu.memref_slice %arg2[%dma_wait3A, %dma_wait3A_14] : memref<4096x128xf32, #tpu.memory_space<hbm>> -> memref<4096x128xf32, #tpu.memory_space<hbm>>
      tpu.wait_indirect_dma semaphore(%arg7 : memref<!tpu.dma_semaphore, #tpu.memory_space<semaphore_mem>>) src(%dma_wait3A_15 : memref<4096x128xf32, #tpu.memory_space<hbm>>) dst(%arg6 : memref<128x128xf32, #tpu.memory_space<vmem>>)
      "tpu.region"() ({
        %run_scoped3A = tpu.sem_alloc : memref<!tpu.dma_semaphore, #tpu.memory_space<semaphore_mem>>
        %dma_start3A_16 = arith.constant 0 : i32
        %dma_start3A_17 = tpu.memref_slice %arg4[%add3A_11, %dma_start3A_16] : memref<81920x128xf32, #tpu.memory_space<hbm>> -> memref<128x128xf32, #tpu.memory_space<hbm>>
        %dma_start3A_18 = arith.constant 0 : i32
        %dma_start3A_19 = tpu.memref_slice %arg4[%add3A_11, %dma_start3A_18] : memref<81920x128xf32, #tpu.memory_space<hbm>> -> memref<128x128xf32, #tpu.memory_space<hbm>>
        tpu.enqueue_dma source(%arg6 : memref<128x128xf32, #tpu.memory_space<vmem>>) target(%dma_start3A_19 : memref<128x128xf32, #tpu.memory_space<hbm>>) target_semaphore(%run_scoped3A : memref<!tpu.dma_semaphore, #tpu.memory_space<semaphore_mem>>)
        %dma_wait3A_20 = arith.constant 0 : i32
        %dma_wait3A_21 = tpu.memref_slice %arg4[%add3A_11, %dma_wait3A_20] : memref<81920x128xf32, #tpu.memory_space<hbm>> -> memref<128x128xf32, #tpu.memory_space<hbm>>
        %dma_wait3A_22 = arith.constant 0 : i32
        %dma_wait3A_23 = tpu.memref_slice %arg4[%add3A_11, %dma_wait3A_22] : memref<81920x128xf32, #tpu.memory_space<hbm>> -> memref<128x128xf32, #tpu.memory_space<hbm>>
        tpu.wait_dma2 semaphore(%run_scoped3A : memref<!tpu.dma_semaphore, #tpu.memory_space<semaphore_mem>>) src(%arg6 : memref<128x128xf32, #tpu.memory_space<vmem>>) dst(%dma_wait3A_23 : memref<128x128xf32, #tpu.memory_space<hbm>>)
        tpu.yield
      }) : () -> ()
    }
    %scan3A_7 = arith.constant 20 : i32
    return
  }
}

#map = affine_map<(d0, d1) -> (0, 0)>
#map1 = affine_map<(d0, d1) -> (0)>
module attributes {stable_mosaic.version = 14 : i64} {
  func.func @gather_kernel(%arg0: i32, %arg1: i32, %arg2: memref<4096x128xf32, #tpu.memory_space<hbm>>, %arg3: memref<81920xi32, #tpu.memory_space<hbm>>, %arg4: memref<81920x128xf32, #tpu.memory_space<hbm>>, %arg5: memref<128xi32, #tpu.memory_space<vmem>>, %arg6: memref<128x128xf32, #tpu.memory_space<vmem>>, %arg7: memref<!tpu.dma_semaphore, #tpu.memory_space<semaphore_mem>>) attributes {dimension_semantics = [#tpu.dimension_semantics<core_parallel>, #tpu.dimension_semantics<subcore_parallel>], iteration_bounds = array<i64: 2, 16>, scalar_prefetch = 0 : i64, scratch_operands = 3 : i64, tpu.core_type = #tpu.core_type<sc_vector_subcore>, window_params = [{transform_indices = #map}, {transform_indices = #map1}, {transform_indices = #map}]} {
    %mul3A = arith.constant 2 : i32
    %mul3A_0 = arith.muli %arg1, %mul3A : i32
    %add3A = arith.addi %mul3A_0, %arg0 : i32
    %mul3A_1 = arith.constant 2560 : i32
    %mul3A_2 = arith.muli %add3A, %mul3A_1 : i32
    %scan3A = arith.constant 0 : i32
    %scan3A_3 = arith.constant 0 : i32
    %scan3A_4 = arith.constant 20 : i32
    %scan3A_5 = arith.addi %scan3A_3, %scan3A_4 : i32
    %scan3A_6 = arith.constant 1 : i32
    scf.for %scan3A_8 = %scan3A_3 to %scan3A_5 step %scan3A_6  : i32 {
      %mul3A_9 = arith.constant 128 : i32
      %mul3A_10 = arith.muli %scan3A_8, %mul3A_9 : i32
      %add3A_11 = arith.addi %mul3A_2, %mul3A_10 : i32
      "tpu.region"() ({
        %run_scoped3A = tpu.sem_alloc : memref<!tpu.dma_semaphore, #tpu.memory_space<semaphore_mem>>
        %dma_start3A_16 = tpu.memref_slice %arg3[%add3A_11] : memref<81920xi32, #tpu.memory_space<hbm>> -> memref<128xi32, #tpu.memory_space<hbm>>
        %dma_start3A_17 = tpu.memref_slice %arg3[%add3A_11] : memref<81920xi32, #tpu.memory_space<hbm>> -> memref<128xi32, #tpu.memory_space<hbm>>
        tpu.enqueue_dma source(%dma_start3A_17 : memref<128xi32, #tpu.memory_space<hbm>>) target(%arg5 : memref<128xi32, #tpu.memory_space<vmem>>) target_semaphore(%run_scoped3A : memref<!tpu.dma_semaphore, #tpu.memory_space<semaphore_mem>>)
        %dma_wait3A_18 = tpu.memref_slice %arg3[%add3A_11] : memref<81920xi32, #tpu.memory_space<hbm>> -> memref<128xi32, #tpu.memory_space<hbm>>
        %dma_wait3A_19 = tpu.memref_slice %arg3[%add3A_11] : memref<81920xi32, #tpu.memory_space<hbm>> -> memref<128xi32, #tpu.memory_space<hbm>>
        tpu.wait_dma2 semaphore(%run_scoped3A : memref<!tpu.dma_semaphore, #tpu.memory_space<semaphore_mem>>) src(%dma_wait3A_19 : memref<128xi32, #tpu.memory_space<hbm>>) dst(%arg5 : memref<128xi32, #tpu.memory_space<vmem>>)
        tpu.yield
      }) : () -> ()
      %dma_start3A = arith.constant 0 : i32
      %dma_start3A_12 = arith.constant 0 : i32
      %dma_start3A_13 = tpu.memref_slice %arg2[%dma_start3A, %dma_start3A_12] : memref<4096x128xf32, #tpu.memory_space<hbm>> -> memref<4096x128xf32, #tpu.memory_space<hbm>>
      tpu.enqueue_indirect_dma source(%dma_start3A_13 : memref<4096x128xf32, #tpu.memory_space<hbm>>) target(%arg6 : memref<128x128xf32, #tpu.memory_space<vmem>>) offsets(%arg5 : memref<128xi32, #tpu.memory_space<vmem>>) semaphore(%arg7 : memref<!tpu.dma_semaphore, #tpu.memory_space<semaphore_mem>>)
      %dma_wait3A = arith.constant 0 : i32
      %dma_wait3A_14 = arith.constant 0 : i32
      %dma_wait3A_15 = tpu.memref_slice %arg2[%dma_wait3A, %dma_wait3A_14] : memref<4096x128xf32, #tpu.memory_space<hbm>> -> memref<4096x128xf32, #tpu.memory_space<hbm>>
      tpu.wait_indirect_dma semaphore(%arg7 : memref<!tpu.dma_semaphore, #tpu.memory_space<semaphore_mem>>) src(%dma_wait3A_15 : memref<4096x128xf32, #tpu.memory_space<hbm>>) dst(%arg6 : memref<128x128xf32, #tpu.memory_space<vmem>>)
      "tpu.region"() ({
        %run_scoped3A = tpu.sem_alloc : memref<!tpu.dma_semaphore, #tpu.memory_space<semaphore_mem>>
        %dma_start3A_16 = arith.constant 0 : i32
        %dma_start3A_17 = tpu.memref_slice %arg4[%add3A_11, %dma_start3A_16] : memref<81920x128xf32, #tpu.memory_space<hbm>> -> memref<128x128xf32, #tpu.memory_space<hbm>>
        %dma_start3A_18 = arith.constant 0 : i32
        %dma_start3A_19 = tpu.memref_slice %arg4[%add3A_11, %dma_start3A_18] : memref<81920x128xf32, #tpu.memory_space<hbm>> -> memref<128x128xf32, #tpu.memory_space<hbm>>
        tpu.enqueue_dma source(%arg6 : memref<128x128xf32, #tpu.memory_space<vmem>>) target(%dma_start3A_19 : memref<128x128xf32, #tpu.memory_space<hbm>>) target_semaphore(%run_scoped3A : memref<!tpu.dma_semaphore, #tpu.memory_space<semaphore_mem>>)
        %dma_wait3A_20 = arith.constant 0 : i32
        %dma_wait3A_21 = tpu.memref_slice %arg4[%add3A_11, %dma_wait3A_20] : memref<81920x128xf32, #tpu.memory_space<hbm>> -> memref<128x128xf32, #tpu.memory_space<hbm>>
        %dma_wait3A_22 = arith.constant 0 : i32
        %dma_wait3A_23 = tpu.memref_slice %arg4[%add3A_11, %dma_wait3A_22] : memref<81920x128xf32, #tpu.memory_space<hbm>> -> memref<128x128xf32, #tpu.memory_space<hbm>>
        tpu.wait_dma2 semaphore(%run_scoped3A : memref<!tpu.dma_semaphore, #tpu.memory_space<semaphore_mem>>) src(%arg6 : memref<128x128xf32, #tpu.memory_space<vmem>>) dst(%dma_wait3A_23 : memref<128x128xf32, #tpu.memory_space<hbm>>)
        tpu.yield
      }) : () -> ()
    }
    %scan3A_7 = arith.constant 20 : i32
    return
  }
}

#map = affine_map<(d0, d1) -> (0, 0)>
#map1 = affine_map<(d0, d1) -> (0)>
module attributes {stable_mosaic.version = 14 : i64} {
  func.func @gather_kernel(%arg0: i32, %arg1: i32, %arg2: memref<4096x128xf32, #tpu.memory_space<hbm>>, %arg3: memref<81920xi32, #tpu.memory_space<hbm>>, %arg4: memref<81920x128xf32, #tpu.memory_space<hbm>>, %arg5: memref<128xi32, #tpu.memory_space<vmem>>, %arg6: memref<128x128xf32, #tpu.memory_space<vmem>>, %arg7: memref<!tpu.dma_semaphore, #tpu.memory_space<semaphore_mem>>) attributes {dimension_semantics = [#tpu.dimension_semantics<core_parallel>, #tpu.dimension_semantics<subcore_parallel>], iteration_bounds = array<i64: 2, 16>, scalar_prefetch = 0 : i64, scratch_operands = 3 : i64, tpu.core_type = #tpu.core_type<sc_vector_subcore>, window_params = [{transform_indices = #map}, {transform_indices = #map1}, {transform_indices = #map}]} {
    %mul3A = arith.constant 2 : i32
    %mul3A_0 = arith.muli %arg1, %mul3A : i32
    %add3A = arith.addi %mul3A_0, %arg0 : i32
    %mul3A_1 = arith.constant 2560 : i32
    %mul3A_2 = arith.muli %add3A, %mul3A_1 : i32
    %scan3A = arith.constant 0 : i32
    %scan3A_3 = arith.constant 0 : i32
    %scan3A_4 = arith.constant 20 : i32
    %scan3A_5 = arith.addi %scan3A_3, %scan3A_4 : i32
    %scan3A_6 = arith.constant 1 : i32
    scf.for %scan3A_8 = %scan3A_3 to %scan3A_5 step %scan3A_6  : i32 {
      %mul3A_9 = arith.constant 128 : i32
      %mul3A_10 = arith.muli %scan3A_8, %mul3A_9 : i32
      %add3A_11 = arith.addi %mul3A_2, %mul3A_10 : i32
      "tpu.region"() ({
        %run_scoped3A = tpu.sem_alloc : memref<!tpu.dma_semaphore, #tpu.memory_space<semaphore_mem>>
        %dma_start3A_16 = tpu.memref_slice %arg3[%add3A_11] : memref<81920xi32, #tpu.memory_space<hbm>> -> memref<128xi32, #tpu.memory_space<hbm>>
        %dma_start3A_17 = tpu.memref_slice %arg3[%add3A_11] : memref<81920xi32, #tpu.memory_space<hbm>> -> memref<128xi32, #tpu.memory_space<hbm>>
        tpu.enqueue_dma source(%dma_start3A_17 : memref<128xi32, #tpu.memory_space<hbm>>) target(%arg5 : memref<128xi32, #tpu.memory_space<vmem>>) target_semaphore(%run_scoped3A : memref<!tpu.dma_semaphore, #tpu.memory_space<semaphore_mem>>)
        %dma_wait3A_18 = tpu.memref_slice %arg3[%add3A_11] : memref<81920xi32, #tpu.memory_space<hbm>> -> memref<128xi32, #tpu.memory_space<hbm>>
        %dma_wait3A_19 = tpu.memref_slice %arg3[%add3A_11] : memref<81920xi32, #tpu.memory_space<hbm>> -> memref<128xi32, #tpu.memory_space<hbm>>
        tpu.wait_dma2 semaphore(%run_scoped3A : memref<!tpu.dma_semaphore, #tpu.memory_space<semaphore_mem>>) src(%dma_wait3A_19 : memref<128xi32, #tpu.memory_space<hbm>>) dst(%arg5 : memref<128xi32, #tpu.memory_space<vmem>>)
        tpu.yield
      }) : () -> ()
      %dma_start3A = arith.constant 0 : i32
      %dma_start3A_12 = arith.constant 0 : i32
      %dma_start3A_13 = tpu.memref_slice %arg2[%dma_start3A, %dma_start3A_12] : memref<4096x128xf32, #tpu.memory_space<hbm>> -> memref<4096x128xf32, #tpu.memory_space<hbm>>
      tpu.enqueue_indirect_dma source(%dma_start3A_13 : memref<4096x128xf32, #tpu.memory_space<hbm>>) target(%arg6 : memref<128x128xf32, #tpu.memory_space<vmem>>) offsets(%arg5 : memref<128xi32, #tpu.memory_space<vmem>>) semaphore(%arg7 : memref<!tpu.dma_semaphore, #tpu.memory_space<semaphore_mem>>)
      %dma_wait3A = arith.constant 0 : i32
      %dma_wait3A_14 = arith.constant 0 : i32
      %dma_wait3A_15 = tpu.memref_slice %arg2[%dma_wait3A, %dma_wait3A_14] : memref<4096x128xf32, #tpu.memory_space<hbm>> -> memref<4096x128xf32, #tpu.memory_space<hbm>>
      tpu.wait_indirect_dma semaphore(%arg7 : memref<!tpu.dma_semaphore, #tpu.memory_space<semaphore_mem>>) src(%dma_wait3A_15 : memref<4096x128xf32, #tpu.memory_space<hbm>>) dst(%arg6 : memref<128x128xf32, #tpu.memory_space<vmem>>)
      "tpu.region"() ({
        %run_scoped3A = tpu.sem_alloc : memref<!tpu.dma_semaphore, #tpu.memory_space<semaphore_mem>>
        %dma_start3A_16 = arith.constant 0 : i32
        %dma_start3A_17 = tpu.memref_slice %arg4[%add3A_11, %dma_start3A_16] : memref<81920x128xf32, #tpu.memory_space<hbm>> -> memref<128x128xf32, #tpu.memory_space<hbm>>
        %dma_start3A_18 = arith.constant 0 : i32
        %dma_start3A_19 = tpu.memref_slice %arg4[%add3A_11, %dma_start3A_18] : memref<81920x128xf32, #tpu.memory_space<hbm>> -> memref<128x128xf32, #tpu.memory_space<hbm>>
        tpu.enqueue_dma source(%arg6 : memref<128x128xf32, #tpu.memory_space<vmem>>) target(%dma_start3A_19 : memref<128x128xf32, #tpu.memory_space<hbm>>) target_semaphore(%run_scoped3A : memref<!tpu.dma_semaphore, #tpu.memory_space<semaphore_mem>>)
        %dma_wait3A_20 = arith.constant 0 : i32
        %dma_wait3A_21 = tpu.memref_slice %arg4[%add3A_11, %dma_wait3A_20] : memref<81920x128xf32, #tpu.memory_space<hbm>> -> memref<128x128xf32, #tpu.memory_space<hbm>>
        %dma_wait3A_22 = arith.constant 0 : i32
        %dma_wait3A_23 = tpu.memref_slice %arg4[%add3A_11, %dma_wait3A_22] : memref<81920x128xf32, #tpu.memory_space<hbm>> -> memref<128x128xf32, #tpu.memory_space<hbm>>
        tpu.wait_dma2 semaphore(%run_scoped3A : memref<!tpu.dma_semaphore, #tpu.memory_space<semaphore_mem>>) src(%arg6 : memref<128x128xf32, #tpu.memory_space<vmem>>) dst(%dma_wait3A_23 : memref<128x128xf32, #tpu.memory_space<hbm>>)
        tpu.yield
      }) : () -> ()
    }
    %scan3A_7 = arith.constant 20 : i32
    return
  }
}

#map = affine_map<(d0, d1) -> (0, 0)>
#map1 = affine_map<(d0, d1) -> (0)>
module attributes {stable_mosaic.version = 14 : i64} {
  func.func @gather_kernel(%arg0: i32, %arg1: i32, %arg2: memref<4096x256xf32, #tpu.memory_space<hbm>>, %arg3: memref<81920xi32, #tpu.memory_space<hbm>>, %arg4: memref<81920x256xf32, #tpu.memory_space<hbm>>, %arg5: memref<128xi32, #tpu.memory_space<vmem>>, %arg6: memref<128x256xf32, #tpu.memory_space<vmem>>, %arg7: memref<!tpu.dma_semaphore, #tpu.memory_space<semaphore_mem>>) attributes {dimension_semantics = [#tpu.dimension_semantics<core_parallel>, #tpu.dimension_semantics<subcore_parallel>], iteration_bounds = array<i64: 2, 16>, scalar_prefetch = 0 : i64, scratch_operands = 3 : i64, tpu.core_type = #tpu.core_type<sc_vector_subcore>, window_params = [{transform_indices = #map}, {transform_indices = #map1}, {transform_indices = #map}]} {
    %mul3A = arith.constant 2 : i32
    %mul3A_0 = arith.muli %arg1, %mul3A : i32
    %add3A = arith.addi %mul3A_0, %arg0 : i32
    %mul3A_1 = arith.constant 2560 : i32
    %mul3A_2 = arith.muli %add3A, %mul3A_1 : i32
    %scan3A = arith.constant 0 : i32
    %scan3A_3 = arith.constant 0 : i32
    %scan3A_4 = arith.constant 20 : i32
    %scan3A_5 = arith.addi %scan3A_3, %scan3A_4 : i32
    %scan3A_6 = arith.constant 1 : i32
    scf.for %scan3A_8 = %scan3A_3 to %scan3A_5 step %scan3A_6  : i32 {
      %mul3A_9 = arith.constant 128 : i32
      %mul3A_10 = arith.muli %scan3A_8, %mul3A_9 : i32
      %add3A_11 = arith.addi %mul3A_2, %mul3A_10 : i32
      "tpu.region"() ({
        %run_scoped3A = tpu.sem_alloc : memref<!tpu.dma_semaphore, #tpu.memory_space<semaphore_mem>>
        %dma_start3A_16 = tpu.memref_slice %arg3[%add3A_11] : memref<81920xi32, #tpu.memory_space<hbm>> -> memref<128xi32, #tpu.memory_space<hbm>>
        %dma_start3A_17 = tpu.memref_slice %arg3[%add3A_11] : memref<81920xi32, #tpu.memory_space<hbm>> -> memref<128xi32, #tpu.memory_space<hbm>>
        tpu.enqueue_dma source(%dma_start3A_17 : memref<128xi32, #tpu.memory_space<hbm>>) target(%arg5 : memref<128xi32, #tpu.memory_space<vmem>>) target_semaphore(%run_scoped3A : memref<!tpu.dma_semaphore, #tpu.memory_space<semaphore_mem>>)
        %dma_wait3A_18 = tpu.memref_slice %arg3[%add3A_11] : memref<81920xi32, #tpu.memory_space<hbm>> -> memref<128xi32, #tpu.memory_space<hbm>>
        %dma_wait3A_19 = tpu.memref_slice %arg3[%add3A_11] : memref<81920xi32, #tpu.memory_space<hbm>> -> memref<128xi32, #tpu.memory_space<hbm>>
        tpu.wait_dma2 semaphore(%run_scoped3A : memref<!tpu.dma_semaphore, #tpu.memory_space<semaphore_mem>>) src(%dma_wait3A_19 : memref<128xi32, #tpu.memory_space<hbm>>) dst(%arg5 : memref<128xi32, #tpu.memory_space<vmem>>)
        tpu.yield
      }) : () -> ()
      %dma_start3A = arith.constant 0 : i32
      %dma_start3A_12 = arith.constant 0 : i32
      %dma_start3A_13 = tpu.memref_slice %arg2[%dma_start3A, %dma_start3A_12] : memref<4096x256xf32, #tpu.memory_space<hbm>> -> memref<4096x256xf32, #tpu.memory_space<hbm>>
      tpu.enqueue_indirect_dma source(%dma_start3A_13 : memref<4096x256xf32, #tpu.memory_space<hbm>>) target(%arg6 : memref<128x256xf32, #tpu.memory_space<vmem>>) offsets(%arg5 : memref<128xi32, #tpu.memory_space<vmem>>) semaphore(%arg7 : memref<!tpu.dma_semaphore, #tpu.memory_space<semaphore_mem>>)
      %dma_wait3A = arith.constant 0 : i32
      %dma_wait3A_14 = arith.constant 0 : i32
      %dma_wait3A_15 = tpu.memref_slice %arg2[%dma_wait3A, %dma_wait3A_14] : memref<4096x256xf32, #tpu.memory_space<hbm>> -> memref<4096x256xf32, #tpu.memory_space<hbm>>
      tpu.wait_indirect_dma semaphore(%arg7 : memref<!tpu.dma_semaphore, #tpu.memory_space<semaphore_mem>>) src(%dma_wait3A_15 : memref<4096x256xf32, #tpu.memory_space<hbm>>) dst(%arg6 : memref<128x256xf32, #tpu.memory_space<vmem>>)
      "tpu.region"() ({
        %run_scoped3A = tpu.sem_alloc : memref<!tpu.dma_semaphore, #tpu.memory_space<semaphore_mem>>
        %dma_start3A_16 = arith.constant 0 : i32
        %dma_start3A_17 = tpu.memref_slice %arg4[%add3A_11, %dma_start3A_16] : memref<81920x256xf32, #tpu.memory_space<hbm>> -> memref<128x256xf32, #tpu.memory_space<hbm>>
        %dma_start3A_18 = arith.constant 0 : i32
        %dma_start3A_19 = tpu.memref_slice %arg4[%add3A_11, %dma_start3A_18] : memref<81920x256xf32, #tpu.memory_space<hbm>> -> memref<128x256xf32, #tpu.memory_space<hbm>>
        tpu.enqueue_dma source(%arg6 : memref<128x256xf32, #tpu.memory_space<vmem>>) target(%dma_start3A_19 : memref<128x256xf32, #tpu.memory_space<hbm>>) target_semaphore(%run_scoped3A : memref<!tpu.dma_semaphore, #tpu.memory_space<semaphore_mem>>)
        %dma_wait3A_20 = arith.constant 0 : i32
        %dma_wait3A_21 = tpu.memref_slice %arg4[%add3A_11, %dma_wait3A_20] : memref<81920x256xf32, #tpu.memory_space<hbm>> -> memref<128x256xf32, #tpu.memory_space<hbm>>
        %dma_wait3A_22 = arith.constant 0 : i32
        %dma_wait3A_23 = tpu.memref_slice %arg4[%add3A_11, %dma_wait3A_22] : memref<81920x256xf32, #tpu.memory_space<hbm>> -> memref<128x256xf32, #tpu.memory_space<hbm>>
        tpu.wait_dma2 semaphore(%run_scoped3A : memref<!tpu.dma_semaphore, #tpu.memory_space<semaphore_mem>>) src(%arg6 : memref<128x256xf32, #tpu.memory_space<vmem>>) dst(%dma_wait3A_23 : memref<128x256xf32, #tpu.memory_space<hbm>>)
        tpu.yield
      }) : () -> ()
    }
    %scan3A_7 = arith.constant 20 : i32
    return
  }
}

module attributes {stable_mosaic.version = 14 : i64} {
  func.func @_prep_body(%arg0: memref<4096x3xf32, #tpu.memory_space<vmem>>, %arg1: memref<3x64xf32, #tpu.memory_space<vmem>>, %arg2: memref<3x128xf32, #tpu.memory_space<vmem>>, %arg3: memref<1x64xf32, #tpu.memory_space<vmem>>, %arg4: memref<4096x64xf32, #tpu.memory_space<vmem>>, %arg5: memref<4096x128xf32, #tpu.memory_space<vmem>>, %arg6: memref<4096x1xf32, #tpu.memory_space<vmem>>) attributes {dimension_semantics = [], scalar_prefetch = 0 : i64, scratch_operands = 0 : i64, tpu.core_type = #tpu.core_type<tc>} {
    %get3A = arith.constant 0 : index
    %get3A_0 = arith.constant 0 : index
    %get3A_1 = vector.load %arg0[%get3A, %get3A_0] : memref<4096x3xf32, #tpu.memory_space<vmem>>, vector<4096x3xf32>
    %get3A_2 = arith.constant 0 : index
    %get3A_3 = arith.constant 0 : index
    %get3A_4 = vector.load %arg1[%get3A_2, %get3A_3] : memref<3x64xf32, #tpu.memory_space<vmem>>, vector<3x64xf32>
    %dot_general3A = arith.constant dense<0.000000e+00> : vector<4096x64xf32>
    %dot_general3A_5 = tpu.matmul %get3A_1, %get3A_4, %dot_general3A {dimension_numbers = #tpu.dot_dimension_numbers<[1], [0], [0], [1], [0, 0, 1, 1], [], []>, transpose_lhs_hint = false} : vector<4096x3xf32>, vector<3x64xf32>, vector<4096x64xf32> -> vector<4096x64xf32>
    %get3A_6 = arith.constant 0 : index
    %get3A_7 = arith.constant 0 : index
    %get3A_8 = vector.load %arg3[%get3A_6, %get3A_7] : memref<1x64xf32, #tpu.memory_space<vmem>>, vector<1x64xf32>
    %add3A = vector.broadcast %get3A_8 : vector<1x64xf32> to vector<4096x64xf32>
    %add3A_9 = arith.addf %dot_general3A_5, %add3A : vector<4096x64xf32>
    %swap3A = arith.constant 0 : index
    %swap3A_10 = arith.constant 0 : index
    %swap3A_11 = vector.load %arg4[%swap3A, %swap3A_10] : memref<4096x64xf32, #tpu.memory_space<vmem>>, vector<4096x64xf32>
    tpu.vector_store %arg4[%swap3A, %swap3A_10], %add3A_9 {strides = array<i32>} : memref<4096x64xf32, #tpu.memory_space<vmem>>, vector<4096x64xf32>,
    %get3A_12 = arith.constant 0 : index
    %get3A_13 = arith.constant 0 : index
    %get3A_14 = vector.load %arg2[%get3A_12, %get3A_13] : memref<3x128xf32, #tpu.memory_space<vmem>>, vector<3x128xf32>
    %dot_general3A_15 = arith.constant dense<0.000000e+00> : vector<4096x128xf32>
    %dot_general3A_16 = tpu.matmul %get3A_1, %get3A_14, %dot_general3A_15 {dimension_numbers = #tpu.dot_dimension_numbers<[1], [0], [0], [1], [0, 0, 1, 1], [], []>, transpose_lhs_hint = false} : vector<4096x3xf32>, vector<3x128xf32>, vector<4096x128xf32> -> vector<4096x128xf32>
    %swap3A_17 = arith.constant 0 : index
    %swap3A_18 = arith.constant 0 : index
    %swap3A_19 = vector.load %arg5[%swap3A_17, %swap3A_18] : memref<4096x128xf32, #tpu.memory_space<vmem>>, vector<4096x128xf32>
    tpu.vector_store %arg5[%swap3A_17, %swap3A_18], %dot_general3A_16 {strides = array<i32>} : memref<4096x128xf32, #tpu.memory_space<vmem>>, vector<4096x128xf32>,
    %mul3A = arith.mulf %get3A_1, %get3A_1 : vector<4096x3xf32>
    %reduce_sum3A = arith.constant dense<0.000000e+00> : vector<4096xf32>
    %reduce_sum3A_20 = vector.multi_reduction <add>, %mul3A, %reduce_sum3A [1] : vector<4096x3xf32> to vector<4096xf32>
    %broadcast_in_dim3A = vector.shape_cast %reduce_sum3A_20 : vector<4096xf32> to vector<4096x1xf32>
    %swap3A_21 = arith.constant 0 : index
    %swap3A_22 = arith.constant 0 : index
    %swap3A_23 = vector.load %arg6[%swap3A_21, %swap3A_22] : memref<4096x1xf32, #tpu.memory_space<vmem>>, vector<4096x1xf32>
    tpu.vector_store %arg6[%swap3A_21, %swap3A_22], %broadcast_in_dim3A {strides = array<i32>} : memref<4096x1xf32, #tpu.memory_space<vmem>>, vector<4096x1xf32>,
    return
  }
}

module attributes {stable_mosaic.version = 14 : i64} {
  func.func @_topk_body(%arg0: i32, %arg1: memref<256x3xf32, #tpu.memory_space<vmem>>, %arg2: memref<4096x3xf32, #tpu.memory_space<vmem>>, %arg3: memref<256x1xf32, #tpu.memory_space<vmem>>, %arg4: memref<1x4096xf32, #tpu.memory_space<vmem>>, %arg5: memref<256x1xi32, #tpu.memory_space<vmem>>, %arg6: memref<1x4096xi32, #tpu.memory_space<vmem>>, %arg7: memref<256x20xi32, #tpu.memory_space<vmem>>) attributes {dimension_semantics = [#tpu.dimension_semantics<arbitrary>], iteration_bounds = array<i64: 16>, scalar_prefetch = 0 : i64, scratch_operands = 0 : i64, tpu.core_type = #tpu.core_type<tc>, window_params = [{transform_indices = @transform_0, window_bounds = array<i64: 256, 3>}, {pipeline_mode = #tpu.pipeline_mode<synchronous>, transform_indices = @transform_1, window_bounds = array<i64: 4096, 3>}, {transform_indices = @transform_2, window_bounds = array<i64: 256, 1>}, {pipeline_mode = #tpu.pipeline_mode<synchronous>, transform_indices = @transform_3, window_bounds = array<i64: 1, 4096>}, {transform_indices = @transform_4, window_bounds = array<i64: 256, 1>}, {pipeline_mode = #tpu.pipeline_mode<synchronous>, transform_indices = @transform_5, window_bounds = array<i64: 1, 4096>}, {transform_indices = @transform_6, window_bounds = array<i64: 256, 20>}]} {
    %get3A = arith.constant 0 : index
    %get3A_0 = arith.constant 0 : index
    %get3A_1 = vector.load %arg1[%get3A, %get3A_0] : memref<256x3xf32, #tpu.memory_space<vmem>>, vector<256x3xf32>
    %get3A_2 = arith.constant 0 : index
    %get3A_3 = arith.constant 0 : index
    %get3A_4 = vector.load %arg2[%get3A_2, %get3A_3] : memref<4096x3xf32, #tpu.memory_space<vmem>>, vector<4096x3xf32>
    %dot_general3A = arith.constant dense<0.000000e+00> : vector<256x4096xf32>
    %dot_general3A_5 = tpu.matmul %get3A_1, %get3A_4, %dot_general3A {dimension_numbers = #tpu.dot_dimension_numbers<[1], [1], [0], [0], [0, 0, 1, 0], [], []>, transpose_lhs_hint = false} : vector<256x3xf32>, vector<4096x3xf32>, vector<256x4096xf32> -> vector<256x4096xf32>
    %get3A_6 = arith.constant 0 : index
    %get3A_7 = arith.constant 0 : index
    %get3A_8 = vector.load %arg3[%get3A_6, %get3A_7] : memref<256x1xf32, #tpu.memory_space<vmem>>, vector<256x1xf32>
    %get3A_9 = arith.constant 0 : index
    %get3A_10 = arith.constant 0 : index
    %get3A_11 = vector.load %arg4[%get3A_9, %get3A_10] : memref<1x4096xf32, #tpu.memory_space<vmem>>, vector<1x4096xf32>
    %add3A = vector.broadcast %get3A_8 : vector<256x1xf32> to vector<256x4096xf32>
    %add3A_12 = vector.broadcast %get3A_11 : vector<1x4096xf32> to vector<256x4096xf32>
    %add3A_13 = arith.addf %add3A, %add3A_12 : vector<256x4096xf32>
    %mul3A = arith.constant 2.000000e+00 : f32
    %mul3A_14 = vector.broadcast %mul3A : f32 to vector<256x4096xf32>
    %mul3A_15 = arith.mulf %mul3A_14, %dot_general3A_5 : vector<256x4096xf32>
    %sub3A = arith.subf %add3A_13, %mul3A_15 : vector<256x4096xf32>
    %get3A_16 = arith.constant 0 : index
    %get3A_17 = arith.constant 0 : index
    %get3A_18 = vector.load %arg5[%get3A_16, %get3A_17] : memref<256x1xi32, #tpu.memory_space<vmem>>, vector<256x1xi32>
    %get3A_19 = arith.constant 0 : index
    %get3A_20 = arith.constant 0 : index
    %get3A_21 = vector.load %arg6[%get3A_19, %get3A_20] : memref<1x4096xi32, #tpu.memory_space<vmem>>, vector<1x4096xi32>
    %ne3A = vector.broadcast %get3A_18 : vector<256x1xi32> to vector<256x4096xi32>
    %ne3A_22 = vector.broadcast %get3A_21 : vector<1x4096xi32> to vector<256x4096xi32>
    %ne3A_23 = arith.cmpi ne, %ne3A, %ne3A_22 : vector<256x4096xi32>
    %jit3A = arith.constant 0x7F800000 : f32
    %broadcast_in_dim3A = vector.broadcast %jit3A : f32 to vector<256x4096xf32>
    %select_n3A = arith.select %ne3A_23, %broadcast_in_dim3A, %sub3A : vector<256x4096xi1>, vector<256x4096xf32>
    %iota3A = tpu.iota {dimensions = array<i32: 1>} : vector<256x4096xi32>
    %reduce_min3A = arith.constant dense<0x7F800000> : vector<256xf32>
    %reduce_min3A_24 = vector.multi_reduction <minimumf>, %select_n3A, %reduce_min3A [1] : vector<256x4096xf32> to vector<256xf32>
    %broadcast_in_dim3A_25 = vector.shape_cast %reduce_min3A_24 : vector<256xf32> to vector<256x1xf32>
    %eq3A = vector.broadcast %broadcast_in_dim3A_25 : vector<256x1xf32> to vector<256x4096xf32>
    %eq3A_26 = arith.cmpf oeq, %select_n3A, %eq3A : vector<256x4096xf32>
    %jit3A_27 = arith.constant 4096 : i32
    %broadcast_in_dim3A_28 = vector.broadcast %jit3A_27 : i32 to vector<256x4096xi32>
    %select_n3A_29 = arith.select %eq3A_26, %iota3A, %broadcast_in_dim3A_28 : vector<256x4096xi1>, vector<256x4096xi32>
    %reduce_min3A_30 = arith.constant dense<2147483647> : vector<256xi32>
    %reduce_min3A_31 = vector.multi_reduction <minsi>, %select_n3A_29, %reduce_min3A_30 [1] : vector<256x4096xi32> to vector<256xi32>
    %broadcast_in_dim3A_32 = vector.shape_cast %reduce_min3A_31 : vector<256xi32> to vector<256x1xi32>
    %swap3A = arith.constant 0 : index
    %swap3A_33 = arith.constant 0 : index
    %swap3A_34 = vector.load %arg7[%swap3A, %swap3A_33] : memref<256x20xi32, #tpu.memory_space<vmem>>, vector<256x1xi32>
    tpu.vector_store %arg7[%swap3A, %swap3A_33], %broadcast_in_dim3A_32 {strides = array<i32>} : memref<256x20xi32, #tpu.memory_space<vmem>>, vector<256x1xi32>,
    %eq3A_35 = vector.broadcast %broadcast_in_dim3A_32 : vector<256x1xi32> to vector<256x4096xi32>
    %eq3A_36 = arith.cmpi eq, %iota3A, %eq3A_35 : vector<256x4096xi32>
    %jit3A_37 = arith.constant 0x7F800000 : f32
    %broadcast_in_dim3A_38 = vector.broadcast %jit3A_37 : f32 to vector<256x4096xf32>
    %select_n3A_39 = arith.select %eq3A_36, %broadcast_in_dim3A_38, %select_n3A : vector<256x4096xi1>, vector<256x4096xf32>
    %reduce_min3A_40 = arith.constant dense<0x7F800000> : vector<256xf32>
    %reduce_min3A_41 = vector.multi_reduction <minimumf>, %select_n3A_39, %reduce_min3A_40 [1] : vector<256x4096xf32> to vector<256xf32>
    %broadcast_in_dim3A_42 = vector.shape_cast %reduce_min3A_41 : vector<256xf32> to vector<256x1xf32>
    %eq3A_43 = vector.broadcast %broadcast_in_dim3A_42 : vector<256x1xf32> to vector<256x4096xf32>
    %eq3A_44 = arith.cmpf oeq, %select_n3A_39, %eq3A_43 : vector<256x4096xf32>
    %jit3A_45 = arith.constant 4096 : i32
    %broadcast_in_dim3A_46 = vector.broadcast %jit3A_45 : i32 to vector<256x4096xi32>
    %select_n3A_47 = arith.select %eq3A_44, %iota3A, %broadcast_in_dim3A_46 : vector<256x4096xi1>, vector<256x4096xi32>
    %reduce_min3A_48 = arith.constant dense<2147483647> : vector<256xi32>
    %reduce_min3A_49 = vector.multi_reduction <minsi>, %select_n3A_47, %reduce_min3A_48 [1] : vector<256x4096xi32> to vector<256xi32>
    %broadcast_in_dim3A_50 = vector.shape_cast %reduce_min3A_49 : vector<256xi32> to vector<256x1xi32>
    %swap3A_51 = arith.constant 0 : index
    %swap3A_52 = arith.constant 1 : index
    %swap3A_53 = vector.load %arg7[%swap3A_51, %swap3A_52] : memref<256x20xi32, #tpu.memory_space<vmem>>, vector<256x1xi32>
    tpu.vector_store %arg7[%swap3A_51, %swap3A_52], %broadcast_in_dim3A_50 {strides = array<i32>} : memref<256x20xi32, #tpu.memory_space<vmem>>, vector<256x1xi32>,
    %eq3A_54 = vector.broadcast %broadcast_in_dim3A_50 : vector<256x1xi32> to vector<256x4096xi32>
    %eq3A_55 = arith.cmpi eq, %iota3A, %eq3A_54 : vector<256x4096xi32>
    %jit3A_56 = arith.constant 0x7F800000 : f32
    %broadcast_in_dim3A_57 = vector.broadcast %jit3A_56 : f32 to vector<256x4096xf32>
    %select_n3A_58 = arith.select %eq3A_55, %broadcast_in_dim3A_57, %select_n3A_39 : vector<256x4096xi1>, vector<256x4096xf32>
    %reduce_min3A_59 = arith.constant dense<0x7F800000> : vector<256xf32>
    %reduce_min3A_60 = vector.multi_reduction <minimumf>, %select_n3A_58, %reduce_min3A_59 [1] : vector<256x4096xf32> to vector<256xf32>
    %broadcast_in_dim3A_61 = vector.shape_cast %reduce_min3A_60 : vector<256xf32> to vector<256x1xf32>
    %eq3A_62 = vector.broadcast %broadcast_in_dim3A_61 : vector<256x1xf32> to vector<256x4096xf32>
    %eq3A_63 = arith.cmpf oeq, %select_n3A_58, %eq3A_62 : vector<256x4096xf32>
    %jit3A_64 = arith.constant 4096 : i32
    %broadcast_in_dim3A_65 = vector.broadcast %jit3A_64 : i32 to vector<256x4096xi32>
    %select_n3A_66 = arith.select %eq3A_63, %iota3A, %broadcast_in_dim3A_65 : vector<256x4096xi1>, vector<256x4096xi32>
    %reduce_min3A_67 = arith.constant dense<2147483647> : vector<256xi32>
    %reduce_min3A_68 = vector.multi_reduction <minsi>, %select_n3A_66, %reduce_min3A_67 [1] : vector<256x4096xi32> to vector<256xi32>
    %broadcast_in_dim3A_69 = vector.shape_cast %reduce_min3A_68 : vector<256xi32> to vector<256x1xi32>
    %swap3A_70 = arith.constant 0 : index
    %swap3A_71 = arith.constant 2 : index
    %swap3A_72 = vector.load %arg7[%swap3A_70, %swap3A_71] : memref<256x20xi32, #tpu.memory_space<vmem>>, vector<256x1xi32>
    tpu.vector_store %arg7[%swap3A_70, %swap3A_71], %broadcast_in_dim3A_69 {strides = array<i32>} : memref<256x20xi32, #tpu.memory_space<vmem>>, vector<256x1xi32>,
    %eq3A_73 = vector.broadcast %broadcast_in_dim3A_69 : vector<256x1xi32> to vector<256x4096xi32>
    %eq3A_74 = arith.cmpi eq, %iota3A, %eq3A_73 : vector<256x4096xi32>
    %jit3A_75 = arith.constant 0x7F800000 : f32
    %broadcast_in_dim3A_76 = vector.broadcast %jit3A_75 : f32 to vector<256x4096xf32>
    %select_n3A_77 = arith.select %eq3A_74, %broadcast_in_dim3A_76, %select_n3A_58 : vector<256x4096xi1>, vector<256x4096xf32>
    %reduce_min3A_78 = arith.constant dense<0x7F800000> : vector<256xf32>
    %reduce_min3A_79 = vector.multi_reduction <minimumf>, %select_n3A_77, %reduce_min3A_78 [1] : vector<256x4096xf32> to vector<256xf32>
    %broadcast_in_dim3A_80 = vector.shape_cast %reduce_min3A_79 : vector<256xf32> to vector<256x1xf32>
    %eq3A_81 = vector.broadcast %broadcast_in_dim3A_80 : vector<256x1xf32> to vector<256x4096xf32>
    %eq3A_82 = arith.cmpf oeq, %select_n3A_77, %eq3A_81 : vector<256x4096xf32>
    %jit3A_83 = arith.constant 4096 : i32
    %broadcast_in_dim3A_84 = vector.broadcast %jit3A_83 : i32 to vector<256x4096xi32>
    %select_n3A_85 = arith.select %eq3A_82, %iota3A, %broadcast_in_dim3A_84 : vector<256x4096xi1>, vector<256x4096xi32>
    %reduce_min3A_86 = arith.constant dense<2147483647> : vector<256xi32>
    %reduce_min3A_87 = vector.multi_reduction <minsi>, %select_n3A_85, %reduce_min3A_86 [1] : vector<256x4096xi32> to vector<256xi32>
    %broadcast_in_dim3A_88 = vector.shape_cast %reduce_min3A_87 : vector<256xi32> to vector<256x1xi32>
    %swap3A_89 = arith.constant 0 : index
    %swap3A_90 = arith.constant 3 : index
    %swap3A_91 = vector.load %arg7[%swap3A_89, %swap3A_90] : memref<256x20xi32, #tpu.memory_space<vmem>>, vector<256x1xi32>
    tpu.vector_store %arg7[%swap3A_89, %swap3A_90], %broadcast_in_dim3A_88 {strides = array<i32>} : memref<256x20xi32, #tpu.memory_space<vmem>>, vector<256x1xi32>,
    %eq3A_92 = vector.broadcast %broadcast_in_dim3A_88 : vector<256x1xi32> to vector<256x4096xi32>
    %eq3A_93 = arith.cmpi eq, %iota3A, %eq3A_92 : vector<256x4096xi32>
    %jit3A_94 = arith.constant 0x7F800000 : f32
    %broadcast_in_dim3A_95 = vector.broadcast %jit3A_94 : f32 to vector<256x4096xf32>
    %select_n3A_96 = arith.select %eq3A_93, %broadcast_in_dim3A_95, %select_n3A_77 : vector<256x4096xi1>, vector<256x4096xf32>
    %reduce_min3A_97 = arith.constant dense<0x7F800000> : vector<256xf32>
    %reduce_min3A_98 = vector.multi_reduction <minimumf>, %select_n3A_96, %reduce_min3A_97 [1] : vector<256x4096xf32> to vector<256xf32>
    %broadcast_in_dim3A_99 = vector.shape_cast %reduce_min3A_98 : vector<256xf32> to vector<256x1xf32>
    %eq3A_100 = vector.broadcast %broadcast_in_dim3A_99 : vector<256x1xf32> to vector<256x4096xf32>
    %eq3A_101 = arith.cmpf oeq, %select_n3A_96, %eq3A_100 : vector<256x4096xf32>
    %jit3A_102 = arith.constant 4096 : i32
    %broadcast_in_dim3A_103 = vector.broadcast %jit3A_102 : i32 to vector<256x4096xi32>
    %select_n3A_104 = arith.select %eq3A_101, %iota3A, %broadcast_in_dim3A_103 : vector<256x4096xi1>, vector<256x4096xi32>
    %reduce_min3A_105 = arith.constant dense<2147483647> : vector<256xi32>
    %reduce_min3A_106 = vector.multi_reduction <minsi>, %select_n3A_104, %reduce_min3A_105 [1] : vector<256x4096xi32> to vector<256xi32>
    %broadcast_in_dim3A_107 = vector.shape_cast %reduce_min3A_106 : vector<256xi32> to vector<256x1xi32>
    %swap3A_108 = arith.constant 0 : index
    %swap3A_109 = arith.constant 4 : index
    %swap3A_110 = vector.load %arg7[%swap3A_108, %swap3A_109] : memref<256x20xi32, #tpu.memory_space<vmem>>, vector<256x1xi32>
    tpu.vector_store %arg7[%swap3A_108, %swap3A_109], %broadcast_in_dim3A_107 {strides = array<i32>} : memref<256x20xi32, #tpu.memory_space<vmem>>, vector<256x1xi32>,
    %eq3A_111 = vector.broadcast %broadcast_in_dim3A_107 : vector<256x1xi32> to vector<256x4096xi32>
    %eq3A_112 = arith.cmpi eq, %iota3A, %eq3A_111 : vector<256x4096xi32>
    %jit3A_113 = arith.constant 0x7F800000 : f32
    %broadcast_in_dim3A_114 = vector.broadcast %jit3A_113 : f32 to vector<256x4096xf32>
    %select_n3A_115 = arith.select %eq3A_112, %broadcast_in_dim3A_114, %select_n3A_96 : vector<256x4096xi1>, vector<256x4096xf32>
    %reduce_min3A_116 = arith.constant dense<0x7F800000> : vector<256xf32>
    %reduce_min3A_117 = vector.multi_reduction <minimumf>, %select_n3A_115, %reduce_min3A_116 [1] : vector<256x4096xf32> to vector<256xf32>
    %broadcast_in_dim3A_118 = vector.shape_cast %reduce_min3A_117 : vector<256xf32> to vector<256x1xf32>
    %eq3A_119 = vector.broadcast %broadcast_in_dim3A_118 : vector<256x1xf32> to vector<256x4096xf32>
    %eq3A_120 = arith.cmpf oeq, %select_n3A_115, %eq3A_119 : vector<256x4096xf32>
    %jit3A_121 = arith.constant 4096 : i32
    %broadcast_in_dim3A_122 = vector.broadcast %jit3A_121 : i32 to vector<256x4096xi32>
    %select_n3A_123 = arith.select %eq3A_120, %iota3A, %broadcast_in_dim3A_122 : vector<256x4096xi1>, vector<256x4096xi32>
    %reduce_min3A_124 = arith.constant dense<2147483647> : vector<256xi32>
    %reduce_min3A_125 = vector.multi_reduction <minsi>, %select_n3A_123, %reduce_min3A_124 [1] : vector<256x4096xi32> to vector<256xi32>
    %broadcast_in_dim3A_126 = vector.shape_cast %reduce_min3A_125 : vector<256xi32> to vector<256x1xi32>
    %swap3A_127 = arith.constant 0 : index
    %swap3A_128 = arith.constant 5 : index
    %swap3A_129 = vector.load %arg7[%swap3A_127, %swap3A_128] : memref<256x20xi32, #tpu.memory_space<vmem>>, vector<256x1xi32>
    tpu.vector_store %arg7[%swap3A_127, %swap3A_128], %broadcast_in_dim3A_126 {strides = array<i32>} : memref<256x20xi32, #tpu.memory_space<vmem>>, vector<256x1xi32>,
    %eq3A_130 = vector.broadcast %broadcast_in_dim3A_126 : vector<256x1xi32> to vector<256x4096xi32>
    %eq3A_131 = arith.cmpi eq, %iota3A, %eq3A_130 : vector<256x4096xi32>
    %jit3A_132 = arith.constant 0x7F800000 : f32
    %broadcast_in_dim3A_133 = vector.broadcast %jit3A_132 : f32 to vector<256x4096xf32>
    %select_n3A_134 = arith.select %eq3A_131, %broadcast_in_dim3A_133, %select_n3A_115 : vector<256x4096xi1>, vector<256x4096xf32>
    %reduce_min3A_135 = arith.constant dense<0x7F800000> : vector<256xf32>
    %reduce_min3A_136 = vector.multi_reduction <minimumf>, %select_n3A_134, %reduce_min3A_135 [1] : vector<256x4096xf32> to vector<256xf32>
    %broadcast_in_dim3A_137 = vector.shape_cast %reduce_min3A_136 : vector<256xf32> to vector<256x1xf32>
    %eq3A_138 = vector.broadcast %broadcast_in_dim3A_137 : vector<256x1xf32> to vector<256x4096xf32>
    %eq3A_139 = arith.cmpf oeq, %select_n3A_134, %eq3A_138 : vector<256x4096xf32>
    %jit3A_140 = arith.constant 4096 : i32
    %broadcast_in_dim3A_141 = vector.broadcast %jit3A_140 : i32 to vector<256x4096xi32>
    %select_n3A_142 = arith.select %eq3A_139, %iota3A, %broadcast_in_dim3A_141 : vector<256x4096xi1>, vector<256x4096xi32>
    %reduce_min3A_143 = arith.constant dense<2147483647> : vector<256xi32>
    %reduce_min3A_144 = vector.multi_reduction <minsi>, %select_n3A_142, %reduce_min3A_143 [1] : vector<256x4096xi32> to vector<256xi32>
    %broadcast_in_dim3A_145 = vector.shape_cast %reduce_min3A_144 : vector<256xi32> to vector<256x1xi32>
    %swap3A_146 = arith.constant 0 : index
    %swap3A_147 = arith.constant 6 : index
    %swap3A_148 = vector.load %arg7[%swap3A_146, %swap3A_147] : memref<256x20xi32, #tpu.memory_space<vmem>>, vector<256x1xi32>
    tpu.vector_store %arg7[%swap3A_146, %swap3A_147], %broadcast_in_dim3A_145 {strides = array<i32>} : memref<256x20xi32, #tpu.memory_space<vmem>>, vector<256x1xi32>,
    %eq3A_149 = vector.broadcast %broadcast_in_dim3A_145 : vector<256x1xi32> to vector<256x4096xi32>
    %eq3A_150 = arith.cmpi eq, %iota3A, %eq3A_149 : vector<256x4096xi32>
    %jit3A_151 = arith.constant 0x7F800000 : f32
    %broadcast_in_dim3A_152 = vector.broadcast %jit3A_151 : f32 to vector<256x4096xf32>
    %select_n3A_153 = arith.select %eq3A_150, %broadcast_in_dim3A_152, %select_n3A_134 : vector<256x4096xi1>, vector<256x4096xf32>
    %reduce_min3A_154 = arith.constant dense<0x7F800000> : vector<256xf32>
    %reduce_min3A_155 = vector.multi_reduction <minimumf>, %select_n3A_153, %reduce_min3A_154 [1] : vector<256x4096xf32> to vector<256xf32>
    %broadcast_in_dim3A_156 = vector.shape_cast %reduce_min3A_155 : vector<256xf32> to vector<256x1xf32>
    %eq3A_157 = vector.broadcast %broadcast_in_dim3A_156 : vector<256x1xf32> to vector<256x4096xf32>
    %eq3A_158 = arith.cmpf oeq, %select_n3A_153, %eq3A_157 : vector<256x4096xf32>
    %jit3A_159 = arith.constant 4096 : i32
    %broadcast_in_dim3A_160 = vector.broadcast %jit3A_159 : i32 to vector<256x4096xi32>
    %select_n3A_161 = arith.select %eq3A_158, %iota3A, %broadcast_in_dim3A_160 : vector<256x4096xi1>, vector<256x4096xi32>
    %reduce_min3A_162 = arith.constant dense<2147483647> : vector<256xi32>
    %reduce_min3A_163 = vector.multi_reduction <minsi>, %select_n3A_161, %reduce_min3A_162 [1] : vector<256x4096xi32> to vector<256xi32>
    %broadcast_in_dim3A_164 = vector.shape_cast %reduce_min3A_163 : vector<256xi32> to vector<256x1xi32>
    %swap3A_165 = arith.constant 0 : index
    %swap3A_166 = arith.constant 7 : index
    %swap3A_167 = vector.load %arg7[%swap3A_165, %swap3A_166] : memref<256x20xi32, #tpu.memory_space<vmem>>, vector<256x1xi32>
    tpu.vector_store %arg7[%swap3A_165, %swap3A_166], %broadcast_in_dim3A_164 {strides = array<i32>} : memref<256x20xi32, #tpu.memory_space<vmem>>, vector<256x1xi32>,
    %eq3A_168 = vector.broadcast %broadcast_in_dim3A_164 : vector<256x1xi32> to vector<256x4096xi32>
    %eq3A_169 = arith.cmpi eq, %iota3A, %eq3A_168 : vector<256x4096xi32>
    %jit3A_170 = arith.constant 0x7F800000 : f32
    %broadcast_in_dim3A_171 = vector.broadcast %jit3A_170 : f32 to vector<256x4096xf32>
    %select_n3A_172 = arith.select %eq3A_169, %broadcast_in_dim3A_171, %select_n3A_153 : vector<256x4096xi1>, vector<256x4096xf32>
    %reduce_min3A_173 = arith.constant dense<0x7F800000> : vector<256xf32>
    %reduce_min3A_174 = vector.multi_reduction <minimumf>, %select_n3A_172, %reduce_min3A_173 [1] : vector<256x4096xf32> to vector<256xf32>
    %broadcast_in_dim3A_175 = vector.shape_cast %reduce_min3A_174 : vector<256xf32> to vector<256x1xf32>
    %eq3A_176 = vector.broadcast %broadcast_in_dim3A_175 : vector<256x1xf32> to vector<256x4096xf32>
    %eq3A_177 = arith.cmpf oeq, %select_n3A_172, %eq3A_176 : vector<256x4096xf32>
    %jit3A_178 = arith.constant 4096 : i32
    %broadcast_in_dim3A_179 = vector.broadcast %jit3A_178 : i32 to vector<256x4096xi32>
    %select_n3A_180 = arith.select %eq3A_177, %iota3A, %broadcast_in_dim3A_179 : vector<256x4096xi1>, vector<256x4096xi32>
    %reduce_min3A_181 = arith.constant dense<2147483647> : vector<256xi32>
    %reduce_min3A_182 = vector.multi_reduction <minsi>, %select_n3A_180, %reduce_min3A_181 [1] : vector<256x4096xi32> to vector<256xi32>
    %broadcast_in_dim3A_183 = vector.shape_cast %reduce_min3A_182 : vector<256xi32> to vector<256x1xi32>
    %swap3A_184 = arith.constant 0 : index
    %swap3A_185 = arith.constant 8 : index
    %swap3A_186 = vector.load %arg7[%swap3A_184, %swap3A_185] : memref<256x20xi32, #tpu.memory_space<vmem>>, vector<256x1xi32>
    tpu.vector_store %arg7[%swap3A_184, %swap3A_185], %broadcast_in_dim3A_183 {strides = array<i32>} : memref<256x20xi32, #tpu.memory_space<vmem>>, vector<256x1xi32>,
    %eq3A_187 = vector.broadcast %broadcast_in_dim3A_183 : vector<256x1xi32> to vector<256x4096xi32>
    %eq3A_188 = arith.cmpi eq, %iota3A, %eq3A_187 : vector<256x4096xi32>
    %jit3A_189 = arith.constant 0x7F800000 : f32
    %broadcast_in_dim3A_190 = vector.broadcast %jit3A_189 : f32 to vector<256x4096xf32>
    %select_n3A_191 = arith.select %eq3A_188, %broadcast_in_dim3A_190, %select_n3A_172 : vector<256x4096xi1>, vector<256x4096xf32>
    %reduce_min3A_192 = arith.constant dense<0x7F800000> : vector<256xf32>
    %reduce_min3A_193 = vector.multi_reduction <minimumf>, %select_n3A_191, %reduce_min3A_192 [1] : vector<256x4096xf32> to vector<256xf32>
    %broadcast_in_dim3A_194 = vector.shape_cast %reduce_min3A_193 : vector<256xf32> to vector<256x1xf32>
    %eq3A_195 = vector.broadcast %broadcast_in_dim3A_194 : vector<256x1xf32> to vector<256x4096xf32>
    %eq3A_196 = arith.cmpf oeq, %select_n3A_191, %eq3A_195 : vector<256x4096xf32>
    %jit3A_197 = arith.constant 4096 : i32
    %broadcast_in_dim3A_198 = vector.broadcast %jit3A_197 : i32 to vector<256x4096xi32>
    %select_n3A_199 = arith.select %eq3A_196, %iota3A, %broadcast_in_dim3A_198 : vector<256x4096xi1>, vector<256x4096xi32>
    %reduce_min3A_200 = arith.constant dense<2147483647> : vector<256xi32>
    %reduce_min3A_201 = vector.multi_reduction <minsi>, %select_n3A_199, %reduce_min3A_200 [1] : vector<256x4096xi32> to vector<256xi32>
    %broadcast_in_dim3A_202 = vector.shape_cast %reduce_min3A_201 : vector<256xi32> to vector<256x1xi32>
    %swap3A_203 = arith.constant 0 : index
    %swap3A_204 = arith.constant 9 : index
    %swap3A_205 = vector.load %arg7[%swap3A_203, %swap3A_204] : memref<256x20xi32, #tpu.memory_space<vmem>>, vector<256x1xi32>
    tpu.vector_store %arg7[%swap3A_203, %swap3A_204], %broadcast_in_dim3A_202 {strides = array<i32>} : memref<256x20xi32, #tpu.memory_space<vmem>>, vector<256x1xi32>,
    %eq3A_206 = vector.broadcast %broadcast_in_dim3A_202 : vector<256x1xi32> to vector<256x4096xi32>
    %eq3A_207 = arith.cmpi eq, %iota3A, %eq3A_206 : vector<256x4096xi32>
    %jit3A_208 = arith.constant 0x7F800000 : f32
    %broadcast_in_dim3A_209 = vector.broadcast %jit3A_208 : f32 to vector<256x4096xf32>
    %select_n3A_210 = arith.select %eq3A_207, %broadcast_in_dim3A_209, %select_n3A_191 : vector<256x4096xi1>, vector<256x4096xf32>
    %reduce_min3A_211 = arith.constant dense<0x7F800000> : vector<256xf32>
    %reduce_min3A_212 = vector.multi_reduction <minimumf>, %select_n3A_210, %reduce_min3A_211 [1] : vector<256x4096xf32> to vector<256xf32>
    %broadcast_in_dim3A_213 = vector.shape_cast %reduce_min3A_212 : vector<256xf32> to vector<256x1xf32>
    %eq3A_214 = vector.broadcast %broadcast_in_dim3A_213 : vector<256x1xf32> to vector<256x4096xf32>
    %eq3A_215 = arith.cmpf oeq, %select_n3A_210, %eq3A_214 : vector<256x4096xf32>
    %jit3A_216 = arith.constant 4096 : i32
    %broadcast_in_dim3A_217 = vector.broadcast %jit3A_216 : i32 to vector<256x4096xi32>
    %select_n3A_218 = arith.select %eq3A_215, %iota3A, %broadcast_in_dim3A_217 : vector<256x4096xi1>, vector<256x4096xi32>
    %reduce_min3A_219 = arith.constant dense<2147483647> : vector<256xi32>
    %reduce_min3A_220 = vector.multi_reduction <minsi>, %select_n3A_218, %reduce_min3A_219 [1] : vector<256x4096xi32> to vector<256xi32>
    %broadcast_in_dim3A_221 = vector.shape_cast %reduce_min3A_220 : vector<256xi32> to vector<256x1xi32>
    %swap3A_222 = arith.constant 0 : index
    %swap3A_223 = arith.constant 10 : index
    %swap3A_224 = vector.load %arg7[%swap3A_222, %swap3A_223] : memref<256x20xi32, #tpu.memory_space<vmem>>, vector<256x1xi32>
    tpu.vector_store %arg7[%swap3A_222, %swap3A_223], %broadcast_in_dim3A_221 {strides = array<i32>} : memref<256x20xi32, #tpu.memory_space<vmem>>, vector<256x1xi32>,
    %eq3A_225 = vector.broadcast %broadcast_in_dim3A_221 : vector<256x1xi32> to vector<256x4096xi32>
    %eq3A_226 = arith.cmpi eq, %iota3A, %eq3A_225 : vector<256x4096xi32>
    %jit3A_227 = arith.constant 0x7F800000 : f32
    %broadcast_in_dim3A_228 = vector.broadcast %jit3A_227 : f32 to vector<256x4096xf32>
    %select_n3A_229 = arith.select %eq3A_226, %broadcast_in_dim3A_228, %select_n3A_210 : vector<256x4096xi1>, vector<256x4096xf32>
    %reduce_min3A_230 = arith.constant dense<0x7F800000> : vector<256xf32>
    %reduce_min3A_231 = vector.multi_reduction <minimumf>, %select_n3A_229, %reduce_min3A_230 [1] : vector<256x4096xf32> to vector<256xf32>
    %broadcast_in_dim3A_232 = vector.shape_cast %reduce_min3A_231 : vector<256xf32> to vector<256x1xf32>
    %eq3A_233 = vector.broadcast %broadcast_in_dim3A_232 : vector<256x1xf32> to vector<256x4096xf32>
    %eq3A_234 = arith.cmpf oeq, %select_n3A_229, %eq3A_233 : vector<256x4096xf32>
    %jit3A_235 = arith.constant 4096 : i32
    %broadcast_in_dim3A_236 = vector.broadcast %jit3A_235 : i32 to vector<256x4096xi32>
    %select_n3A_237 = arith.select %eq3A_234, %iota3A, %broadcast_in_dim3A_236 : vector<256x4096xi1>, vector<256x4096xi32>
    %reduce_min3A_238 = arith.constant dense<2147483647> : vector<256xi32>
    %reduce_min3A_239 = vector.multi_reduction <minsi>, %select_n3A_237, %reduce_min3A_238 [1] : vector<256x4096xi32> to vector<256xi32>
    %broadcast_in_dim3A_240 = vector.shape_cast %reduce_min3A_239 : vector<256xi32> to vector<256x1xi32>
    %swap3A_241 = arith.constant 0 : index
    %swap3A_242 = arith.constant 11 : index
    %swap3A_243 = vector.load %arg7[%swap3A_241, %swap3A_242] : memref<256x20xi32, #tpu.memory_space<vmem>>, vector<256x1xi32>
    tpu.vector_store %arg7[%swap3A_241, %swap3A_242], %broadcast_in_dim3A_240 {strides = array<i32>} : memref<256x20xi32, #tpu.memory_space<vmem>>, vector<256x1xi32>,
    %eq3A_244 = vector.broadcast %broadcast_in_dim3A_240 : vector<256x1xi32> to vector<256x4096xi32>
    %eq3A_245 = arith.cmpi eq, %iota3A, %eq3A_244 : vector<256x4096xi32>
    %jit3A_246 = arith.constant 0x7F800000 : f32
    %broadcast_in_dim3A_247 = vector.broadcast %jit3A_246 : f32 to vector<256x4096xf32>
    %select_n3A_248 = arith.select %eq3A_245, %broadcast_in_dim3A_247, %select_n3A_229 : vector<256x4096xi1>, vector<256x4096xf32>
    %reduce_min3A_249 = arith.constant dense<0x7F800000> : vector<256xf32>
    %reduce_min3A_250 = vector.multi_reduction <minimumf>, %select_n3A_248, %reduce_min3A_249 [1] : vector<256x4096xf32> to vector<256xf32>
    %broadcast_in_dim3A_251 = vector.shape_cast %reduce_min3A_250 : vector<256xf32> to vector<256x1xf32>
    %eq3A_252 = vector.broadcast %broadcast_in_dim3A_251 : vector<256x1xf32> to vector<256x4096xf32>
    %eq3A_253 = arith.cmpf oeq, %select_n3A_248, %eq3A_252 : vector<256x4096xf32>
    %jit3A_254 = arith.constant 4096 : i32
    %broadcast_in_dim3A_255 = vector.broadcast %jit3A_254 : i32 to vector<256x4096xi32>
    %select_n3A_256 = arith.select %eq3A_253, %iota3A, %broadcast_in_dim3A_255 : vector<256x4096xi1>, vector<256x4096xi32>
    %reduce_min3A_257 = arith.constant dense<2147483647> : vector<256xi32>
    %reduce_min3A_258 = vector.multi_reduction <minsi>, %select_n3A_256, %reduce_min3A_257 [1] : vector<256x4096xi32> to vector<256xi32>
    %broadcast_in_dim3A_259 = vector.shape_cast %reduce_min3A_258 : vector<256xi32> to vector<256x1xi32>
    %swap3A_260 = arith.constant 0 : index
    %swap3A_261 = arith.constant 12 : index
    %swap3A_262 = vector.load %arg7[%swap3A_260, %swap3A_261] : memref<256x20xi32, #tpu.memory_space<vmem>>, vector<256x1xi32>
    tpu.vector_store %arg7[%swap3A_260, %swap3A_261], %broadcast_in_dim3A_259 {strides = array<i32>} : memref<256x20xi32, #tpu.memory_space<vmem>>, vector<256x1xi32>,
    %eq3A_263 = vector.broadcast %broadcast_in_dim3A_259 : vector<256x1xi32> to vector<256x4096xi32>
    %eq3A_264 = arith.cmpi eq, %iota3A, %eq3A_263 : vector<256x4096xi32>
    %jit3A_265 = arith.constant 0x7F800000 : f32
    %broadcast_in_dim3A_266 = vector.broadcast %jit3A_265 : f32 to vector<256x4096xf32>
    %select_n3A_267 = arith.select %eq3A_264, %broadcast_in_dim3A_266, %select_n3A_248 : vector<256x4096xi1>, vector<256x4096xf32>
    %reduce_min3A_268 = arith.constant dense<0x7F800000> : vector<256xf32>
    %reduce_min3A_269 = vector.multi_reduction <minimumf>, %select_n3A_267, %reduce_min3A_268 [1] : vector<256x4096xf32> to vector<256xf32>
    %broadcast_in_dim3A_270 = vector.shape_cast %reduce_min3A_269 : vector<256xf32> to vector<256x1xf32>
    %eq3A_271 = vector.broadcast %broadcast_in_dim3A_270 : vector<256x1xf32> to vector<256x4096xf32>
    %eq3A_272 = arith.cmpf oeq, %select_n3A_267, %eq3A_271 : vector<256x4096xf32>
    %jit3A_273 = arith.constant 4096 : i32
    %broadcast_in_dim3A_274 = vector.broadcast %jit3A_273 : i32 to vector<256x4096xi32>
    %select_n3A_275 = arith.select %eq3A_272, %iota3A, %broadcast_in_dim3A_274 : vector<256x4096xi1>, vector<256x4096xi32>
    %reduce_min3A_276 = arith.constant dense<2147483647> : vector<256xi32>
    %reduce_min3A_277 = vector.multi_reduction <minsi>, %select_n3A_275, %reduce_min3A_276 [1] : vector<256x4096xi32> to vector<256xi32>
    %broadcast_in_dim3A_278 = vector.shape_cast %reduce_min3A_277 : vector<256xi32> to vector<256x1xi32>
    %swap3A_279 = arith.constant 0 : index
    %swap3A_280 = arith.constant 13 : index
    %swap3A_281 = vector.load %arg7[%swap3A_279, %swap3A_280] : memref<256x20xi32, #tpu.memory_space<vmem>>, vector<256x1xi32>
    tpu.vector_store %arg7[%swap3A_279, %swap3A_280], %broadcast_in_dim3A_278 {strides = array<i32>} : memref<256x20xi32, #tpu.memory_space<vmem>>, vector<256x1xi32>,
    %eq3A_282 = vector.broadcast %broadcast_in_dim3A_278 : vector<256x1xi32> to vector<256x4096xi32>
    %eq3A_283 = arith.cmpi eq, %iota3A, %eq3A_282 : vector<256x4096xi32>
    %jit3A_284 = arith.constant 0x7F800000 : f32
    %broadcast_in_dim3A_285 = vector.broadcast %jit3A_284 : f32 to vector<256x4096xf32>
    %select_n3A_286 = arith.select %eq3A_283, %broadcast_in_dim3A_285, %select_n3A_267 : vector<256x4096xi1>, vector<256x4096xf32>
    %reduce_min3A_287 = arith.constant dense<0x7F800000> : vector<256xf32>
    %reduce_min3A_288 = vector.multi_reduction <minimumf>, %select_n3A_286, %reduce_min3A_287 [1] : vector<256x4096xf32> to vector<256xf32>
    %broadcast_in_dim3A_289 = vector.shape_cast %reduce_min3A_288 : vector<256xf32> to vector<256x1xf32>
    %eq3A_290 = vector.broadcast %broadcast_in_dim3A_289 : vector<256x1xf32> to vector<256x4096xf32>
    %eq3A_291 = arith.cmpf oeq, %select_n3A_286, %eq3A_290 : vector<256x4096xf32>
    %jit3A_292 = arith.constant 4096 : i32
    %broadcast_in_dim3A_293 = vector.broadcast %jit3A_292 : i32 to vector<256x4096xi32>
    %select_n3A_294 = arith.select %eq3A_291, %iota3A, %broadcast_in_dim3A_293 : vector<256x4096xi1>, vector<256x4096xi32>
    %reduce_min3A_295 = arith.constant dense<2147483647> : vector<256xi32>
    %reduce_min3A_296 = vector.multi_reduction <minsi>, %select_n3A_294, %reduce_min3A_295 [1] : vector<256x4096xi32> to vector<256xi32>
    %broadcast_in_dim3A_297 = vector.shape_cast %reduce_min3A_296 : vector<256xi32> to vector<256x1xi32>
    %swap3A_298 = arith.constant 0 : index
    %swap3A_299 = arith.constant 14 : index
    %swap3A_300 = vector.load %arg7[%swap3A_298, %swap3A_299] : memref<256x20xi32, #tpu.memory_space<vmem>>, vector<256x1xi32>
    tpu.vector_store %arg7[%swap3A_298, %swap3A_299], %broadcast_in_dim3A_297 {strides = array<i32>} : memref<256x20xi32, #tpu.memory_space<vmem>>, vector<256x1xi32>,
    %eq3A_301 = vector.broadcast %broadcast_in_dim3A_297 : vector<256x1xi32> to vector<256x4096xi32>
    %eq3A_302 = arith.cmpi eq, %iota3A, %eq3A_301 : vector<256x4096xi32>
    %jit3A_303 = arith.constant 0x7F800000 : f32
    %broadcast_in_dim3A_304 = vector.broadcast %jit3A_303 : f32 to vector<256x4096xf32>
    %select_n3A_305 = arith.select %eq3A_302, %broadcast_in_dim3A_304, %select_n3A_286 : vector<256x4096xi1>, vector<256x4096xf32>
    %reduce_min3A_306 = arith.constant dense<0x7F800000> : vector<256xf32>
    %reduce_min3A_307 = vector.multi_reduction <minimumf>, %select_n3A_305, %reduce_min3A_306 [1] : vector<256x4096xf32> to vector<256xf32>
    %broadcast_in_dim3A_308 = vector.shape_cast %reduce_min3A_307 : vector<256xf32> to vector<256x1xf32>
    %eq3A_309 = vector.broadcast %broadcast_in_dim3A_308 : vector<256x1xf32> to vector<256x4096xf32>
    %eq3A_310 = arith.cmpf oeq, %select_n3A_305, %eq3A_309 : vector<256x4096xf32>
    %jit3A_311 = arith.constant 4096 : i32
    %broadcast_in_dim3A_312 = vector.broadcast %jit3A_311 : i32 to vector<256x4096xi32>
    %select_n3A_313 = arith.select %eq3A_310, %iota3A, %broadcast_in_dim3A_312 : vector<256x4096xi1>, vector<256x4096xi32>
    %reduce_min3A_314 = arith.constant dense<2147483647> : vector<256xi32>
    %reduce_min3A_315 = vector.multi_reduction <minsi>, %select_n3A_313, %reduce_min3A_314 [1] : vector<256x4096xi32> to vector<256xi32>
    %broadcast_in_dim3A_316 = vector.shape_cast %reduce_min3A_315 : vector<256xi32> to vector<256x1xi32>
    %swap3A_317 = arith.constant 0 : index
    %swap3A_318 = arith.constant 15 : index
    %swap3A_319 = vector.load %arg7[%swap3A_317, %swap3A_318] : memref<256x20xi32, #tpu.memory_space<vmem>>, vector<256x1xi32>
    tpu.vector_store %arg7[%swap3A_317, %swap3A_318], %broadcast_in_dim3A_316 {strides = array<i32>} : memref<256x20xi32, #tpu.memory_space<vmem>>, vector<256x1xi32>,
    %eq3A_320 = vector.broadcast %broadcast_in_dim3A_316 : vector<256x1xi32> to vector<256x4096xi32>
    %eq3A_321 = arith.cmpi eq, %iota3A, %eq3A_320 : vector<256x4096xi32>
    %jit3A_322 = arith.constant 0x7F800000 : f32
    %broadcast_in_dim3A_323 = vector.broadcast %jit3A_322 : f32 to vector<256x4096xf32>
    %select_n3A_324 = arith.select %eq3A_321, %broadcast_in_dim3A_323, %select_n3A_305 : vector<256x4096xi1>, vector<256x4096xf32>
    %reduce_min3A_325 = arith.constant dense<0x7F800000> : vector<256xf32>
    %reduce_min3A_326 = vector.multi_reduction <minimumf>, %select_n3A_324, %reduce_min3A_325 [1] : vector<256x4096xf32> to vector<256xf32>
    %broadcast_in_dim3A_327 = vector.shape_cast %reduce_min3A_326 : vector<256xf32> to vector<256x1xf32>
    %eq3A_328 = vector.broadcast %broadcast_in_dim3A_327 : vector<256x1xf32> to vector<256x4096xf32>
    %eq3A_329 = arith.cmpf oeq, %select_n3A_324, %eq3A_328 : vector<256x4096xf32>
    %jit3A_330 = arith.constant 4096 : i32
    %broadcast_in_dim3A_331 = vector.broadcast %jit3A_330 : i32 to vector<256x4096xi32>
    %select_n3A_332 = arith.select %eq3A_329, %iota3A, %broadcast_in_dim3A_331 : vector<256x4096xi1>, vector<256x4096xi32>
    %reduce_min3A_333 = arith.constant dense<2147483647> : vector<256xi32>
    %reduce_min3A_334 = vector.multi_reduction <minsi>, %select_n3A_332, %reduce_min3A_333 [1] : vector<256x4096xi32> to vector<256xi32>
    %broadcast_in_dim3A_335 = vector.shape_cast %reduce_min3A_334 : vector<256xi32> to vector<256x1xi32>
    %swap3A_336 = arith.constant 0 : index
    %swap3A_337 = arith.constant 16 : index
    %swap3A_338 = vector.load %arg7[%swap3A_336, %swap3A_337] : memref<256x20xi32, #tpu.memory_space<vmem>>, vector<256x1xi32>
    tpu.vector_store %arg7[%swap3A_336, %swap3A_337], %broadcast_in_dim3A_335 {strides = array<i32>} : memref<256x20xi32, #tpu.memory_space<vmem>>, vector<256x1xi32>,
    %eq3A_339 = vector.broadcast %broadcast_in_dim3A_335 : vector<256x1xi32> to vector<256x4096xi32>
    %eq3A_340 = arith.cmpi eq, %iota3A, %eq3A_339 : vector<256x4096xi32>
    %jit3A_341 = arith.constant 0x7F800000 : f32
    %broadcast_in_dim3A_342 = vector.broadcast %jit3A_341 : f32 to vector<256x4096xf32>
    %select_n3A_343 = arith.select %eq3A_340, %broadcast_in_dim3A_342, %select_n3A_324 : vector<256x4096xi1>, vector<256x4096xf32>
    %reduce_min3A_344 = arith.constant dense<0x7F800000> : vector<256xf32>
    %reduce_min3A_345 = vector.multi_reduction <minimumf>, %select_n3A_343, %reduce_min3A_344 [1] : vector<256x4096xf32> to vector<256xf32>
    %broadcast_in_dim3A_346 = vector.shape_cast %reduce_min3A_345 : vector<256xf32> to vector<256x1xf32>
    %eq3A_347 = vector.broadcast %broadcast_in_dim3A_346 : vector<256x1xf32> to vector<256x4096xf32>
    %eq3A_348 = arith.cmpf oeq, %select_n3A_343, %eq3A_347 : vector<256x4096xf32>
    %jit3A_349 = arith.constant 4096 : i32
    %broadcast_in_dim3A_350 = vector.broadcast %jit3A_349 : i32 to vector<256x4096xi32>
    %select_n3A_351 = arith.select %eq3A_348, %iota3A, %broadcast_in_dim3A_350 : vector<256x4096xi1>, vector<256x4096xi32>
    %reduce_min3A_352 = arith.constant dense<2147483647> : vector<256xi32>
    %reduce_min3A_353 = vector.multi_reduction <minsi>, %select_n3A_351, %reduce_min3A_352 [1] : vector<256x4096xi32> to vector<256xi32>
    %broadcast_in_dim3A_354 = vector.shape_cast %reduce_min3A_353 : vector<256xi32> to vector<256x1xi32>
    %swap3A_355 = arith.constant 0 : index
    %swap3A_356 = arith.constant 17 : index
    %swap3A_357 = vector.load %arg7[%swap3A_355, %swap3A_356] : memref<256x20xi32, #tpu.memory_space<vmem>>, vector<256x1xi32>
    tpu.vector_store %arg7[%swap3A_355, %swap3A_356], %broadcast_in_dim3A_354 {strides = array<i32>} : memref<256x20xi32, #tpu.memory_space<vmem>>, vector<256x1xi32>,
    %eq3A_358 = vector.broadcast %broadcast_in_dim3A_354 : vector<256x1xi32> to vector<256x4096xi32>
    %eq3A_359 = arith.cmpi eq, %iota3A, %eq3A_358 : vector<256x4096xi32>
    %jit3A_360 = arith.constant 0x7F800000 : f32
    %broadcast_in_dim3A_361 = vector.broadcast %jit3A_360 : f32 to vector<256x4096xf32>
    %select_n3A_362 = arith.select %eq3A_359, %broadcast_in_dim3A_361, %select_n3A_343 : vector<256x4096xi1>, vector<256x4096xf32>
    %reduce_min3A_363 = arith.constant dense<0x7F800000> : vector<256xf32>
    %reduce_min3A_364 = vector.multi_reduction <minimumf>, %select_n3A_362, %reduce_min3A_363 [1] : vector<256x4096xf32> to vector<256xf32>
    %broadcast_in_dim3A_365 = vector.shape_cast %reduce_min3A_364 : vector<256xf32> to vector<256x1xf32>
    %eq3A_366 = vector.broadcast %broadcast_in_dim3A_365 : vector<256x1xf32> to vector<256x4096xf32>
    %eq3A_367 = arith.cmpf oeq, %select_n3A_362, %eq3A_366 : vector<256x4096xf32>
    %jit3A_368 = arith.constant 4096 : i32
    %broadcast_in_dim3A_369 = vector.broadcast %jit3A_368 : i32 to vector<256x4096xi32>
    %select_n3A_370 = arith.select %eq3A_367, %iota3A, %broadcast_in_dim3A_369 : vector<256x4096xi1>, vector<256x4096xi32>
    %reduce_min3A_371 = arith.constant dense<2147483647> : vector<256xi32>
    %reduce_min3A_372 = vector.multi_reduction <minsi>, %select_n3A_370, %reduce_min3A_371 [1] : vector<256x4096xi32> to vector<256xi32>
    %broadcast_in_dim3A_373 = vector.shape_cast %reduce_min3A_372 : vector<256xi32> to vector<256x1xi32>
    %swap3A_374 = arith.constant 0 : index
    %swap3A_375 = arith.constant 18 : index
    %swap3A_376 = vector.load %arg7[%swap3A_374, %swap3A_375] : memref<256x20xi32, #tpu.memory_space<vmem>>, vector<256x1xi32>
    tpu.vector_store %arg7[%swap3A_374, %swap3A_375], %broadcast_in_dim3A_373 {strides = array<i32>} : memref<256x20xi32, #tpu.memory_space<vmem>>, vector<256x1xi32>,
    %eq3A_377 = vector.broadcast %broadcast_in_dim3A_373 : vector<256x1xi32> to vector<256x4096xi32>
    %eq3A_378 = arith.cmpi eq, %iota3A, %eq3A_377 : vector<256x4096xi32>
    %jit3A_379 = arith.constant 0x7F800000 : f32
    %broadcast_in_dim3A_380 = vector.broadcast %jit3A_379 : f32 to vector<256x4096xf32>
    %select_n3A_381 = arith.select %eq3A_378, %broadcast_in_dim3A_380, %select_n3A_362 : vector<256x4096xi1>, vector<256x4096xf32>
    %reduce_min3A_382 = arith.constant dense<0x7F800000> : vector<256xf32>
    %reduce_min3A_383 = vector.multi_reduction <minimumf>, %select_n3A_381, %reduce_min3A_382 [1] : vector<256x4096xf32> to vector<256xf32>
    %broadcast_in_dim3A_384 = vector.shape_cast %reduce_min3A_383 : vector<256xf32> to vector<256x1xf32>
    %eq3A_385 = vector.broadcast %broadcast_in_dim3A_384 : vector<256x1xf32> to vector<256x4096xf32>
    %eq3A_386 = arith.cmpf oeq, %select_n3A_381, %eq3A_385 : vector<256x4096xf32>
    %jit3A_387 = arith.constant 4096 : i32
    %broadcast_in_dim3A_388 = vector.broadcast %jit3A_387 : i32 to vector<256x4096xi32>
    %select_n3A_389 = arith.select %eq3A_386, %iota3A, %broadcast_in_dim3A_388 : vector<256x4096xi1>, vector<256x4096xi32>
    %reduce_min3A_390 = arith.constant dense<2147483647> : vector<256xi32>
    %reduce_min3A_391 = vector.multi_reduction <minsi>, %select_n3A_389, %reduce_min3A_390 [1] : vector<256x4096xi32> to vector<256xi32>
    %broadcast_in_dim3A_392 = vector.shape_cast %reduce_min3A_391 : vector<256xi32> to vector<256x1xi32>
    %swap3A_393 = arith.constant 0 : index
    %swap3A_394 = arith.constant 19 : index
    %swap3A_395 = vector.load %arg7[%swap3A_393, %swap3A_394] : memref<256x20xi32, #tpu.memory_space<vmem>>, vector<256x1xi32>
    tpu.vector_store %arg7[%swap3A_393, %swap3A_394], %broadcast_in_dim3A_392 {strides = array<i32>} : memref<256x20xi32, #tpu.memory_space<vmem>>, vector<256x1xi32>,
    return
  }
  func.func @transform_0(%arg0: i32) -> (i32, i32) {
    %c0_i32 = arith.constant 0 : i32
    %c0_i32_0 = arith.constant 0 : i32
    return %arg0, %c0_i32 : i32, i32
  }
  func.func @transform_1(%arg0: i32) -> (i32, i32) {
    %c0_i32 = arith.constant 0 : i32
    %c0_i32_0 = arith.constant 0 : i32
    %c0_i32_1 = arith.constant 0 : i32
    return %c0_i32, %c0_i32_0 : i32, i32
  }
  func.func @transform_2(%arg0: i32) -> (i32, i32) {
    %c0_i32 = arith.constant 0 : i32
    %c0_i32_0 = arith.constant 0 : i32
    return %arg0, %c0_i32 : i32, i32
  }
  func.func @transform_3(%arg0: i32) -> (i32, i32) {
    %c0_i32 = arith.constant 0 : i32
    %c0_i32_0 = arith.constant 0 : i32
    %c0_i32_1 = arith.constant 0 : i32
    return %c0_i32, %c0_i32_0 : i32, i32
  }
  func.func @transform_4(%arg0: i32) -> (i32, i32) {
    %c0_i32 = arith.constant 0 : i32
    %c0_i32_0 = arith.constant 0 : i32
    return %arg0, %c0_i32 : i32, i32
  }
  func.func @transform_5(%arg0: i32) -> (i32, i32) {
    %c0_i32 = arith.constant 0 : i32
    %c0_i32_0 = arith.constant 0 : i32
    %c0_i32_1 = arith.constant 0 : i32
    return %c0_i32, %c0_i32_0 : i32, i32
  }
  func.func @transform_6(%arg0: i32) -> (i32, i32) {
    %c0_i32 = arith.constant 0 : i32
    %c0_i32_0 = arith.constant 0 : i32
    return %arg0, %c0_i32 : i32, i32
  }
}

module attributes {stable_mosaic.version = 14 : i64} {
  func.func @_aggr_body(%arg0: i32, %arg1: memref<256x20x128xf32, #tpu.memory_space<vmem>>, %arg2: memref<256x64xf32, #tpu.memory_space<vmem>>, %arg3: memref<256x64xf32, #tpu.memory_space<vmem>>) attributes {dimension_semantics = [#tpu.dimension_semantics<arbitrary>], iteration_bounds = array<i64: 16>, scalar_prefetch = 0 : i64, scratch_operands = 0 : i64, tpu.core_type = #tpu.core_type<tc>, window_params = [{transform_indices = @transform_0, window_bounds = array<i64: 256, 20, 128>}, {transform_indices = @transform_1, window_bounds = array<i64: 256, 64>}, {transform_indices = @transform_2, window_bounds = array<i64: 256, 64>}]} {
    %get3A = arith.constant 0 : index
    %get3A_0 = arith.constant 0 : index
    %get3A_1 = arith.constant 0 : index
    %get3A_2 = vector.load %arg1[%get3A, %get3A_0, %get3A_1] : memref<256x20x128xf32, #tpu.memory_space<vmem>>, vector<256x20x128xf32>
    %slice3A = vector.extract_strided_slice %get3A_2 {offsets = [0, 0, 0], sizes = [256, 20, 64], strides = [1, 1, 1]} : vector<256x20x128xf32> to vector<256x20x64xf32>
    %reduce_max3A = arith.constant dense<0xFF800000> : vector<256x64xf32>
    %reduce_max3A_3 = vector.multi_reduction <maximumf>, %slice3A, %reduce_max3A [1] : vector<256x20x64xf32> to vector<256x64xf32>
    %get3A_4 = arith.constant 0 : index
    %get3A_5 = arith.constant 0 : index
    %get3A_6 = vector.load %arg2[%get3A_4, %get3A_5] : memref<256x64xf32, #tpu.memory_space<vmem>>, vector<256x64xf32>
    %add3A = arith.addf %get3A_6, %reduce_max3A_3 : vector<256x64xf32>
    %max3A = arith.constant 0.000000e+00 : f32
    %max3A_7 = vector.broadcast %max3A : f32 to vector<256x64xf32>
    %max3A_8 = arith.maximumf %add3A, %max3A_7 : vector<256x64xf32>
    %swap3A = arith.constant 0 : index
    %swap3A_9 = arith.constant 0 : index
    %swap3A_10 = vector.load %arg3[%swap3A, %swap3A_9] : memref<256x64xf32, #tpu.memory_space<vmem>>, vector<256x64xf32>
    tpu.vector_store %arg3[%swap3A, %swap3A_9], %max3A_8 {strides = array<i32>} : memref<256x64xf32, #tpu.memory_space<vmem>>, vector<256x64xf32>,
    return
  }
  func.func @transform_0(%arg0: i32) -> (i32, i32, i32) {
    %c0_i32 = arith.constant 0 : i32
    %c0_i32_0 = arith.constant 0 : i32
    %c0_i32_1 = arith.constant 0 : i32
    return %arg0, %c0_i32, %c0_i32_0 : i32, i32, i32
  }
  func.func @transform_1(%arg0: i32) -> (i32, i32) {
    %c0_i32 = arith.constant 0 : i32
    %c0_i32_0 = arith.constant 0 : i32
    return %arg0, %c0_i32 : i32, i32
  }
  func.func @transform_2(%arg0: i32) -> (i32, i32) {
    %c0_i32 = arith.constant 0 : i32
    %c0_i32_0 = arith.constant 0 : i32
    return %arg0, %c0_i32 : i32, i32
  }
}

module attributes {stable_mosaic.version = 14 : i64} {
  func.func @_prep_body(%arg0: memref<4096x64xf32, #tpu.memory_space<vmem>>, %arg1: memref<64x64xf32, #tpu.memory_space<vmem>>, %arg2: memref<64x128xf32, #tpu.memory_space<vmem>>, %arg3: memref<1x64xf32, #tpu.memory_space<vmem>>, %arg4: memref<4096x64xf32, #tpu.memory_space<vmem>>, %arg5: memref<4096x128xf32, #tpu.memory_space<vmem>>, %arg6: memref<4096x1xf32, #tpu.memory_space<vmem>>) attributes {dimension_semantics = [], scalar_prefetch = 0 : i64, scratch_operands = 0 : i64, tpu.core_type = #tpu.core_type<tc>} {
    %get3A = arith.constant 0 : index
    %get3A_0 = arith.constant 0 : index
    %get3A_1 = vector.load %arg0[%get3A, %get3A_0] : memref<4096x64xf32, #tpu.memory_space<vmem>>, vector<4096x64xf32>
    %get3A_2 = arith.constant 0 : index
    %get3A_3 = arith.constant 0 : index
    %get3A_4 = vector.load %arg1[%get3A_2, %get3A_3] : memref<64x64xf32, #tpu.memory_space<vmem>>, vector<64x64xf32>
    %dot_general3A = arith.constant dense<0.000000e+00> : vector<4096x64xf32>
    %dot_general3A_5 = tpu.matmul %get3A_1, %get3A_4, %dot_general3A {dimension_numbers = #tpu.dot_dimension_numbers<[1], [0], [0], [1], [0, 0, 1, 1], [], []>, transpose_lhs_hint = false} : vector<4096x64xf32>, vector<64x64xf32>, vector<4096x64xf32> -> vector<4096x64xf32>
    %get3A_6 = arith.constant 0 : index
    %get3A_7 = arith.constant 0 : index
    %get3A_8 = vector.load %arg3[%get3A_6, %get3A_7] : memref<1x64xf32, #tpu.memory_space<vmem>>, vector<1x64xf32>
    %add3A = vector.broadcast %get3A_8 : vector<1x64xf32> to vector<4096x64xf32>
    %add3A_9 = arith.addf %dot_general3A_5, %add3A : vector<4096x64xf32>
    %swap3A = arith.constant 0 : index
    %swap3A_10 = arith.constant 0 : index
    %swap3A_11 = vector.load %arg4[%swap3A, %swap3A_10] : memref<4096x64xf32, #tpu.memory_space<vmem>>, vector<4096x64xf32>
    tpu.vector_store %arg4[%swap3A, %swap3A_10], %add3A_9 {strides = array<i32>} : memref<4096x64xf32, #tpu.memory_space<vmem>>, vector<4096x64xf32>,
    %get3A_12 = arith.constant 0 : index
    %get3A_13 = arith.constant 0 : index
    %get3A_14 = vector.load %arg2[%get3A_12, %get3A_13] : memref<64x128xf32, #tpu.memory_space<vmem>>, vector<64x128xf32>
    %dot_general3A_15 = arith.constant dense<0.000000e+00> : vector<4096x128xf32>
    %dot_general3A_16 = tpu.matmul %get3A_1, %get3A_14, %dot_general3A_15 {dimension_numbers = #tpu.dot_dimension_numbers<[1], [0], [0], [1], [0, 0, 1, 1], [], []>, transpose_lhs_hint = false} : vector<4096x64xf32>, vector<64x128xf32>, vector<4096x128xf32> -> vector<4096x128xf32>
    %swap3A_17 = arith.constant 0 : index
    %swap3A_18 = arith.constant 0 : index
    %swap3A_19 = vector.load %arg5[%swap3A_17, %swap3A_18] : memref<4096x128xf32, #tpu.memory_space<vmem>>, vector<4096x128xf32>
    tpu.vector_store %arg5[%swap3A_17, %swap3A_18], %dot_general3A_16 {strides = array<i32>} : memref<4096x128xf32, #tpu.memory_space<vmem>>, vector<4096x128xf32>,
    %mul3A = arith.mulf %get3A_1, %get3A_1 : vector<4096x64xf32>
    %reduce_sum3A = arith.constant dense<0.000000e+00> : vector<4096xf32>
    %reduce_sum3A_20 = vector.multi_reduction <add>, %mul3A, %reduce_sum3A [1] : vector<4096x64xf32> to vector<4096xf32>
    %broadcast_in_dim3A = vector.shape_cast %reduce_sum3A_20 : vector<4096xf32> to vector<4096x1xf32>
    %swap3A_21 = arith.constant 0 : index
    %swap3A_22 = arith.constant 0 : index
    %swap3A_23 = vector.load %arg6[%swap3A_21, %swap3A_22] : memref<4096x1xf32, #tpu.memory_space<vmem>>, vector<4096x1xf32>
    tpu.vector_store %arg6[%swap3A_21, %swap3A_22], %broadcast_in_dim3A {strides = array<i32>} : memref<4096x1xf32, #tpu.memory_space<vmem>>, vector<4096x1xf32>,
    return
  }
}

module attributes {stable_mosaic.version = 14 : i64} {
  func.func @_topk_body(%arg0: i32, %arg1: memref<256x64xf32, #tpu.memory_space<vmem>>, %arg2: memref<4096x64xf32, #tpu.memory_space<vmem>>, %arg3: memref<256x1xf32, #tpu.memory_space<vmem>>, %arg4: memref<1x4096xf32, #tpu.memory_space<vmem>>, %arg5: memref<256x1xi32, #tpu.memory_space<vmem>>, %arg6: memref<1x4096xi32, #tpu.memory_space<vmem>>, %arg7: memref<256x20xi32, #tpu.memory_space<vmem>>) attributes {dimension_semantics = [#tpu.dimension_semantics<arbitrary>], iteration_bounds = array<i64: 16>, scalar_prefetch = 0 : i64, scratch_operands = 0 : i64, tpu.core_type = #tpu.core_type<tc>, window_params = [{transform_indices = @transform_0, window_bounds = array<i64: 256, 64>}, {pipeline_mode = #tpu.pipeline_mode<synchronous>, transform_indices = @transform_1, window_bounds = array<i64: 4096, 64>}, {transform_indices = @transform_2, window_bounds = array<i64: 256, 1>}, {pipeline_mode = #tpu.pipeline_mode<synchronous>, transform_indices = @transform_3, window_bounds = array<i64: 1, 4096>}, {transform_indices = @transform_4, window_bounds = array<i64: 256, 1>}, {pipeline_mode = #tpu.pipeline_mode<synchronous>, transform_indices = @transform_5, window_bounds = array<i64: 1, 4096>}, {transform_indices = @transform_6, window_bounds = array<i64: 256, 20>}]} {
    %get3A = arith.constant 0 : index
    %get3A_0 = arith.constant 0 : index
    %get3A_1 = vector.load %arg1[%get3A, %get3A_0] : memref<256x64xf32, #tpu.memory_space<vmem>>, vector<256x64xf32>
    %get3A_2 = arith.constant 0 : index
    %get3A_3 = arith.constant 0 : index
    %get3A_4 = vector.load %arg2[%get3A_2, %get3A_3] : memref<4096x64xf32, #tpu.memory_space<vmem>>, vector<4096x64xf32>
    %dot_general3A = arith.constant dense<0.000000e+00> : vector<256x4096xf32>
    %dot_general3A_5 = tpu.matmul %get3A_1, %get3A_4, %dot_general3A {dimension_numbers = #tpu.dot_dimension_numbers<[1], [1], [0], [0], [0, 0, 1, 0], [], []>, transpose_lhs_hint = false} : vector<256x64xf32>, vector<4096x64xf32>, vector<256x4096xf32> -> vector<256x4096xf32>
    %get3A_6 = arith.constant 0 : index
    %get3A_7 = arith.constant 0 : index
    %get3A_8 = vector.load %arg3[%get3A_6, %get3A_7] : memref<256x1xf32, #tpu.memory_space<vmem>>, vector<256x1xf32>
    %get3A_9 = arith.constant 0 : index
    %get3A_10 = arith.constant 0 : index
    %get3A_11 = vector.load %arg4[%get3A_9, %get3A_10] : memref<1x4096xf32, #tpu.memory_space<vmem>>, vector<1x4096xf32>
    %add3A = vector.broadcast %get3A_8 : vector<256x1xf32> to vector<256x4096xf32>
    %add3A_12 = vector.broadcast %get3A_11 : vector<1x4096xf32> to vector<256x4096xf32>
    %add3A_13 = arith.addf %add3A, %add3A_12 : vector<256x4096xf32>
    %mul3A = arith.constant 2.000000e+00 : f32
    %mul3A_14 = vector.broadcast %mul3A : f32 to vector<256x4096xf32>
    %mul3A_15 = arith.mulf %mul3A_14, %dot_general3A_5 : vector<256x4096xf32>
    %sub3A = arith.subf %add3A_13, %mul3A_15 : vector<256x4096xf32>
    %get3A_16 = arith.constant 0 : index
    %get3A_17 = arith.constant 0 : index
    %get3A_18 = vector.load %arg5[%get3A_16, %get3A_17] : memref<256x1xi32, #tpu.memory_space<vmem>>, vector<256x1xi32>
    %get3A_19 = arith.constant 0 : index
    %get3A_20 = arith.constant 0 : index
    %get3A_21 = vector.load %arg6[%get3A_19, %get3A_20] : memref<1x4096xi32, #tpu.memory_space<vmem>>, vector<1x4096xi32>
    %ne3A = vector.broadcast %get3A_18 : vector<256x1xi32> to vector<256x4096xi32>
    %ne3A_22 = vector.broadcast %get3A_21 : vector<1x4096xi32> to vector<256x4096xi32>
    %ne3A_23 = arith.cmpi ne, %ne3A, %ne3A_22 : vector<256x4096xi32>
    %jit3A = arith.constant 0x7F800000 : f32
    %broadcast_in_dim3A = vector.broadcast %jit3A : f32 to vector<256x4096xf32>
    %select_n3A = arith.select %ne3A_23, %broadcast_in_dim3A, %sub3A : vector<256x4096xi1>, vector<256x4096xf32>
    %iota3A = tpu.iota {dimensions = array<i32: 1>} : vector<256x4096xi32>
    %reduce_min3A = arith.constant dense<0x7F800000> : vector<256xf32>
    %reduce_min3A_24 = vector.multi_reduction <minimumf>, %select_n3A, %reduce_min3A [1] : vector<256x4096xf32> to vector<256xf32>
    %broadcast_in_dim3A_25 = vector.shape_cast %reduce_min3A_24 : vector<256xf32> to vector<256x1xf32>
    %eq3A = vector.broadcast %broadcast_in_dim3A_25 : vector<256x1xf32> to vector<256x4096xf32>
    %eq3A_26 = arith.cmpf oeq, %select_n3A, %eq3A : vector<256x4096xf32>
    %jit3A_27 = arith.constant 4096 : i32
    %broadcast_in_dim3A_28 = vector.broadcast %jit3A_27 : i32 to vector<256x4096xi32>
    %select_n3A_29 = arith.select %eq3A_26, %iota3A, %broadcast_in_dim3A_28 : vector<256x4096xi1>, vector<256x4096xi32>
    %reduce_min3A_30 = arith.constant dense<2147483647> : vector<256xi32>
    %reduce_min3A_31 = vector.multi_reduction <minsi>, %select_n3A_29, %reduce_min3A_30 [1] : vector<256x4096xi32> to vector<256xi32>
    %broadcast_in_dim3A_32 = vector.shape_cast %reduce_min3A_31 : vector<256xi32> to vector<256x1xi32>
    %swap3A = arith.constant 0 : index
    %swap3A_33 = arith.constant 0 : index
    %swap3A_34 = vector.load %arg7[%swap3A, %swap3A_33] : memref<256x20xi32, #tpu.memory_space<vmem>>, vector<256x1xi32>
    tpu.vector_store %arg7[%swap3A, %swap3A_33], %broadcast_in_dim3A_32 {strides = array<i32>} : memref<256x20xi32, #tpu.memory_space<vmem>>, vector<256x1xi32>,
    %eq3A_35 = vector.broadcast %broadcast_in_dim3A_32 : vector<256x1xi32> to vector<256x4096xi32>
    %eq3A_36 = arith.cmpi eq, %iota3A, %eq3A_35 : vector<256x4096xi32>
    %jit3A_37 = arith.constant 0x7F800000 : f32
    %broadcast_in_dim3A_38 = vector.broadcast %jit3A_37 : f32 to vector<256x4096xf32>
    %select_n3A_39 = arith.select %eq3A_36, %broadcast_in_dim3A_38, %select_n3A : vector<256x4096xi1>, vector<256x4096xf32>
    %reduce_min3A_40 = arith.constant dense<0x7F800000> : vector<256xf32>
    %reduce_min3A_41 = vector.multi_reduction <minimumf>, %select_n3A_39, %reduce_min3A_40 [1] : vector<256x4096xf32> to vector<256xf32>
    %broadcast_in_dim3A_42 = vector.shape_cast %reduce_min3A_41 : vector<256xf32> to vector<256x1xf32>
    %eq3A_43 = vector.broadcast %broadcast_in_dim3A_42 : vector<256x1xf32> to vector<256x4096xf32>
    %eq3A_44 = arith.cmpf oeq, %select_n3A_39, %eq3A_43 : vector<256x4096xf32>
    %jit3A_45 = arith.constant 4096 : i32
    %broadcast_in_dim3A_46 = vector.broadcast %jit3A_45 : i32 to vector<256x4096xi32>
    %select_n3A_47 = arith.select %eq3A_44, %iota3A, %broadcast_in_dim3A_46 : vector<256x4096xi1>, vector<256x4096xi32>
    %reduce_min3A_48 = arith.constant dense<2147483647> : vector<256xi32>
    %reduce_min3A_49 = vector.multi_reduction <minsi>, %select_n3A_47, %reduce_min3A_48 [1] : vector<256x4096xi32> to vector<256xi32>
    %broadcast_in_dim3A_50 = vector.shape_cast %reduce_min3A_49 : vector<256xi32> to vector<256x1xi32>
    %swap3A_51 = arith.constant 0 : index
    %swap3A_52 = arith.constant 1 : index
    %swap3A_53 = vector.load %arg7[%swap3A_51, %swap3A_52] : memref<256x20xi32, #tpu.memory_space<vmem>>, vector<256x1xi32>
    tpu.vector_store %arg7[%swap3A_51, %swap3A_52], %broadcast_in_dim3A_50 {strides = array<i32>} : memref<256x20xi32, #tpu.memory_space<vmem>>, vector<256x1xi32>,
    %eq3A_54 = vector.broadcast %broadcast_in_dim3A_50 : vector<256x1xi32> to vector<256x4096xi32>
    %eq3A_55 = arith.cmpi eq, %iota3A, %eq3A_54 : vector<256x4096xi32>
    %jit3A_56 = arith.constant 0x7F800000 : f32
    %broadcast_in_dim3A_57 = vector.broadcast %jit3A_56 : f32 to vector<256x4096xf32>
    %select_n3A_58 = arith.select %eq3A_55, %broadcast_in_dim3A_57, %select_n3A_39 : vector<256x4096xi1>, vector<256x4096xf32>
    %reduce_min3A_59 = arith.constant dense<0x7F800000> : vector<256xf32>
    %reduce_min3A_60 = vector.multi_reduction <minimumf>, %select_n3A_58, %reduce_min3A_59 [1] : vector<256x4096xf32> to vector<256xf32>
    %broadcast_in_dim3A_61 = vector.shape_cast %reduce_min3A_60 : vector<256xf32> to vector<256x1xf32>
    %eq3A_62 = vector.broadcast %broadcast_in_dim3A_61 : vector<256x1xf32> to vector<256x4096xf32>
    %eq3A_63 = arith.cmpf oeq, %select_n3A_58, %eq3A_62 : vector<256x4096xf32>
    %jit3A_64 = arith.constant 4096 : i32
    %broadcast_in_dim3A_65 = vector.broadcast %jit3A_64 : i32 to vector<256x4096xi32>
    %select_n3A_66 = arith.select %eq3A_63, %iota3A, %broadcast_in_dim3A_65 : vector<256x4096xi1>, vector<256x4096xi32>
    %reduce_min3A_67 = arith.constant dense<2147483647> : vector<256xi32>
    %reduce_min3A_68 = vector.multi_reduction <minsi>, %select_n3A_66, %reduce_min3A_67 [1] : vector<256x4096xi32> to vector<256xi32>
    %broadcast_in_dim3A_69 = vector.shape_cast %reduce_min3A_68 : vector<256xi32> to vector<256x1xi32>
    %swap3A_70 = arith.constant 0 : index
    %swap3A_71 = arith.constant 2 : index
    %swap3A_72 = vector.load %arg7[%swap3A_70, %swap3A_71] : memref<256x20xi32, #tpu.memory_space<vmem>>, vector<256x1xi32>
    tpu.vector_store %arg7[%swap3A_70, %swap3A_71], %broadcast_in_dim3A_69 {strides = array<i32>} : memref<256x20xi32, #tpu.memory_space<vmem>>, vector<256x1xi32>,
    %eq3A_73 = vector.broadcast %broadcast_in_dim3A_69 : vector<256x1xi32> to vector<256x4096xi32>
    %eq3A_74 = arith.cmpi eq, %iota3A, %eq3A_73 : vector<256x4096xi32>
    %jit3A_75 = arith.constant 0x7F800000 : f32
    %broadcast_in_dim3A_76 = vector.broadcast %jit3A_75 : f32 to vector<256x4096xf32>
    %select_n3A_77 = arith.select %eq3A_74, %broadcast_in_dim3A_76, %select_n3A_58 : vector<256x4096xi1>, vector<256x4096xf32>
    %reduce_min3A_78 = arith.constant dense<0x7F800000> : vector<256xf32>
    %reduce_min3A_79 = vector.multi_reduction <minimumf>, %select_n3A_77, %reduce_min3A_78 [1] : vector<256x4096xf32> to vector<256xf32>
    %broadcast_in_dim3A_80 = vector.shape_cast %reduce_min3A_79 : vector<256xf32> to vector<256x1xf32>
    %eq3A_81 = vector.broadcast %broadcast_in_dim3A_80 : vector<256x1xf32> to vector<256x4096xf32>
    %eq3A_82 = arith.cmpf oeq, %select_n3A_77, %eq3A_81 : vector<256x4096xf32>
    %jit3A_83 = arith.constant 4096 : i32
    %broadcast_in_dim3A_84 = vector.broadcast %jit3A_83 : i32 to vector<256x4096xi32>
    %select_n3A_85 = arith.select %eq3A_82, %iota3A, %broadcast_in_dim3A_84 : vector<256x4096xi1>, vector<256x4096xi32>
    %reduce_min3A_86 = arith.constant dense<2147483647> : vector<256xi32>
    %reduce_min3A_87 = vector.multi_reduction <minsi>, %select_n3A_85, %reduce_min3A_86 [1] : vector<256x4096xi32> to vector<256xi32>
    %broadcast_in_dim3A_88 = vector.shape_cast %reduce_min3A_87 : vector<256xi32> to vector<256x1xi32>
    %swap3A_89 = arith.constant 0 : index
    %swap3A_90 = arith.constant 3 : index
    %swap3A_91 = vector.load %arg7[%swap3A_89, %swap3A_90] : memref<256x20xi32, #tpu.memory_space<vmem>>, vector<256x1xi32>
    tpu.vector_store %arg7[%swap3A_89, %swap3A_90], %broadcast_in_dim3A_88 {strides = array<i32>} : memref<256x20xi32, #tpu.memory_space<vmem>>, vector<256x1xi32>,
    %eq3A_92 = vector.broadcast %broadcast_in_dim3A_88 : vector<256x1xi32> to vector<256x4096xi32>
    %eq3A_93 = arith.cmpi eq, %iota3A, %eq3A_92 : vector<256x4096xi32>
    %jit3A_94 = arith.constant 0x7F800000 : f32
    %broadcast_in_dim3A_95 = vector.broadcast %jit3A_94 : f32 to vector<256x4096xf32>
    %select_n3A_96 = arith.select %eq3A_93, %broadcast_in_dim3A_95, %select_n3A_77 : vector<256x4096xi1>, vector<256x4096xf32>
    %reduce_min3A_97 = arith.constant dense<0x7F800000> : vector<256xf32>
    %reduce_min3A_98 = vector.multi_reduction <minimumf>, %select_n3A_96, %reduce_min3A_97 [1] : vector<256x4096xf32> to vector<256xf32>
    %broadcast_in_dim3A_99 = vector.shape_cast %reduce_min3A_98 : vector<256xf32> to vector<256x1xf32>
    %eq3A_100 = vector.broadcast %broadcast_in_dim3A_99 : vector<256x1xf32> to vector<256x4096xf32>
    %eq3A_101 = arith.cmpf oeq, %select_n3A_96, %eq3A_100 : vector<256x4096xf32>
    %jit3A_102 = arith.constant 4096 : i32
    %broadcast_in_dim3A_103 = vector.broadcast %jit3A_102 : i32 to vector<256x4096xi32>
    %select_n3A_104 = arith.select %eq3A_101, %iota3A, %broadcast_in_dim3A_103 : vector<256x4096xi1>, vector<256x4096xi32>
    %reduce_min3A_105 = arith.constant dense<2147483647> : vector<256xi32>
    %reduce_min3A_106 = vector.multi_reduction <minsi>, %select_n3A_104, %reduce_min3A_105 [1] : vector<256x4096xi32> to vector<256xi32>
    %broadcast_in_dim3A_107 = vector.shape_cast %reduce_min3A_106 : vector<256xi32> to vector<256x1xi32>
    %swap3A_108 = arith.constant 0 : index
    %swap3A_109 = arith.constant 4 : index
    %swap3A_110 = vector.load %arg7[%swap3A_108, %swap3A_109] : memref<256x20xi32, #tpu.memory_space<vmem>>, vector<256x1xi32>
    tpu.vector_store %arg7[%swap3A_108, %swap3A_109], %broadcast_in_dim3A_107 {strides = array<i32>} : memref<256x20xi32, #tpu.memory_space<vmem>>, vector<256x1xi32>,
    %eq3A_111 = vector.broadcast %broadcast_in_dim3A_107 : vector<256x1xi32> to vector<256x4096xi32>
    %eq3A_112 = arith.cmpi eq, %iota3A, %eq3A_111 : vector<256x4096xi32>
    %jit3A_113 = arith.constant 0x7F800000 : f32
    %broadcast_in_dim3A_114 = vector.broadcast %jit3A_113 : f32 to vector<256x4096xf32>
    %select_n3A_115 = arith.select %eq3A_112, %broadcast_in_dim3A_114, %select_n3A_96 : vector<256x4096xi1>, vector<256x4096xf32>
    %reduce_min3A_116 = arith.constant dense<0x7F800000> : vector<256xf32>
    %reduce_min3A_117 = vector.multi_reduction <minimumf>, %select_n3A_115, %reduce_min3A_116 [1] : vector<256x4096xf32> to vector<256xf32>
    %broadcast_in_dim3A_118 = vector.shape_cast %reduce_min3A_117 : vector<256xf32> to vector<256x1xf32>
    %eq3A_119 = vector.broadcast %broadcast_in_dim3A_118 : vector<256x1xf32> to vector<256x4096xf32>
    %eq3A_120 = arith.cmpf oeq, %select_n3A_115, %eq3A_119 : vector<256x4096xf32>
    %jit3A_121 = arith.constant 4096 : i32
    %broadcast_in_dim3A_122 = vector.broadcast %jit3A_121 : i32 to vector<256x4096xi32>
    %select_n3A_123 = arith.select %eq3A_120, %iota3A, %broadcast_in_dim3A_122 : vector<256x4096xi1>, vector<256x4096xi32>
    %reduce_min3A_124 = arith.constant dense<2147483647> : vector<256xi32>
    %reduce_min3A_125 = vector.multi_reduction <minsi>, %select_n3A_123, %reduce_min3A_124 [1] : vector<256x4096xi32> to vector<256xi32>
    %broadcast_in_dim3A_126 = vector.shape_cast %reduce_min3A_125 : vector<256xi32> to vector<256x1xi32>
    %swap3A_127 = arith.constant 0 : index
    %swap3A_128 = arith.constant 5 : index
    %swap3A_129 = vector.load %arg7[%swap3A_127, %swap3A_128] : memref<256x20xi32, #tpu.memory_space<vmem>>, vector<256x1xi32>
    tpu.vector_store %arg7[%swap3A_127, %swap3A_128], %broadcast_in_dim3A_126 {strides = array<i32>} : memref<256x20xi32, #tpu.memory_space<vmem>>, vector<256x1xi32>,
    %eq3A_130 = vector.broadcast %broadcast_in_dim3A_126 : vector<256x1xi32> to vector<256x4096xi32>
    %eq3A_131 = arith.cmpi eq, %iota3A, %eq3A_130 : vector<256x4096xi32>
    %jit3A_132 = arith.constant 0x7F800000 : f32
    %broadcast_in_dim3A_133 = vector.broadcast %jit3A_132 : f32 to vector<256x4096xf32>
    %select_n3A_134 = arith.select %eq3A_131, %broadcast_in_dim3A_133, %select_n3A_115 : vector<256x4096xi1>, vector<256x4096xf32>
    %reduce_min3A_135 = arith.constant dense<0x7F800000> : vector<256xf32>
    %reduce_min3A_136 = vector.multi_reduction <minimumf>, %select_n3A_134, %reduce_min3A_135 [1] : vector<256x4096xf32> to vector<256xf32>
    %broadcast_in_dim3A_137 = vector.shape_cast %reduce_min3A_136 : vector<256xf32> to vector<256x1xf32>
    %eq3A_138 = vector.broadcast %broadcast_in_dim3A_137 : vector<256x1xf32> to vector<256x4096xf32>
    %eq3A_139 = arith.cmpf oeq, %select_n3A_134, %eq3A_138 : vector<256x4096xf32>
    %jit3A_140 = arith.constant 4096 : i32
    %broadcast_in_dim3A_141 = vector.broadcast %jit3A_140 : i32 to vector<256x4096xi32>
    %select_n3A_142 = arith.select %eq3A_139, %iota3A, %broadcast_in_dim3A_141 : vector<256x4096xi1>, vector<256x4096xi32>
    %reduce_min3A_143 = arith.constant dense<2147483647> : vector<256xi32>
    %reduce_min3A_144 = vector.multi_reduction <minsi>, %select_n3A_142, %reduce_min3A_143 [1] : vector<256x4096xi32> to vector<256xi32>
    %broadcast_in_dim3A_145 = vector.shape_cast %reduce_min3A_144 : vector<256xi32> to vector<256x1xi32>
    %swap3A_146 = arith.constant 0 : index
    %swap3A_147 = arith.constant 6 : index
    %swap3A_148 = vector.load %arg7[%swap3A_146, %swap3A_147] : memref<256x20xi32, #tpu.memory_space<vmem>>, vector<256x1xi32>
    tpu.vector_store %arg7[%swap3A_146, %swap3A_147], %broadcast_in_dim3A_145 {strides = array<i32>} : memref<256x20xi32, #tpu.memory_space<vmem>>, vector<256x1xi32>,
    %eq3A_149 = vector.broadcast %broadcast_in_dim3A_145 : vector<256x1xi32> to vector<256x4096xi32>
    %eq3A_150 = arith.cmpi eq, %iota3A, %eq3A_149 : vector<256x4096xi32>
    %jit3A_151 = arith.constant 0x7F800000 : f32
    %broadcast_in_dim3A_152 = vector.broadcast %jit3A_151 : f32 to vector<256x4096xf32>
    %select_n3A_153 = arith.select %eq3A_150, %broadcast_in_dim3A_152, %select_n3A_134 : vector<256x4096xi1>, vector<256x4096xf32>
    %reduce_min3A_154 = arith.constant dense<0x7F800000> : vector<256xf32>
    %reduce_min3A_155 = vector.multi_reduction <minimumf>, %select_n3A_153, %reduce_min3A_154 [1] : vector<256x4096xf32> to vector<256xf32>
    %broadcast_in_dim3A_156 = vector.shape_cast %reduce_min3A_155 : vector<256xf32> to vector<256x1xf32>
    %eq3A_157 = vector.broadcast %broadcast_in_dim3A_156 : vector<256x1xf32> to vector<256x4096xf32>
    %eq3A_158 = arith.cmpf oeq, %select_n3A_153, %eq3A_157 : vector<256x4096xf32>
    %jit3A_159 = arith.constant 4096 : i32
    %broadcast_in_dim3A_160 = vector.broadcast %jit3A_159 : i32 to vector<256x4096xi32>
    %select_n3A_161 = arith.select %eq3A_158, %iota3A, %broadcast_in_dim3A_160 : vector<256x4096xi1>, vector<256x4096xi32>
    %reduce_min3A_162 = arith.constant dense<2147483647> : vector<256xi32>
    %reduce_min3A_163 = vector.multi_reduction <minsi>, %select_n3A_161, %reduce_min3A_162 [1] : vector<256x4096xi32> to vector<256xi32>
    %broadcast_in_dim3A_164 = vector.shape_cast %reduce_min3A_163 : vector<256xi32> to vector<256x1xi32>
    %swap3A_165 = arith.constant 0 : index
    %swap3A_166 = arith.constant 7 : index
    %swap3A_167 = vector.load %arg7[%swap3A_165, %swap3A_166] : memref<256x20xi32, #tpu.memory_space<vmem>>, vector<256x1xi32>
    tpu.vector_store %arg7[%swap3A_165, %swap3A_166], %broadcast_in_dim3A_164 {strides = array<i32>} : memref<256x20xi32, #tpu.memory_space<vmem>>, vector<256x1xi32>,
    %eq3A_168 = vector.broadcast %broadcast_in_dim3A_164 : vector<256x1xi32> to vector<256x4096xi32>
    %eq3A_169 = arith.cmpi eq, %iota3A, %eq3A_168 : vector<256x4096xi32>
    %jit3A_170 = arith.constant 0x7F800000 : f32
    %broadcast_in_dim3A_171 = vector.broadcast %jit3A_170 : f32 to vector<256x4096xf32>
    %select_n3A_172 = arith.select %eq3A_169, %broadcast_in_dim3A_171, %select_n3A_153 : vector<256x4096xi1>, vector<256x4096xf32>
    %reduce_min3A_173 = arith.constant dense<0x7F800000> : vector<256xf32>
    %reduce_min3A_174 = vector.multi_reduction <minimumf>, %select_n3A_172, %reduce_min3A_173 [1] : vector<256x4096xf32> to vector<256xf32>
    %broadcast_in_dim3A_175 = vector.shape_cast %reduce_min3A_174 : vector<256xf32> to vector<256x1xf32>
    %eq3A_176 = vector.broadcast %broadcast_in_dim3A_175 : vector<256x1xf32> to vector<256x4096xf32>
    %eq3A_177 = arith.cmpf oeq, %select_n3A_172, %eq3A_176 : vector<256x4096xf32>
    %jit3A_178 = arith.constant 4096 : i32
    %broadcast_in_dim3A_179 = vector.broadcast %jit3A_178 : i32 to vector<256x4096xi32>
    %select_n3A_180 = arith.select %eq3A_177, %iota3A, %broadcast_in_dim3A_179 : vector<256x4096xi1>, vector<256x4096xi32>
    %reduce_min3A_181 = arith.constant dense<2147483647> : vector<256xi32>
    %reduce_min3A_182 = vector.multi_reduction <minsi>, %select_n3A_180, %reduce_min3A_181 [1] : vector<256x4096xi32> to vector<256xi32>
    %broadcast_in_dim3A_183 = vector.shape_cast %reduce_min3A_182 : vector<256xi32> to vector<256x1xi32>
    %swap3A_184 = arith.constant 0 : index
    %swap3A_185 = arith.constant 8 : index
    %swap3A_186 = vector.load %arg7[%swap3A_184, %swap3A_185] : memref<256x20xi32, #tpu.memory_space<vmem>>, vector<256x1xi32>
    tpu.vector_store %arg7[%swap3A_184, %swap3A_185], %broadcast_in_dim3A_183 {strides = array<i32>} : memref<256x20xi32, #tpu.memory_space<vmem>>, vector<256x1xi32>,
    %eq3A_187 = vector.broadcast %broadcast_in_dim3A_183 : vector<256x1xi32> to vector<256x4096xi32>
    %eq3A_188 = arith.cmpi eq, %iota3A, %eq3A_187 : vector<256x4096xi32>
    %jit3A_189 = arith.constant 0x7F800000 : f32
    %broadcast_in_dim3A_190 = vector.broadcast %jit3A_189 : f32 to vector<256x4096xf32>
    %select_n3A_191 = arith.select %eq3A_188, %broadcast_in_dim3A_190, %select_n3A_172 : vector<256x4096xi1>, vector<256x4096xf32>
    %reduce_min3A_192 = arith.constant dense<0x7F800000> : vector<256xf32>
    %reduce_min3A_193 = vector.multi_reduction <minimumf>, %select_n3A_191, %reduce_min3A_192 [1] : vector<256x4096xf32> to vector<256xf32>
    %broadcast_in_dim3A_194 = vector.shape_cast %reduce_min3A_193 : vector<256xf32> to vector<256x1xf32>
    %eq3A_195 = vector.broadcast %broadcast_in_dim3A_194 : vector<256x1xf32> to vector<256x4096xf32>
    %eq3A_196 = arith.cmpf oeq, %select_n3A_191, %eq3A_195 : vector<256x4096xf32>
    %jit3A_197 = arith.constant 4096 : i32
    %broadcast_in_dim3A_198 = vector.broadcast %jit3A_197 : i32 to vector<256x4096xi32>
    %select_n3A_199 = arith.select %eq3A_196, %iota3A, %broadcast_in_dim3A_198 : vector<256x4096xi1>, vector<256x4096xi32>
    %reduce_min3A_200 = arith.constant dense<2147483647> : vector<256xi32>
    %reduce_min3A_201 = vector.multi_reduction <minsi>, %select_n3A_199, %reduce_min3A_200 [1] : vector<256x4096xi32> to vector<256xi32>
    %broadcast_in_dim3A_202 = vector.shape_cast %reduce_min3A_201 : vector<256xi32> to vector<256x1xi32>
    %swap3A_203 = arith.constant 0 : index
    %swap3A_204 = arith.constant 9 : index
    %swap3A_205 = vector.load %arg7[%swap3A_203, %swap3A_204] : memref<256x20xi32, #tpu.memory_space<vmem>>, vector<256x1xi32>
    tpu.vector_store %arg7[%swap3A_203, %swap3A_204], %broadcast_in_dim3A_202 {strides = array<i32>} : memref<256x20xi32, #tpu.memory_space<vmem>>, vector<256x1xi32>,
    %eq3A_206 = vector.broadcast %broadcast_in_dim3A_202 : vector<256x1xi32> to vector<256x4096xi32>
    %eq3A_207 = arith.cmpi eq, %iota3A, %eq3A_206 : vector<256x4096xi32>
    %jit3A_208 = arith.constant 0x7F800000 : f32
    %broadcast_in_dim3A_209 = vector.broadcast %jit3A_208 : f32 to vector<256x4096xf32>
    %select_n3A_210 = arith.select %eq3A_207, %broadcast_in_dim3A_209, %select_n3A_191 : vector<256x4096xi1>, vector<256x4096xf32>
    %reduce_min3A_211 = arith.constant dense<0x7F800000> : vector<256xf32>
    %reduce_min3A_212 = vector.multi_reduction <minimumf>, %select_n3A_210, %reduce_min3A_211 [1] : vector<256x4096xf32> to vector<256xf32>
    %broadcast_in_dim3A_213 = vector.shape_cast %reduce_min3A_212 : vector<256xf32> to vector<256x1xf32>
    %eq3A_214 = vector.broadcast %broadcast_in_dim3A_213 : vector<256x1xf32> to vector<256x4096xf32>
    %eq3A_215 = arith.cmpf oeq, %select_n3A_210, %eq3A_214 : vector<256x4096xf32>
    %jit3A_216 = arith.constant 4096 : i32
    %broadcast_in_dim3A_217 = vector.broadcast %jit3A_216 : i32 to vector<256x4096xi32>
    %select_n3A_218 = arith.select %eq3A_215, %iota3A, %broadcast_in_dim3A_217 : vector<256x4096xi1>, vector<256x4096xi32>
    %reduce_min3A_219 = arith.constant dense<2147483647> : vector<256xi32>
    %reduce_min3A_220 = vector.multi_reduction <minsi>, %select_n3A_218, %reduce_min3A_219 [1] : vector<256x4096xi32> to vector<256xi32>
    %broadcast_in_dim3A_221 = vector.shape_cast %reduce_min3A_220 : vector<256xi32> to vector<256x1xi32>
    %swap3A_222 = arith.constant 0 : index
    %swap3A_223 = arith.constant 10 : index
    %swap3A_224 = vector.load %arg7[%swap3A_222, %swap3A_223] : memref<256x20xi32, #tpu.memory_space<vmem>>, vector<256x1xi32>
    tpu.vector_store %arg7[%swap3A_222, %swap3A_223], %broadcast_in_dim3A_221 {strides = array<i32>} : memref<256x20xi32, #tpu.memory_space<vmem>>, vector<256x1xi32>,
    %eq3A_225 = vector.broadcast %broadcast_in_dim3A_221 : vector<256x1xi32> to vector<256x4096xi32>
    %eq3A_226 = arith.cmpi eq, %iota3A, %eq3A_225 : vector<256x4096xi32>
    %jit3A_227 = arith.constant 0x7F800000 : f32
    %broadcast_in_dim3A_228 = vector.broadcast %jit3A_227 : f32 to vector<256x4096xf32>
    %select_n3A_229 = arith.select %eq3A_226, %broadcast_in_dim3A_228, %select_n3A_210 : vector<256x4096xi1>, vector<256x4096xf32>
    %reduce_min3A_230 = arith.constant dense<0x7F800000> : vector<256xf32>
    %reduce_min3A_231 = vector.multi_reduction <minimumf>, %select_n3A_229, %reduce_min3A_230 [1] : vector<256x4096xf32> to vector<256xf32>
    %broadcast_in_dim3A_232 = vector.shape_cast %reduce_min3A_231 : vector<256xf32> to vector<256x1xf32>
    %eq3A_233 = vector.broadcast %broadcast_in_dim3A_232 : vector<256x1xf32> to vector<256x4096xf32>
    %eq3A_234 = arith.cmpf oeq, %select_n3A_229, %eq3A_233 : vector<256x4096xf32>
    %jit3A_235 = arith.constant 4096 : i32
    %broadcast_in_dim3A_236 = vector.broadcast %jit3A_235 : i32 to vector<256x4096xi32>
    %select_n3A_237 = arith.select %eq3A_234, %iota3A, %broadcast_in_dim3A_236 : vector<256x4096xi1>, vector<256x4096xi32>
    %reduce_min3A_238 = arith.constant dense<2147483647> : vector<256xi32>
    %reduce_min3A_239 = vector.multi_reduction <minsi>, %select_n3A_237, %reduce_min3A_238 [1] : vector<256x4096xi32> to vector<256xi32>
    %broadcast_in_dim3A_240 = vector.shape_cast %reduce_min3A_239 : vector<256xi32> to vector<256x1xi32>
    %swap3A_241 = arith.constant 0 : index
    %swap3A_242 = arith.constant 11 : index
    %swap3A_243 = vector.load %arg7[%swap3A_241, %swap3A_242] : memref<256x20xi32, #tpu.memory_space<vmem>>, vector<256x1xi32>
    tpu.vector_store %arg7[%swap3A_241, %swap3A_242], %broadcast_in_dim3A_240 {strides = array<i32>} : memref<256x20xi32, #tpu.memory_space<vmem>>, vector<256x1xi32>,
    %eq3A_244 = vector.broadcast %broadcast_in_dim3A_240 : vector<256x1xi32> to vector<256x4096xi32>
    %eq3A_245 = arith.cmpi eq, %iota3A, %eq3A_244 : vector<256x4096xi32>
    %jit3A_246 = arith.constant 0x7F800000 : f32
    %broadcast_in_dim3A_247 = vector.broadcast %jit3A_246 : f32 to vector<256x4096xf32>
    %select_n3A_248 = arith.select %eq3A_245, %broadcast_in_dim3A_247, %select_n3A_229 : vector<256x4096xi1>, vector<256x4096xf32>
    %reduce_min3A_249 = arith.constant dense<0x7F800000> : vector<256xf32>
    %reduce_min3A_250 = vector.multi_reduction <minimumf>, %select_n3A_248, %reduce_min3A_249 [1] : vector<256x4096xf32> to vector<256xf32>
    %broadcast_in_dim3A_251 = vector.shape_cast %reduce_min3A_250 : vector<256xf32> to vector<256x1xf32>
    %eq3A_252 = vector.broadcast %broadcast_in_dim3A_251 : vector<256x1xf32> to vector<256x4096xf32>
    %eq3A_253 = arith.cmpf oeq, %select_n3A_248, %eq3A_252 : vector<256x4096xf32>
    %jit3A_254 = arith.constant 4096 : i32
    %broadcast_in_dim3A_255 = vector.broadcast %jit3A_254 : i32 to vector<256x4096xi32>
    %select_n3A_256 = arith.select %eq3A_253, %iota3A, %broadcast_in_dim3A_255 : vector<256x4096xi1>, vector<256x4096xi32>
    %reduce_min3A_257 = arith.constant dense<2147483647> : vector<256xi32>
    %reduce_min3A_258 = vector.multi_reduction <minsi>, %select_n3A_256, %reduce_min3A_257 [1] : vector<256x4096xi32> to vector<256xi32>
    %broadcast_in_dim3A_259 = vector.shape_cast %reduce_min3A_258 : vector<256xi32> to vector<256x1xi32>
    %swap3A_260 = arith.constant 0 : index
    %swap3A_261 = arith.constant 12 : index
    %swap3A_262 = vector.load %arg7[%swap3A_260, %swap3A_261] : memref<256x20xi32, #tpu.memory_space<vmem>>, vector<256x1xi32>
    tpu.vector_store %arg7[%swap3A_260, %swap3A_261], %broadcast_in_dim3A_259 {strides = array<i32>} : memref<256x20xi32, #tpu.memory_space<vmem>>, vector<256x1xi32>,
    %eq3A_263 = vector.broadcast %broadcast_in_dim3A_259 : vector<256x1xi32> to vector<256x4096xi32>
    %eq3A_264 = arith.cmpi eq, %iota3A, %eq3A_263 : vector<256x4096xi32>
    %jit3A_265 = arith.constant 0x7F800000 : f32
    %broadcast_in_dim3A_266 = vector.broadcast %jit3A_265 : f32 to vector<256x4096xf32>
    %select_n3A_267 = arith.select %eq3A_264, %broadcast_in_dim3A_266, %select_n3A_248 : vector<256x4096xi1>, vector<256x4096xf32>
    %reduce_min3A_268 = arith.constant dense<0x7F800000> : vector<256xf32>
    %reduce_min3A_269 = vector.multi_reduction <minimumf>, %select_n3A_267, %reduce_min3A_268 [1] : vector<256x4096xf32> to vector<256xf32>
    %broadcast_in_dim3A_270 = vector.shape_cast %reduce_min3A_269 : vector<256xf32> to vector<256x1xf32>
    %eq3A_271 = vector.broadcast %broadcast_in_dim3A_270 : vector<256x1xf32> to vector<256x4096xf32>
    %eq3A_272 = arith.cmpf oeq, %select_n3A_267, %eq3A_271 : vector<256x4096xf32>
    %jit3A_273 = arith.constant 4096 : i32
    %broadcast_in_dim3A_274 = vector.broadcast %jit3A_273 : i32 to vector<256x4096xi32>
    %select_n3A_275 = arith.select %eq3A_272, %iota3A, %broadcast_in_dim3A_274 : vector<256x4096xi1>, vector<256x4096xi32>
    %reduce_min3A_276 = arith.constant dense<2147483647> : vector<256xi32>
    %reduce_min3A_277 = vector.multi_reduction <minsi>, %select_n3A_275, %reduce_min3A_276 [1] : vector<256x4096xi32> to vector<256xi32>
    %broadcast_in_dim3A_278 = vector.shape_cast %reduce_min3A_277 : vector<256xi32> to vector<256x1xi32>
    %swap3A_279 = arith.constant 0 : index
    %swap3A_280 = arith.constant 13 : index
    %swap3A_281 = vector.load %arg7[%swap3A_279, %swap3A_280] : memref<256x20xi32, #tpu.memory_space<vmem>>, vector<256x1xi32>
    tpu.vector_store %arg7[%swap3A_279, %swap3A_280], %broadcast_in_dim3A_278 {strides = array<i32>} : memref<256x20xi32, #tpu.memory_space<vmem>>, vector<256x1xi32>,
    %eq3A_282 = vector.broadcast %broadcast_in_dim3A_278 : vector<256x1xi32> to vector<256x4096xi32>
    %eq3A_283 = arith.cmpi eq, %iota3A, %eq3A_282 : vector<256x4096xi32>
    %jit3A_284 = arith.constant 0x7F800000 : f32
    %broadcast_in_dim3A_285 = vector.broadcast %jit3A_284 : f32 to vector<256x4096xf32>
    %select_n3A_286 = arith.select %eq3A_283, %broadcast_in_dim3A_285, %select_n3A_267 : vector<256x4096xi1>, vector<256x4096xf32>
    %reduce_min3A_287 = arith.constant dense<0x7F800000> : vector<256xf32>
    %reduce_min3A_288 = vector.multi_reduction <minimumf>, %select_n3A_286, %reduce_min3A_287 [1] : vector<256x4096xf32> to vector<256xf32>
    %broadcast_in_dim3A_289 = vector.shape_cast %reduce_min3A_288 : vector<256xf32> to vector<256x1xf32>
    %eq3A_290 = vector.broadcast %broadcast_in_dim3A_289 : vector<256x1xf32> to vector<256x4096xf32>
    %eq3A_291 = arith.cmpf oeq, %select_n3A_286, %eq3A_290 : vector<256x4096xf32>
    %jit3A_292 = arith.constant 4096 : i32
    %broadcast_in_dim3A_293 = vector.broadcast %jit3A_292 : i32 to vector<256x4096xi32>
    %select_n3A_294 = arith.select %eq3A_291, %iota3A, %broadcast_in_dim3A_293 : vector<256x4096xi1>, vector<256x4096xi32>
    %reduce_min3A_295 = arith.constant dense<2147483647> : vector<256xi32>
    %reduce_min3A_296 = vector.multi_reduction <minsi>, %select_n3A_294, %reduce_min3A_295 [1] : vector<256x4096xi32> to vector<256xi32>
    %broadcast_in_dim3A_297 = vector.shape_cast %reduce_min3A_296 : vector<256xi32> to vector<256x1xi32>
    %swap3A_298 = arith.constant 0 : index
    %swap3A_299 = arith.constant 14 : index
    %swap3A_300 = vector.load %arg7[%swap3A_298, %swap3A_299] : memref<256x20xi32, #tpu.memory_space<vmem>>, vector<256x1xi32>
    tpu.vector_store %arg7[%swap3A_298, %swap3A_299], %broadcast_in_dim3A_297 {strides = array<i32>} : memref<256x20xi32, #tpu.memory_space<vmem>>, vector<256x1xi32>,
    %eq3A_301 = vector.broadcast %broadcast_in_dim3A_297 : vector<256x1xi32> to vector<256x4096xi32>
    %eq3A_302 = arith.cmpi eq, %iota3A, %eq3A_301 : vector<256x4096xi32>
    %jit3A_303 = arith.constant 0x7F800000 : f32
    %broadcast_in_dim3A_304 = vector.broadcast %jit3A_303 : f32 to vector<256x4096xf32>
    %select_n3A_305 = arith.select %eq3A_302, %broadcast_in_dim3A_304, %select_n3A_286 : vector<256x4096xi1>, vector<256x4096xf32>
    %reduce_min3A_306 = arith.constant dense<0x7F800000> : vector<256xf32>
    %reduce_min3A_307 = vector.multi_reduction <minimumf>, %select_n3A_305, %reduce_min3A_306 [1] : vector<256x4096xf32> to vector<256xf32>
    %broadcast_in_dim3A_308 = vector.shape_cast %reduce_min3A_307 : vector<256xf32> to vector<256x1xf32>
    %eq3A_309 = vector.broadcast %broadcast_in_dim3A_308 : vector<256x1xf32> to vector<256x4096xf32>
    %eq3A_310 = arith.cmpf oeq, %select_n3A_305, %eq3A_309 : vector<256x4096xf32>
    %jit3A_311 = arith.constant 4096 : i32
    %broadcast_in_dim3A_312 = vector.broadcast %jit3A_311 : i32 to vector<256x4096xi32>
    %select_n3A_313 = arith.select %eq3A_310, %iota3A, %broadcast_in_dim3A_312 : vector<256x4096xi1>, vector<256x4096xi32>
    %reduce_min3A_314 = arith.constant dense<2147483647> : vector<256xi32>
    %reduce_min3A_315 = vector.multi_reduction <minsi>, %select_n3A_313, %reduce_min3A_314 [1] : vector<256x4096xi32> to vector<256xi32>
    %broadcast_in_dim3A_316 = vector.shape_cast %reduce_min3A_315 : vector<256xi32> to vector<256x1xi32>
    %swap3A_317 = arith.constant 0 : index
    %swap3A_318 = arith.constant 15 : index
    %swap3A_319 = vector.load %arg7[%swap3A_317, %swap3A_318] : memref<256x20xi32, #tpu.memory_space<vmem>>, vector<256x1xi32>
    tpu.vector_store %arg7[%swap3A_317, %swap3A_318], %broadcast_in_dim3A_316 {strides = array<i32>} : memref<256x20xi32, #tpu.memory_space<vmem>>, vector<256x1xi32>,
    %eq3A_320 = vector.broadcast %broadcast_in_dim3A_316 : vector<256x1xi32> to vector<256x4096xi32>
    %eq3A_321 = arith.cmpi eq, %iota3A, %eq3A_320 : vector<256x4096xi32>
    %jit3A_322 = arith.constant 0x7F800000 : f32
    %broadcast_in_dim3A_323 = vector.broadcast %jit3A_322 : f32 to vector<256x4096xf32>
    %select_n3A_324 = arith.select %eq3A_321, %broadcast_in_dim3A_323, %select_n3A_305 : vector<256x4096xi1>, vector<256x4096xf32>
    %reduce_min3A_325 = arith.constant dense<0x7F800000> : vector<256xf32>
    %reduce_min3A_326 = vector.multi_reduction <minimumf>, %select_n3A_324, %reduce_min3A_325 [1] : vector<256x4096xf32> to vector<256xf32>
    %broadcast_in_dim3A_327 = vector.shape_cast %reduce_min3A_326 : vector<256xf32> to vector<256x1xf32>
    %eq3A_328 = vector.broadcast %broadcast_in_dim3A_327 : vector<256x1xf32> to vector<256x4096xf32>
    %eq3A_329 = arith.cmpf oeq, %select_n3A_324, %eq3A_328 : vector<256x4096xf32>
    %jit3A_330 = arith.constant 4096 : i32
    %broadcast_in_dim3A_331 = vector.broadcast %jit3A_330 : i32 to vector<256x4096xi32>
    %select_n3A_332 = arith.select %eq3A_329, %iota3A, %broadcast_in_dim3A_331 : vector<256x4096xi1>, vector<256x4096xi32>
    %reduce_min3A_333 = arith.constant dense<2147483647> : vector<256xi32>
    %reduce_min3A_334 = vector.multi_reduction <minsi>, %select_n3A_332, %reduce_min3A_333 [1] : vector<256x4096xi32> to vector<256xi32>
    %broadcast_in_dim3A_335 = vector.shape_cast %reduce_min3A_334 : vector<256xi32> to vector<256x1xi32>
    %swap3A_336 = arith.constant 0 : index
    %swap3A_337 = arith.constant 16 : index
    %swap3A_338 = vector.load %arg7[%swap3A_336, %swap3A_337] : memref<256x20xi32, #tpu.memory_space<vmem>>, vector<256x1xi32>
    tpu.vector_store %arg7[%swap3A_336, %swap3A_337], %broadcast_in_dim3A_335 {strides = array<i32>} : memref<256x20xi32, #tpu.memory_space<vmem>>, vector<256x1xi32>,
    %eq3A_339 = vector.broadcast %broadcast_in_dim3A_335 : vector<256x1xi32> to vector<256x4096xi32>
    %eq3A_340 = arith.cmpi eq, %iota3A, %eq3A_339 : vector<256x4096xi32>
    %jit3A_341 = arith.constant 0x7F800000 : f32
    %broadcast_in_dim3A_342 = vector.broadcast %jit3A_341 : f32 to vector<256x4096xf32>
    %select_n3A_343 = arith.select %eq3A_340, %broadcast_in_dim3A_342, %select_n3A_324 : vector<256x4096xi1>, vector<256x4096xf32>
    %reduce_min3A_344 = arith.constant dense<0x7F800000> : vector<256xf32>
    %reduce_min3A_345 = vector.multi_reduction <minimumf>, %select_n3A_343, %reduce_min3A_344 [1] : vector<256x4096xf32> to vector<256xf32>
    %broadcast_in_dim3A_346 = vector.shape_cast %reduce_min3A_345 : vector<256xf32> to vector<256x1xf32>
    %eq3A_347 = vector.broadcast %broadcast_in_dim3A_346 : vector<256x1xf32> to vector<256x4096xf32>
    %eq3A_348 = arith.cmpf oeq, %select_n3A_343, %eq3A_347 : vector<256x4096xf32>
    %jit3A_349 = arith.constant 4096 : i32
    %broadcast_in_dim3A_350 = vector.broadcast %jit3A_349 : i32 to vector<256x4096xi32>
    %select_n3A_351 = arith.select %eq3A_348, %iota3A, %broadcast_in_dim3A_350 : vector<256x4096xi1>, vector<256x4096xi32>
    %reduce_min3A_352 = arith.constant dense<2147483647> : vector<256xi32>
    %reduce_min3A_353 = vector.multi_reduction <minsi>, %select_n3A_351, %reduce_min3A_352 [1] : vector<256x4096xi32> to vector<256xi32>
    %broadcast_in_dim3A_354 = vector.shape_cast %reduce_min3A_353 : vector<256xi32> to vector<256x1xi32>
    %swap3A_355 = arith.constant 0 : index
    %swap3A_356 = arith.constant 17 : index
    %swap3A_357 = vector.load %arg7[%swap3A_355, %swap3A_356] : memref<256x20xi32, #tpu.memory_space<vmem>>, vector<256x1xi32>
    tpu.vector_store %arg7[%swap3A_355, %swap3A_356], %broadcast_in_dim3A_354 {strides = array<i32>} : memref<256x20xi32, #tpu.memory_space<vmem>>, vector<256x1xi32>,
    %eq3A_358 = vector.broadcast %broadcast_in_dim3A_354 : vector<256x1xi32> to vector<256x4096xi32>
    %eq3A_359 = arith.cmpi eq, %iota3A, %eq3A_358 : vector<256x4096xi32>
    %jit3A_360 = arith.constant 0x7F800000 : f32
    %broadcast_in_dim3A_361 = vector.broadcast %jit3A_360 : f32 to vector<256x4096xf32>
    %select_n3A_362 = arith.select %eq3A_359, %broadcast_in_dim3A_361, %select_n3A_343 : vector<256x4096xi1>, vector<256x4096xf32>
    %reduce_min3A_363 = arith.constant dense<0x7F800000> : vector<256xf32>
    %reduce_min3A_364 = vector.multi_reduction <minimumf>, %select_n3A_362, %reduce_min3A_363 [1] : vector<256x4096xf32> to vector<256xf32>
    %broadcast_in_dim3A_365 = vector.shape_cast %reduce_min3A_364 : vector<256xf32> to vector<256x1xf32>
    %eq3A_366 = vector.broadcast %broadcast_in_dim3A_365 : vector<256x1xf32> to vector<256x4096xf32>
    %eq3A_367 = arith.cmpf oeq, %select_n3A_362, %eq3A_366 : vector<256x4096xf32>
    %jit3A_368 = arith.constant 4096 : i32
    %broadcast_in_dim3A_369 = vector.broadcast %jit3A_368 : i32 to vector<256x4096xi32>
    %select_n3A_370 = arith.select %eq3A_367, %iota3A, %broadcast_in_dim3A_369 : vector<256x4096xi1>, vector<256x4096xi32>
    %reduce_min3A_371 = arith.constant dense<2147483647> : vector<256xi32>
    %reduce_min3A_372 = vector.multi_reduction <minsi>, %select_n3A_370, %reduce_min3A_371 [1] : vector<256x4096xi32> to vector<256xi32>
    %broadcast_in_dim3A_373 = vector.shape_cast %reduce_min3A_372 : vector<256xi32> to vector<256x1xi32>
    %swap3A_374 = arith.constant 0 : index
    %swap3A_375 = arith.constant 18 : index
    %swap3A_376 = vector.load %arg7[%swap3A_374, %swap3A_375] : memref<256x20xi32, #tpu.memory_space<vmem>>, vector<256x1xi32>
    tpu.vector_store %arg7[%swap3A_374, %swap3A_375], %broadcast_in_dim3A_373 {strides = array<i32>} : memref<256x20xi32, #tpu.memory_space<vmem>>, vector<256x1xi32>,
    %eq3A_377 = vector.broadcast %broadcast_in_dim3A_373 : vector<256x1xi32> to vector<256x4096xi32>
    %eq3A_378 = arith.cmpi eq, %iota3A, %eq3A_377 : vector<256x4096xi32>
    %jit3A_379 = arith.constant 0x7F800000 : f32
    %broadcast_in_dim3A_380 = vector.broadcast %jit3A_379 : f32 to vector<256x4096xf32>
    %select_n3A_381 = arith.select %eq3A_378, %broadcast_in_dim3A_380, %select_n3A_362 : vector<256x4096xi1>, vector<256x4096xf32>
    %reduce_min3A_382 = arith.constant dense<0x7F800000> : vector<256xf32>
    %reduce_min3A_383 = vector.multi_reduction <minimumf>, %select_n3A_381, %reduce_min3A_382 [1] : vector<256x4096xf32> to vector<256xf32>
    %broadcast_in_dim3A_384 = vector.shape_cast %reduce_min3A_383 : vector<256xf32> to vector<256x1xf32>
    %eq3A_385 = vector.broadcast %broadcast_in_dim3A_384 : vector<256x1xf32> to vector<256x4096xf32>
    %eq3A_386 = arith.cmpf oeq, %select_n3A_381, %eq3A_385 : vector<256x4096xf32>
    %jit3A_387 = arith.constant 4096 : i32
    %broadcast_in_dim3A_388 = vector.broadcast %jit3A_387 : i32 to vector<256x4096xi32>
    %select_n3A_389 = arith.select %eq3A_386, %iota3A, %broadcast_in_dim3A_388 : vector<256x4096xi1>, vector<256x4096xi32>
    %reduce_min3A_390 = arith.constant dense<2147483647> : vector<256xi32>
    %reduce_min3A_391 = vector.multi_reduction <minsi>, %select_n3A_389, %reduce_min3A_390 [1] : vector<256x4096xi32> to vector<256xi32>
    %broadcast_in_dim3A_392 = vector.shape_cast %reduce_min3A_391 : vector<256xi32> to vector<256x1xi32>
    %swap3A_393 = arith.constant 0 : index
    %swap3A_394 = arith.constant 19 : index
    %swap3A_395 = vector.load %arg7[%swap3A_393, %swap3A_394] : memref<256x20xi32, #tpu.memory_space<vmem>>, vector<256x1xi32>
    tpu.vector_store %arg7[%swap3A_393, %swap3A_394], %broadcast_in_dim3A_392 {strides = array<i32>} : memref<256x20xi32, #tpu.memory_space<vmem>>, vector<256x1xi32>,
    return
  }
  func.func @transform_0(%arg0: i32) -> (i32, i32) {
    %c0_i32 = arith.constant 0 : i32
    %c0_i32_0 = arith.constant 0 : i32
    return %arg0, %c0_i32 : i32, i32
  }
  func.func @transform_1(%arg0: i32) -> (i32, i32) {
    %c0_i32 = arith.constant 0 : i32
    %c0_i32_0 = arith.constant 0 : i32
    %c0_i32_1 = arith.constant 0 : i32
    return %c0_i32, %c0_i32_0 : i32, i32
  }
  func.func @transform_2(%arg0: i32) -> (i32, i32) {
    %c0_i32 = arith.constant 0 : i32
    %c0_i32_0 = arith.constant 0 : i32
    return %arg0, %c0_i32 : i32, i32
  }
  func.func @transform_3(%arg0: i32) -> (i32, i32) {
    %c0_i32 = arith.constant 0 : i32
    %c0_i32_0 = arith.constant 0 : i32
    %c0_i32_1 = arith.constant 0 : i32
    return %c0_i32, %c0_i32_0 : i32, i32
  }
  func.func @transform_4(%arg0: i32) -> (i32, i32) {
    %c0_i32 = arith.constant 0 : i32
    %c0_i32_0 = arith.constant 0 : i32
    return %arg0, %c0_i32 : i32, i32
  }
  func.func @transform_5(%arg0: i32) -> (i32, i32) {
    %c0_i32 = arith.constant 0 : i32
    %c0_i32_0 = arith.constant 0 : i32
    %c0_i32_1 = arith.constant 0 : i32
    return %c0_i32, %c0_i32_0 : i32, i32
  }
  func.func @transform_6(%arg0: i32) -> (i32, i32) {
    %c0_i32 = arith.constant 0 : i32
    %c0_i32_0 = arith.constant 0 : i32
    return %arg0, %c0_i32 : i32, i32
  }
}

module attributes {stable_mosaic.version = 14 : i64} {
  func.func @_prep_body(%arg0: memref<4096x64xf32, #tpu.memory_space<vmem>>, %arg1: memref<64x128xf32, #tpu.memory_space<vmem>>, %arg2: memref<64x128xf32, #tpu.memory_space<vmem>>, %arg3: memref<1x128xf32, #tpu.memory_space<vmem>>, %arg4: memref<4096x128xf32, #tpu.memory_space<vmem>>, %arg5: memref<4096x128xf32, #tpu.memory_space<vmem>>, %arg6: memref<4096x1xf32, #tpu.memory_space<vmem>>) attributes {dimension_semantics = [], scalar_prefetch = 0 : i64, scratch_operands = 0 : i64, tpu.core_type = #tpu.core_type<tc>} {
    %get3A = arith.constant 0 : index
    %get3A_0 = arith.constant 0 : index
    %get3A_1 = vector.load %arg0[%get3A, %get3A_0] : memref<4096x64xf32, #tpu.memory_space<vmem>>, vector<4096x64xf32>
    %get3A_2 = arith.constant 0 : index
    %get3A_3 = arith.constant 0 : index
    %get3A_4 = vector.load %arg1[%get3A_2, %get3A_3] : memref<64x128xf32, #tpu.memory_space<vmem>>, vector<64x128xf32>
    %dot_general3A = arith.constant dense<0.000000e+00> : vector<4096x128xf32>
    %dot_general3A_5 = tpu.matmul %get3A_1, %get3A_4, %dot_general3A {dimension_numbers = #tpu.dot_dimension_numbers<[1], [0], [0], [1], [0, 0, 1, 1], [], []>, transpose_lhs_hint = false} : vector<4096x64xf32>, vector<64x128xf32>, vector<4096x128xf32> -> vector<4096x128xf32>
    %get3A_6 = arith.constant 0 : index
    %get3A_7 = arith.constant 0 : index
    %get3A_8 = vector.load %arg3[%get3A_6, %get3A_7] : memref<1x128xf32, #tpu.memory_space<vmem>>, vector<1x128xf32>
    %add3A = vector.broadcast %get3A_8 : vector<1x128xf32> to vector<4096x128xf32>
    %add3A_9 = arith.addf %dot_general3A_5, %add3A : vector<4096x128xf32>
    %swap3A = arith.constant 0 : index
    %swap3A_10 = arith.constant 0 : index
    %swap3A_11 = vector.load %arg4[%swap3A, %swap3A_10] : memref<4096x128xf32, #tpu.memory_space<vmem>>, vector<4096x128xf32>
    tpu.vector_store %arg4[%swap3A, %swap3A_10], %add3A_9 {strides = array<i32>} : memref<4096x128xf32, #tpu.memory_space<vmem>>, vector<4096x128xf32>,
    %get3A_12 = arith.constant 0 : index
    %get3A_13 = arith.constant 0 : index
    %get3A_14 = vector.load %arg2[%get3A_12, %get3A_13] : memref<64x128xf32, #tpu.memory_space<vmem>>, vector<64x128xf32>
    %dot_general3A_15 = arith.constant dense<0.000000e+00> : vector<4096x128xf32>
    %dot_general3A_16 = tpu.matmul %get3A_1, %get3A_14, %dot_general3A_15 {dimension_numbers = #tpu.dot_dimension_numbers<[1], [0], [0], [1], [0, 0, 1, 1], [], []>, transpose_lhs_hint = false} : vector<4096x64xf32>, vector<64x128xf32>, vector<4096x128xf32> -> vector<4096x128xf32>
    %swap3A_17 = arith.constant 0 : index
    %swap3A_18 = arith.constant 0 : index
    %swap3A_19 = vector.load %arg5[%swap3A_17, %swap3A_18] : memref<4096x128xf32, #tpu.memory_space<vmem>>, vector<4096x128xf32>
    tpu.vector_store %arg5[%swap3A_17, %swap3A_18], %dot_general3A_16 {strides = array<i32>} : memref<4096x128xf32, #tpu.memory_space<vmem>>, vector<4096x128xf32>,
    %mul3A = arith.mulf %get3A_1, %get3A_1 : vector<4096x64xf32>
    %reduce_sum3A = arith.constant dense<0.000000e+00> : vector<4096xf32>
    %reduce_sum3A_20 = vector.multi_reduction <add>, %mul3A, %reduce_sum3A [1] : vector<4096x64xf32> to vector<4096xf32>
    %broadcast_in_dim3A = vector.shape_cast %reduce_sum3A_20 : vector<4096xf32> to vector<4096x1xf32>
    %swap3A_21 = arith.constant 0 : index
    %swap3A_22 = arith.constant 0 : index
    %swap3A_23 = vector.load %arg6[%swap3A_21, %swap3A_22] : memref<4096x1xf32, #tpu.memory_space<vmem>>, vector<4096x1xf32>
    tpu.vector_store %arg6[%swap3A_21, %swap3A_22], %broadcast_in_dim3A {strides = array<i32>} : memref<4096x1xf32, #tpu.memory_space<vmem>>, vector<4096x1xf32>,
    return
  }
}

module attributes {stable_mosaic.version = 14 : i64} {
  func.func @_aggr_body(%arg0: i32, %arg1: memref<256x20x128xf32, #tpu.memory_space<vmem>>, %arg2: memref<256x128xf32, #tpu.memory_space<vmem>>, %arg3: memref<256x128xf32, #tpu.memory_space<vmem>>) attributes {dimension_semantics = [#tpu.dimension_semantics<arbitrary>], iteration_bounds = array<i64: 16>, scalar_prefetch = 0 : i64, scratch_operands = 0 : i64, tpu.core_type = #tpu.core_type<tc>, window_params = [{transform_indices = @transform_0, window_bounds = array<i64: 256, 20, 128>}, {transform_indices = @transform_1, window_bounds = array<i64: 256, 128>}, {transform_indices = @transform_2, window_bounds = array<i64: 256, 128>}]} {
    %get3A = arith.constant 0 : index
    %get3A_0 = arith.constant 0 : index
    %get3A_1 = arith.constant 0 : index
    %get3A_2 = vector.load %arg1[%get3A, %get3A_0, %get3A_1] : memref<256x20x128xf32, #tpu.memory_space<vmem>>, vector<256x20x128xf32>
    %reduce_max3A = arith.constant dense<0xFF800000> : vector<256x128xf32>
    %reduce_max3A_3 = vector.multi_reduction <maximumf>, %get3A_2, %reduce_max3A [1] : vector<256x20x128xf32> to vector<256x128xf32>
    %get3A_4 = arith.constant 0 : index
    %get3A_5 = arith.constant 0 : index
    %get3A_6 = vector.load %arg2[%get3A_4, %get3A_5] : memref<256x128xf32, #tpu.memory_space<vmem>>, vector<256x128xf32>
    %add3A = arith.addf %get3A_6, %reduce_max3A_3 : vector<256x128xf32>
    %max3A = arith.constant 0.000000e+00 : f32
    %max3A_7 = vector.broadcast %max3A : f32 to vector<256x128xf32>
    %max3A_8 = arith.maximumf %add3A, %max3A_7 : vector<256x128xf32>
    %swap3A = arith.constant 0 : index
    %swap3A_9 = arith.constant 0 : index
    %swap3A_10 = vector.load %arg3[%swap3A, %swap3A_9] : memref<256x128xf32, #tpu.memory_space<vmem>>, vector<256x128xf32>
    tpu.vector_store %arg3[%swap3A, %swap3A_9], %max3A_8 {strides = array<i32>} : memref<256x128xf32, #tpu.memory_space<vmem>>, vector<256x128xf32>,
    return
  }
  func.func @transform_0(%arg0: i32) -> (i32, i32, i32) {
    %c0_i32 = arith.constant 0 : i32
    %c0_i32_0 = arith.constant 0 : i32
    %c0_i32_1 = arith.constant 0 : i32
    return %arg0, %c0_i32, %c0_i32_0 : i32, i32, i32
  }
  func.func @transform_1(%arg0: i32) -> (i32, i32) {
    %c0_i32 = arith.constant 0 : i32
    %c0_i32_0 = arith.constant 0 : i32
    return %arg0, %c0_i32 : i32, i32
  }
  func.func @transform_2(%arg0: i32) -> (i32, i32) {
    %c0_i32 = arith.constant 0 : i32
    %c0_i32_0 = arith.constant 0 : i32
    return %arg0, %c0_i32 : i32, i32
  }
}

module attributes {stable_mosaic.version = 14 : i64} {
  func.func @_prep_body(%arg0: memref<4096x128xf32, #tpu.memory_space<vmem>>, %arg1: memref<128x256xf32, #tpu.memory_space<vmem>>, %arg2: memref<128x256xf32, #tpu.memory_space<vmem>>, %arg3: memref<1x256xf32, #tpu.memory_space<vmem>>, %arg4: memref<4096x256xf32, #tpu.memory_space<vmem>>, %arg5: memref<4096x256xf32, #tpu.memory_space<vmem>>, %arg6: memref<4096x1xf32, #tpu.memory_space<vmem>>) attributes {dimension_semantics = [], scalar_prefetch = 0 : i64, scratch_operands = 0 : i64, tpu.core_type = #tpu.core_type<tc>} {
    %get3A = arith.constant 0 : index
    %get3A_0 = arith.constant 0 : index
    %get3A_1 = vector.load %arg0[%get3A, %get3A_0] : memref<4096x128xf32, #tpu.memory_space<vmem>>, vector<4096x128xf32>
    %get3A_2 = arith.constant 0 : index
    %get3A_3 = arith.constant 0 : index
    %get3A_4 = vector.load %arg1[%get3A_2, %get3A_3] : memref<128x256xf32, #tpu.memory_space<vmem>>, vector<128x256xf32>
    %dot_general3A = arith.constant dense<0.000000e+00> : vector<4096x256xf32>
    %dot_general3A_5 = tpu.matmul %get3A_1, %get3A_4, %dot_general3A {dimension_numbers = #tpu.dot_dimension_numbers<[1], [0], [0], [1], [0, 0, 1, 1], [], []>, transpose_lhs_hint = false} : vector<4096x128xf32>, vector<128x256xf32>, vector<4096x256xf32> -> vector<4096x256xf32>
    %get3A_6 = arith.constant 0 : index
    %get3A_7 = arith.constant 0 : index
    %get3A_8 = vector.load %arg3[%get3A_6, %get3A_7] : memref<1x256xf32, #tpu.memory_space<vmem>>, vector<1x256xf32>
    %add3A = vector.broadcast %get3A_8 : vector<1x256xf32> to vector<4096x256xf32>
    %add3A_9 = arith.addf %dot_general3A_5, %add3A : vector<4096x256xf32>
    %swap3A = arith.constant 0 : index
    %swap3A_10 = arith.constant 0 : index
    %swap3A_11 = vector.load %arg4[%swap3A, %swap3A_10] : memref<4096x256xf32, #tpu.memory_space<vmem>>, vector<4096x256xf32>
    tpu.vector_store %arg4[%swap3A, %swap3A_10], %add3A_9 {strides = array<i32>} : memref<4096x256xf32, #tpu.memory_space<vmem>>, vector<4096x256xf32>,
    %get3A_12 = arith.constant 0 : index
    %get3A_13 = arith.constant 0 : index
    %get3A_14 = vector.load %arg2[%get3A_12, %get3A_13] : memref<128x256xf32, #tpu.memory_space<vmem>>, vector<128x256xf32>
    %dot_general3A_15 = arith.constant dense<0.000000e+00> : vector<4096x256xf32>
    %dot_general3A_16 = tpu.matmul %get3A_1, %get3A_14, %dot_general3A_15 {dimension_numbers = #tpu.dot_dimension_numbers<[1], [0], [0], [1], [0, 0, 1, 1], [], []>, transpose_lhs_hint = false} : vector<4096x128xf32>, vector<128x256xf32>, vector<4096x256xf32> -> vector<4096x256xf32>
    %swap3A_17 = arith.constant 0 : index
    %swap3A_18 = arith.constant 0 : index
    %swap3A_19 = vector.load %arg5[%swap3A_17, %swap3A_18] : memref<4096x256xf32, #tpu.memory_space<vmem>>, vector<4096x256xf32>
    tpu.vector_store %arg5[%swap3A_17, %swap3A_18], %dot_general3A_16 {strides = array<i32>} : memref<4096x256xf32, #tpu.memory_space<vmem>>, vector<4096x256xf32>,
    %mul3A = arith.mulf %get3A_1, %get3A_1 : vector<4096x128xf32>
    %reduce_sum3A = arith.constant dense<0.000000e+00> : vector<4096xf32>
    %reduce_sum3A_20 = vector.multi_reduction <add>, %mul3A, %reduce_sum3A [1] : vector<4096x128xf32> to vector<4096xf32>
    %broadcast_in_dim3A = vector.shape_cast %reduce_sum3A_20 : vector<4096xf32> to vector<4096x1xf32>
    %swap3A_21 = arith.constant 0 : index
    %swap3A_22 = arith.constant 0 : index
    %swap3A_23 = vector.load %arg6[%swap3A_21, %swap3A_22] : memref<4096x1xf32, #tpu.memory_space<vmem>>, vector<4096x1xf32>
    tpu.vector_store %arg6[%swap3A_21, %swap3A_22], %broadcast_in_dim3A {strides = array<i32>} : memref<4096x1xf32, #tpu.memory_space<vmem>>, vector<4096x1xf32>,
    return
  }
}

module attributes {stable_mosaic.version = 14 : i64} {
  func.func @_topk_body(%arg0: i32, %arg1: memref<256x128xf32, #tpu.memory_space<vmem>>, %arg2: memref<4096x128xf32, #tpu.memory_space<vmem>>, %arg3: memref<256x1xf32, #tpu.memory_space<vmem>>, %arg4: memref<1x4096xf32, #tpu.memory_space<vmem>>, %arg5: memref<256x1xi32, #tpu.memory_space<vmem>>, %arg6: memref<1x4096xi32, #tpu.memory_space<vmem>>, %arg7: memref<256x20xi32, #tpu.memory_space<vmem>>) attributes {dimension_semantics = [#tpu.dimension_semantics<arbitrary>], iteration_bounds = array<i64: 16>, scalar_prefetch = 0 : i64, scratch_operands = 0 : i64, tpu.core_type = #tpu.core_type<tc>, window_params = [{transform_indices = @transform_0, window_bounds = array<i64: 256, 128>}, {pipeline_mode = #tpu.pipeline_mode<synchronous>, transform_indices = @transform_1, window_bounds = array<i64: 4096, 128>}, {transform_indices = @transform_2, window_bounds = array<i64: 256, 1>}, {pipeline_mode = #tpu.pipeline_mode<synchronous>, transform_indices = @transform_3, window_bounds = array<i64: 1, 4096>}, {transform_indices = @transform_4, window_bounds = array<i64: 256, 1>}, {pipeline_mode = #tpu.pipeline_mode<synchronous>, transform_indices = @transform_5, window_bounds = array<i64: 1, 4096>}, {transform_indices = @transform_6, window_bounds = array<i64: 256, 20>}]} {
    %get3A = arith.constant 0 : index
    %get3A_0 = arith.constant 0 : index
    %get3A_1 = vector.load %arg1[%get3A, %get3A_0] : memref<256x128xf32, #tpu.memory_space<vmem>>, vector<256x128xf32>
    %get3A_2 = arith.constant 0 : index
    %get3A_3 = arith.constant 0 : index
    %get3A_4 = vector.load %arg2[%get3A_2, %get3A_3] : memref<4096x128xf32, #tpu.memory_space<vmem>>, vector<4096x128xf32>
    %dot_general3A = arith.constant dense<0.000000e+00> : vector<256x4096xf32>
    %dot_general3A_5 = tpu.matmul %get3A_1, %get3A_4, %dot_general3A {dimension_numbers = #tpu.dot_dimension_numbers<[1], [1], [0], [0], [0, 0, 1, 0], [], []>, transpose_lhs_hint = false} : vector<256x128xf32>, vector<4096x128xf32>, vector<256x4096xf32> -> vector<256x4096xf32>
    %get3A_6 = arith.constant 0 : index
    %get3A_7 = arith.constant 0 : index
    %get3A_8 = vector.load %arg3[%get3A_6, %get3A_7] : memref<256x1xf32, #tpu.memory_space<vmem>>, vector<256x1xf32>
    %get3A_9 = arith.constant 0 : index
    %get3A_10 = arith.constant 0 : index
    %get3A_11 = vector.load %arg4[%get3A_9, %get3A_10] : memref<1x4096xf32, #tpu.memory_space<vmem>>, vector<1x4096xf32>
    %add3A = vector.broadcast %get3A_8 : vector<256x1xf32> to vector<256x4096xf32>
    %add3A_12 = vector.broadcast %get3A_11 : vector<1x4096xf32> to vector<256x4096xf32>
    %add3A_13 = arith.addf %add3A, %add3A_12 : vector<256x4096xf32>
    %mul3A = arith.constant 2.000000e+00 : f32
    %mul3A_14 = vector.broadcast %mul3A : f32 to vector<256x4096xf32>
    %mul3A_15 = arith.mulf %mul3A_14, %dot_general3A_5 : vector<256x4096xf32>
    %sub3A = arith.subf %add3A_13, %mul3A_15 : vector<256x4096xf32>
    %get3A_16 = arith.constant 0 : index
    %get3A_17 = arith.constant 0 : index
    %get3A_18 = vector.load %arg5[%get3A_16, %get3A_17] : memref<256x1xi32, #tpu.memory_space<vmem>>, vector<256x1xi32>
    %get3A_19 = arith.constant 0 : index
    %get3A_20 = arith.constant 0 : index
    %get3A_21 = vector.load %arg6[%get3A_19, %get3A_20] : memref<1x4096xi32, #tpu.memory_space<vmem>>, vector<1x4096xi32>
    %ne3A = vector.broadcast %get3A_18 : vector<256x1xi32> to vector<256x4096xi32>
    %ne3A_22 = vector.broadcast %get3A_21 : vector<1x4096xi32> to vector<256x4096xi32>
    %ne3A_23 = arith.cmpi ne, %ne3A, %ne3A_22 : vector<256x4096xi32>
    %jit3A = arith.constant 0x7F800000 : f32
    %broadcast_in_dim3A = vector.broadcast %jit3A : f32 to vector<256x4096xf32>
    %select_n3A = arith.select %ne3A_23, %broadcast_in_dim3A, %sub3A : vector<256x4096xi1>, vector<256x4096xf32>
    %iota3A = tpu.iota {dimensions = array<i32: 1>} : vector<256x4096xi32>
    %reduce_min3A = arith.constant dense<0x7F800000> : vector<256xf32>
    %reduce_min3A_24 = vector.multi_reduction <minimumf>, %select_n3A, %reduce_min3A [1] : vector<256x4096xf32> to vector<256xf32>
    %broadcast_in_dim3A_25 = vector.shape_cast %reduce_min3A_24 : vector<256xf32> to vector<256x1xf32>
    %eq3A = vector.broadcast %broadcast_in_dim3A_25 : vector<256x1xf32> to vector<256x4096xf32>
    %eq3A_26 = arith.cmpf oeq, %select_n3A, %eq3A : vector<256x4096xf32>
    %jit3A_27 = arith.constant 4096 : i32
    %broadcast_in_dim3A_28 = vector.broadcast %jit3A_27 : i32 to vector<256x4096xi32>
    %select_n3A_29 = arith.select %eq3A_26, %iota3A, %broadcast_in_dim3A_28 : vector<256x4096xi1>, vector<256x4096xi32>
    %reduce_min3A_30 = arith.constant dense<2147483647> : vector<256xi32>
    %reduce_min3A_31 = vector.multi_reduction <minsi>, %select_n3A_29, %reduce_min3A_30 [1] : vector<256x4096xi32> to vector<256xi32>
    %broadcast_in_dim3A_32 = vector.shape_cast %reduce_min3A_31 : vector<256xi32> to vector<256x1xi32>
    %swap3A = arith.constant 0 : index
    %swap3A_33 = arith.constant 0 : index
    %swap3A_34 = vector.load %arg7[%swap3A, %swap3A_33] : memref<256x20xi32, #tpu.memory_space<vmem>>, vector<256x1xi32>
    tpu.vector_store %arg7[%swap3A, %swap3A_33], %broadcast_in_dim3A_32 {strides = array<i32>} : memref<256x20xi32, #tpu.memory_space<vmem>>, vector<256x1xi32>,
    %eq3A_35 = vector.broadcast %broadcast_in_dim3A_32 : vector<256x1xi32> to vector<256x4096xi32>
    %eq3A_36 = arith.cmpi eq, %iota3A, %eq3A_35 : vector<256x4096xi32>
    %jit3A_37 = arith.constant 0x7F800000 : f32
    %broadcast_in_dim3A_38 = vector.broadcast %jit3A_37 : f32 to vector<256x4096xf32>
    %select_n3A_39 = arith.select %eq3A_36, %broadcast_in_dim3A_38, %select_n3A : vector<256x4096xi1>, vector<256x4096xf32>
    %reduce_min3A_40 = arith.constant dense<0x7F800000> : vector<256xf32>
    %reduce_min3A_41 = vector.multi_reduction <minimumf>, %select_n3A_39, %reduce_min3A_40 [1] : vector<256x4096xf32> to vector<256xf32>
    %broadcast_in_dim3A_42 = vector.shape_cast %reduce_min3A_41 : vector<256xf32> to vector<256x1xf32>
    %eq3A_43 = vector.broadcast %broadcast_in_dim3A_42 : vector<256x1xf32> to vector<256x4096xf32>
    %eq3A_44 = arith.cmpf oeq, %select_n3A_39, %eq3A_43 : vector<256x4096xf32>
    %jit3A_45 = arith.constant 4096 : i32
    %broadcast_in_dim3A_46 = vector.broadcast %jit3A_45 : i32 to vector<256x4096xi32>
    %select_n3A_47 = arith.select %eq3A_44, %iota3A, %broadcast_in_dim3A_46 : vector<256x4096xi1>, vector<256x4096xi32>
    %reduce_min3A_48 = arith.constant dense<2147483647> : vector<256xi32>
    %reduce_min3A_49 = vector.multi_reduction <minsi>, %select_n3A_47, %reduce_min3A_48 [1] : vector<256x4096xi32> to vector<256xi32>
    %broadcast_in_dim3A_50 = vector.shape_cast %reduce_min3A_49 : vector<256xi32> to vector<256x1xi32>
    %swap3A_51 = arith.constant 0 : index
    %swap3A_52 = arith.constant 1 : index
    %swap3A_53 = vector.load %arg7[%swap3A_51, %swap3A_52] : memref<256x20xi32, #tpu.memory_space<vmem>>, vector<256x1xi32>
    tpu.vector_store %arg7[%swap3A_51, %swap3A_52], %broadcast_in_dim3A_50 {strides = array<i32>} : memref<256x20xi32, #tpu.memory_space<vmem>>, vector<256x1xi32>,
    %eq3A_54 = vector.broadcast %broadcast_in_dim3A_50 : vector<256x1xi32> to vector<256x4096xi32>
    %eq3A_55 = arith.cmpi eq, %iota3A, %eq3A_54 : vector<256x4096xi32>
    %jit3A_56 = arith.constant 0x7F800000 : f32
    %broadcast_in_dim3A_57 = vector.broadcast %jit3A_56 : f32 to vector<256x4096xf32>
    %select_n3A_58 = arith.select %eq3A_55, %broadcast_in_dim3A_57, %select_n3A_39 : vector<256x4096xi1>, vector<256x4096xf32>
    %reduce_min3A_59 = arith.constant dense<0x7F800000> : vector<256xf32>
    %reduce_min3A_60 = vector.multi_reduction <minimumf>, %select_n3A_58, %reduce_min3A_59 [1] : vector<256x4096xf32> to vector<256xf32>
    %broadcast_in_dim3A_61 = vector.shape_cast %reduce_min3A_60 : vector<256xf32> to vector<256x1xf32>
    %eq3A_62 = vector.broadcast %broadcast_in_dim3A_61 : vector<256x1xf32> to vector<256x4096xf32>
    %eq3A_63 = arith.cmpf oeq, %select_n3A_58, %eq3A_62 : vector<256x4096xf32>
    %jit3A_64 = arith.constant 4096 : i32
    %broadcast_in_dim3A_65 = vector.broadcast %jit3A_64 : i32 to vector<256x4096xi32>
    %select_n3A_66 = arith.select %eq3A_63, %iota3A, %broadcast_in_dim3A_65 : vector<256x4096xi1>, vector<256x4096xi32>
    %reduce_min3A_67 = arith.constant dense<2147483647> : vector<256xi32>
    %reduce_min3A_68 = vector.multi_reduction <minsi>, %select_n3A_66, %reduce_min3A_67 [1] : vector<256x4096xi32> to vector<256xi32>
    %broadcast_in_dim3A_69 = vector.shape_cast %reduce_min3A_68 : vector<256xi32> to vector<256x1xi32>
    %swap3A_70 = arith.constant 0 : index
    %swap3A_71 = arith.constant 2 : index
    %swap3A_72 = vector.load %arg7[%swap3A_70, %swap3A_71] : memref<256x20xi32, #tpu.memory_space<vmem>>, vector<256x1xi32>
    tpu.vector_store %arg7[%swap3A_70, %swap3A_71], %broadcast_in_dim3A_69 {strides = array<i32>} : memref<256x20xi32, #tpu.memory_space<vmem>>, vector<256x1xi32>,
    %eq3A_73 = vector.broadcast %broadcast_in_dim3A_69 : vector<256x1xi32> to vector<256x4096xi32>
    %eq3A_74 = arith.cmpi eq, %iota3A, %eq3A_73 : vector<256x4096xi32>
    %jit3A_75 = arith.constant 0x7F800000 : f32
    %broadcast_in_dim3A_76 = vector.broadcast %jit3A_75 : f32 to vector<256x4096xf32>
    %select_n3A_77 = arith.select %eq3A_74, %broadcast_in_dim3A_76, %select_n3A_58 : vector<256x4096xi1>, vector<256x4096xf32>
    %reduce_min3A_78 = arith.constant dense<0x7F800000> : vector<256xf32>
    %reduce_min3A_79 = vector.multi_reduction <minimumf>, %select_n3A_77, %reduce_min3A_78 [1] : vector<256x4096xf32> to vector<256xf32>
    %broadcast_in_dim3A_80 = vector.shape_cast %reduce_min3A_79 : vector<256xf32> to vector<256x1xf32>
    %eq3A_81 = vector.broadcast %broadcast_in_dim3A_80 : vector<256x1xf32> to vector<256x4096xf32>
    %eq3A_82 = arith.cmpf oeq, %select_n3A_77, %eq3A_81 : vector<256x4096xf32>
    %jit3A_83 = arith.constant 4096 : i32
    %broadcast_in_dim3A_84 = vector.broadcast %jit3A_83 : i32 to vector<256x4096xi32>
    %select_n3A_85 = arith.select %eq3A_82, %iota3A, %broadcast_in_dim3A_84 : vector<256x4096xi1>, vector<256x4096xi32>
    %reduce_min3A_86 = arith.constant dense<2147483647> : vector<256xi32>
    %reduce_min3A_87 = vector.multi_reduction <minsi>, %select_n3A_85, %reduce_min3A_86 [1] : vector<256x4096xi32> to vector<256xi32>
    %broadcast_in_dim3A_88 = vector.shape_cast %reduce_min3A_87 : vector<256xi32> to vector<256x1xi32>
    %swap3A_89 = arith.constant 0 : index
    %swap3A_90 = arith.constant 3 : index
    %swap3A_91 = vector.load %arg7[%swap3A_89, %swap3A_90] : memref<256x20xi32, #tpu.memory_space<vmem>>, vector<256x1xi32>
    tpu.vector_store %arg7[%swap3A_89, %swap3A_90], %broadcast_in_dim3A_88 {strides = array<i32>} : memref<256x20xi32, #tpu.memory_space<vmem>>, vector<256x1xi32>,
    %eq3A_92 = vector.broadcast %broadcast_in_dim3A_88 : vector<256x1xi32> to vector<256x4096xi32>
    %eq3A_93 = arith.cmpi eq, %iota3A, %eq3A_92 : vector<256x4096xi32>
    %jit3A_94 = arith.constant 0x7F800000 : f32
    %broadcast_in_dim3A_95 = vector.broadcast %jit3A_94 : f32 to vector<256x4096xf32>
    %select_n3A_96 = arith.select %eq3A_93, %broadcast_in_dim3A_95, %select_n3A_77 : vector<256x4096xi1>, vector<256x4096xf32>
    %reduce_min3A_97 = arith.constant dense<0x7F800000> : vector<256xf32>
    %reduce_min3A_98 = vector.multi_reduction <minimumf>, %select_n3A_96, %reduce_min3A_97 [1] : vector<256x4096xf32> to vector<256xf32>
    %broadcast_in_dim3A_99 = vector.shape_cast %reduce_min3A_98 : vector<256xf32> to vector<256x1xf32>
    %eq3A_100 = vector.broadcast %broadcast_in_dim3A_99 : vector<256x1xf32> to vector<256x4096xf32>
    %eq3A_101 = arith.cmpf oeq, %select_n3A_96, %eq3A_100 : vector<256x4096xf32>
    %jit3A_102 = arith.constant 4096 : i32
    %broadcast_in_dim3A_103 = vector.broadcast %jit3A_102 : i32 to vector<256x4096xi32>
    %select_n3A_104 = arith.select %eq3A_101, %iota3A, %broadcast_in_dim3A_103 : vector<256x4096xi1>, vector<256x4096xi32>
    %reduce_min3A_105 = arith.constant dense<2147483647> : vector<256xi32>
    %reduce_min3A_106 = vector.multi_reduction <minsi>, %select_n3A_104, %reduce_min3A_105 [1] : vector<256x4096xi32> to vector<256xi32>
    %broadcast_in_dim3A_107 = vector.shape_cast %reduce_min3A_106 : vector<256xi32> to vector<256x1xi32>
    %swap3A_108 = arith.constant 0 : index
    %swap3A_109 = arith.constant 4 : index
    %swap3A_110 = vector.load %arg7[%swap3A_108, %swap3A_109] : memref<256x20xi32, #tpu.memory_space<vmem>>, vector<256x1xi32>
    tpu.vector_store %arg7[%swap3A_108, %swap3A_109], %broadcast_in_dim3A_107 {strides = array<i32>} : memref<256x20xi32, #tpu.memory_space<vmem>>, vector<256x1xi32>,
    %eq3A_111 = vector.broadcast %broadcast_in_dim3A_107 : vector<256x1xi32> to vector<256x4096xi32>
    %eq3A_112 = arith.cmpi eq, %iota3A, %eq3A_111 : vector<256x4096xi32>
    %jit3A_113 = arith.constant 0x7F800000 : f32
    %broadcast_in_dim3A_114 = vector.broadcast %jit3A_113 : f32 to vector<256x4096xf32>
    %select_n3A_115 = arith.select %eq3A_112, %broadcast_in_dim3A_114, %select_n3A_96 : vector<256x4096xi1>, vector<256x4096xf32>
    %reduce_min3A_116 = arith.constant dense<0x7F800000> : vector<256xf32>
    %reduce_min3A_117 = vector.multi_reduction <minimumf>, %select_n3A_115, %reduce_min3A_116 [1] : vector<256x4096xf32> to vector<256xf32>
    %broadcast_in_dim3A_118 = vector.shape_cast %reduce_min3A_117 : vector<256xf32> to vector<256x1xf32>
    %eq3A_119 = vector.broadcast %broadcast_in_dim3A_118 : vector<256x1xf32> to vector<256x4096xf32>
    %eq3A_120 = arith.cmpf oeq, %select_n3A_115, %eq3A_119 : vector<256x4096xf32>
    %jit3A_121 = arith.constant 4096 : i32
    %broadcast_in_dim3A_122 = vector.broadcast %jit3A_121 : i32 to vector<256x4096xi32>
    %select_n3A_123 = arith.select %eq3A_120, %iota3A, %broadcast_in_dim3A_122 : vector<256x4096xi1>, vector<256x4096xi32>
    %reduce_min3A_124 = arith.constant dense<2147483647> : vector<256xi32>
    %reduce_min3A_125 = vector.multi_reduction <minsi>, %select_n3A_123, %reduce_min3A_124 [1] : vector<256x4096xi32> to vector<256xi32>
    %broadcast_in_dim3A_126 = vector.shape_cast %reduce_min3A_125 : vector<256xi32> to vector<256x1xi32>
    %swap3A_127 = arith.constant 0 : index
    %swap3A_128 = arith.constant 5 : index
    %swap3A_129 = vector.load %arg7[%swap3A_127, %swap3A_128] : memref<256x20xi32, #tpu.memory_space<vmem>>, vector<256x1xi32>
    tpu.vector_store %arg7[%swap3A_127, %swap3A_128], %broadcast_in_dim3A_126 {strides = array<i32>} : memref<256x20xi32, #tpu.memory_space<vmem>>, vector<256x1xi32>,
    %eq3A_130 = vector.broadcast %broadcast_in_dim3A_126 : vector<256x1xi32> to vector<256x4096xi32>
    %eq3A_131 = arith.cmpi eq, %iota3A, %eq3A_130 : vector<256x4096xi32>
    %jit3A_132 = arith.constant 0x7F800000 : f32
    %broadcast_in_dim3A_133 = vector.broadcast %jit3A_132 : f32 to vector<256x4096xf32>
    %select_n3A_134 = arith.select %eq3A_131, %broadcast_in_dim3A_133, %select_n3A_115 : vector<256x4096xi1>, vector<256x4096xf32>
    %reduce_min3A_135 = arith.constant dense<0x7F800000> : vector<256xf32>
    %reduce_min3A_136 = vector.multi_reduction <minimumf>, %select_n3A_134, %reduce_min3A_135 [1] : vector<256x4096xf32> to vector<256xf32>
    %broadcast_in_dim3A_137 = vector.shape_cast %reduce_min3A_136 : vector<256xf32> to vector<256x1xf32>
    %eq3A_138 = vector.broadcast %broadcast_in_dim3A_137 : vector<256x1xf32> to vector<256x4096xf32>
    %eq3A_139 = arith.cmpf oeq, %select_n3A_134, %eq3A_138 : vector<256x4096xf32>
    %jit3A_140 = arith.constant 4096 : i32
    %broadcast_in_dim3A_141 = vector.broadcast %jit3A_140 : i32 to vector<256x4096xi32>
    %select_n3A_142 = arith.select %eq3A_139, %iota3A, %broadcast_in_dim3A_141 : vector<256x4096xi1>, vector<256x4096xi32>
    %reduce_min3A_143 = arith.constant dense<2147483647> : vector<256xi32>
    %reduce_min3A_144 = vector.multi_reduction <minsi>, %select_n3A_142, %reduce_min3A_143 [1] : vector<256x4096xi32> to vector<256xi32>
    %broadcast_in_dim3A_145 = vector.shape_cast %reduce_min3A_144 : vector<256xi32> to vector<256x1xi32>
    %swap3A_146 = arith.constant 0 : index
    %swap3A_147 = arith.constant 6 : index
    %swap3A_148 = vector.load %arg7[%swap3A_146, %swap3A_147] : memref<256x20xi32, #tpu.memory_space<vmem>>, vector<256x1xi32>
    tpu.vector_store %arg7[%swap3A_146, %swap3A_147], %broadcast_in_dim3A_145 {strides = array<i32>} : memref<256x20xi32, #tpu.memory_space<vmem>>, vector<256x1xi32>,
    %eq3A_149 = vector.broadcast %broadcast_in_dim3A_145 : vector<256x1xi32> to vector<256x4096xi32>
    %eq3A_150 = arith.cmpi eq, %iota3A, %eq3A_149 : vector<256x4096xi32>
    %jit3A_151 = arith.constant 0x7F800000 : f32
    %broadcast_in_dim3A_152 = vector.broadcast %jit3A_151 : f32 to vector<256x4096xf32>
    %select_n3A_153 = arith.select %eq3A_150, %broadcast_in_dim3A_152, %select_n3A_134 : vector<256x4096xi1>, vector<256x4096xf32>
    %reduce_min3A_154 = arith.constant dense<0x7F800000> : vector<256xf32>
    %reduce_min3A_155 = vector.multi_reduction <minimumf>, %select_n3A_153, %reduce_min3A_154 [1] : vector<256x4096xf32> to vector<256xf32>
    %broadcast_in_dim3A_156 = vector.shape_cast %reduce_min3A_155 : vector<256xf32> to vector<256x1xf32>
    %eq3A_157 = vector.broadcast %broadcast_in_dim3A_156 : vector<256x1xf32> to vector<256x4096xf32>
    %eq3A_158 = arith.cmpf oeq, %select_n3A_153, %eq3A_157 : vector<256x4096xf32>
    %jit3A_159 = arith.constant 4096 : i32
    %broadcast_in_dim3A_160 = vector.broadcast %jit3A_159 : i32 to vector<256x4096xi32>
    %select_n3A_161 = arith.select %eq3A_158, %iota3A, %broadcast_in_dim3A_160 : vector<256x4096xi1>, vector<256x4096xi32>
    %reduce_min3A_162 = arith.constant dense<2147483647> : vector<256xi32>
    %reduce_min3A_163 = vector.multi_reduction <minsi>, %select_n3A_161, %reduce_min3A_162 [1] : vector<256x4096xi32> to vector<256xi32>
    %broadcast_in_dim3A_164 = vector.shape_cast %reduce_min3A_163 : vector<256xi32> to vector<256x1xi32>
    %swap3A_165 = arith.constant 0 : index
    %swap3A_166 = arith.constant 7 : index
    %swap3A_167 = vector.load %arg7[%swap3A_165, %swap3A_166] : memref<256x20xi32, #tpu.memory_space<vmem>>, vector<256x1xi32>
    tpu.vector_store %arg7[%swap3A_165, %swap3A_166], %broadcast_in_dim3A_164 {strides = array<i32>} : memref<256x20xi32, #tpu.memory_space<vmem>>, vector<256x1xi32>,
    %eq3A_168 = vector.broadcast %broadcast_in_dim3A_164 : vector<256x1xi32> to vector<256x4096xi32>
    %eq3A_169 = arith.cmpi eq, %iota3A, %eq3A_168 : vector<256x4096xi32>
    %jit3A_170 = arith.constant 0x7F800000 : f32
    %broadcast_in_dim3A_171 = vector.broadcast %jit3A_170 : f32 to vector<256x4096xf32>
    %select_n3A_172 = arith.select %eq3A_169, %broadcast_in_dim3A_171, %select_n3A_153 : vector<256x4096xi1>, vector<256x4096xf32>
    %reduce_min3A_173 = arith.constant dense<0x7F800000> : vector<256xf32>
    %reduce_min3A_174 = vector.multi_reduction <minimumf>, %select_n3A_172, %reduce_min3A_173 [1] : vector<256x4096xf32> to vector<256xf32>
    %broadcast_in_dim3A_175 = vector.shape_cast %reduce_min3A_174 : vector<256xf32> to vector<256x1xf32>
    %eq3A_176 = vector.broadcast %broadcast_in_dim3A_175 : vector<256x1xf32> to vector<256x4096xf32>
    %eq3A_177 = arith.cmpf oeq, %select_n3A_172, %eq3A_176 : vector<256x4096xf32>
    %jit3A_178 = arith.constant 4096 : i32
    %broadcast_in_dim3A_179 = vector.broadcast %jit3A_178 : i32 to vector<256x4096xi32>
    %select_n3A_180 = arith.select %eq3A_177, %iota3A, %broadcast_in_dim3A_179 : vector<256x4096xi1>, vector<256x4096xi32>
    %reduce_min3A_181 = arith.constant dense<2147483647> : vector<256xi32>
    %reduce_min3A_182 = vector.multi_reduction <minsi>, %select_n3A_180, %reduce_min3A_181 [1] : vector<256x4096xi32> to vector<256xi32>
    %broadcast_in_dim3A_183 = vector.shape_cast %reduce_min3A_182 : vector<256xi32> to vector<256x1xi32>
    %swap3A_184 = arith.constant 0 : index
    %swap3A_185 = arith.constant 8 : index
    %swap3A_186 = vector.load %arg7[%swap3A_184, %swap3A_185] : memref<256x20xi32, #tpu.memory_space<vmem>>, vector<256x1xi32>
    tpu.vector_store %arg7[%swap3A_184, %swap3A_185], %broadcast_in_dim3A_183 {strides = array<i32>} : memref<256x20xi32, #tpu.memory_space<vmem>>, vector<256x1xi32>,
    %eq3A_187 = vector.broadcast %broadcast_in_dim3A_183 : vector<256x1xi32> to vector<256x4096xi32>
    %eq3A_188 = arith.cmpi eq, %iota3A, %eq3A_187 : vector<256x4096xi32>
    %jit3A_189 = arith.constant 0x7F800000 : f32
    %broadcast_in_dim3A_190 = vector.broadcast %jit3A_189 : f32 to vector<256x4096xf32>
    %select_n3A_191 = arith.select %eq3A_188, %broadcast_in_dim3A_190, %select_n3A_172 : vector<256x4096xi1>, vector<256x4096xf32>
    %reduce_min3A_192 = arith.constant dense<0x7F800000> : vector<256xf32>
    %reduce_min3A_193 = vector.multi_reduction <minimumf>, %select_n3A_191, %reduce_min3A_192 [1] : vector<256x4096xf32> to vector<256xf32>
    %broadcast_in_dim3A_194 = vector.shape_cast %reduce_min3A_193 : vector<256xf32> to vector<256x1xf32>
    %eq3A_195 = vector.broadcast %broadcast_in_dim3A_194 : vector<256x1xf32> to vector<256x4096xf32>
    %eq3A_196 = arith.cmpf oeq, %select_n3A_191, %eq3A_195 : vector<256x4096xf32>
    %jit3A_197 = arith.constant 4096 : i32
    %broadcast_in_dim3A_198 = vector.broadcast %jit3A_197 : i32 to vector<256x4096xi32>
    %select_n3A_199 = arith.select %eq3A_196, %iota3A, %broadcast_in_dim3A_198 : vector<256x4096xi1>, vector<256x4096xi32>
    %reduce_min3A_200 = arith.constant dense<2147483647> : vector<256xi32>
    %reduce_min3A_201 = vector.multi_reduction <minsi>, %select_n3A_199, %reduce_min3A_200 [1] : vector<256x4096xi32> to vector<256xi32>
    %broadcast_in_dim3A_202 = vector.shape_cast %reduce_min3A_201 : vector<256xi32> to vector<256x1xi32>
    %swap3A_203 = arith.constant 0 : index
    %swap3A_204 = arith.constant 9 : index
    %swap3A_205 = vector.load %arg7[%swap3A_203, %swap3A_204] : memref<256x20xi32, #tpu.memory_space<vmem>>, vector<256x1xi32>
    tpu.vector_store %arg7[%swap3A_203, %swap3A_204], %broadcast_in_dim3A_202 {strides = array<i32>} : memref<256x20xi32, #tpu.memory_space<vmem>>, vector<256x1xi32>,
    %eq3A_206 = vector.broadcast %broadcast_in_dim3A_202 : vector<256x1xi32> to vector<256x4096xi32>
    %eq3A_207 = arith.cmpi eq, %iota3A, %eq3A_206 : vector<256x4096xi32>
    %jit3A_208 = arith.constant 0x7F800000 : f32
    %broadcast_in_dim3A_209 = vector.broadcast %jit3A_208 : f32 to vector<256x4096xf32>
    %select_n3A_210 = arith.select %eq3A_207, %broadcast_in_dim3A_209, %select_n3A_191 : vector<256x4096xi1>, vector<256x4096xf32>
    %reduce_min3A_211 = arith.constant dense<0x7F800000> : vector<256xf32>
    %reduce_min3A_212 = vector.multi_reduction <minimumf>, %select_n3A_210, %reduce_min3A_211 [1] : vector<256x4096xf32> to vector<256xf32>
    %broadcast_in_dim3A_213 = vector.shape_cast %reduce_min3A_212 : vector<256xf32> to vector<256x1xf32>
    %eq3A_214 = vector.broadcast %broadcast_in_dim3A_213 : vector<256x1xf32> to vector<256x4096xf32>
    %eq3A_215 = arith.cmpf oeq, %select_n3A_210, %eq3A_214 : vector<256x4096xf32>
    %jit3A_216 = arith.constant 4096 : i32
    %broadcast_in_dim3A_217 = vector.broadcast %jit3A_216 : i32 to vector<256x4096xi32>
    %select_n3A_218 = arith.select %eq3A_215, %iota3A, %broadcast_in_dim3A_217 : vector<256x4096xi1>, vector<256x4096xi32>
    %reduce_min3A_219 = arith.constant dense<2147483647> : vector<256xi32>
    %reduce_min3A_220 = vector.multi_reduction <minsi>, %select_n3A_218, %reduce_min3A_219 [1] : vector<256x4096xi32> to vector<256xi32>
    %broadcast_in_dim3A_221 = vector.shape_cast %reduce_min3A_220 : vector<256xi32> to vector<256x1xi32>
    %swap3A_222 = arith.constant 0 : index
    %swap3A_223 = arith.constant 10 : index
    %swap3A_224 = vector.load %arg7[%swap3A_222, %swap3A_223] : memref<256x20xi32, #tpu.memory_space<vmem>>, vector<256x1xi32>
    tpu.vector_store %arg7[%swap3A_222, %swap3A_223], %broadcast_in_dim3A_221 {strides = array<i32>} : memref<256x20xi32, #tpu.memory_space<vmem>>, vector<256x1xi32>,
    %eq3A_225 = vector.broadcast %broadcast_in_dim3A_221 : vector<256x1xi32> to vector<256x4096xi32>
    %eq3A_226 = arith.cmpi eq, %iota3A, %eq3A_225 : vector<256x4096xi32>
    %jit3A_227 = arith.constant 0x7F800000 : f32
    %broadcast_in_dim3A_228 = vector.broadcast %jit3A_227 : f32 to vector<256x4096xf32>
    %select_n3A_229 = arith.select %eq3A_226, %broadcast_in_dim3A_228, %select_n3A_210 : vector<256x4096xi1>, vector<256x4096xf32>
    %reduce_min3A_230 = arith.constant dense<0x7F800000> : vector<256xf32>
    %reduce_min3A_231 = vector.multi_reduction <minimumf>, %select_n3A_229, %reduce_min3A_230 [1] : vector<256x4096xf32> to vector<256xf32>
    %broadcast_in_dim3A_232 = vector.shape_cast %reduce_min3A_231 : vector<256xf32> to vector<256x1xf32>
    %eq3A_233 = vector.broadcast %broadcast_in_dim3A_232 : vector<256x1xf32> to vector<256x4096xf32>
    %eq3A_234 = arith.cmpf oeq, %select_n3A_229, %eq3A_233 : vector<256x4096xf32>
    %jit3A_235 = arith.constant 4096 : i32
    %broadcast_in_dim3A_236 = vector.broadcast %jit3A_235 : i32 to vector<256x4096xi32>
    %select_n3A_237 = arith.select %eq3A_234, %iota3A, %broadcast_in_dim3A_236 : vector<256x4096xi1>, vector<256x4096xi32>
    %reduce_min3A_238 = arith.constant dense<2147483647> : vector<256xi32>
    %reduce_min3A_239 = vector.multi_reduction <minsi>, %select_n3A_237, %reduce_min3A_238 [1] : vector<256x4096xi32> to vector<256xi32>
    %broadcast_in_dim3A_240 = vector.shape_cast %reduce_min3A_239 : vector<256xi32> to vector<256x1xi32>
    %swap3A_241 = arith.constant 0 : index
    %swap3A_242 = arith.constant 11 : index
    %swap3A_243 = vector.load %arg7[%swap3A_241, %swap3A_242] : memref<256x20xi32, #tpu.memory_space<vmem>>, vector<256x1xi32>
    tpu.vector_store %arg7[%swap3A_241, %swap3A_242], %broadcast_in_dim3A_240 {strides = array<i32>} : memref<256x20xi32, #tpu.memory_space<vmem>>, vector<256x1xi32>,
    %eq3A_244 = vector.broadcast %broadcast_in_dim3A_240 : vector<256x1xi32> to vector<256x4096xi32>
    %eq3A_245 = arith.cmpi eq, %iota3A, %eq3A_244 : vector<256x4096xi32>
    %jit3A_246 = arith.constant 0x7F800000 : f32
    %broadcast_in_dim3A_247 = vector.broadcast %jit3A_246 : f32 to vector<256x4096xf32>
    %select_n3A_248 = arith.select %eq3A_245, %broadcast_in_dim3A_247, %select_n3A_229 : vector<256x4096xi1>, vector<256x4096xf32>
    %reduce_min3A_249 = arith.constant dense<0x7F800000> : vector<256xf32>
    %reduce_min3A_250 = vector.multi_reduction <minimumf>, %select_n3A_248, %reduce_min3A_249 [1] : vector<256x4096xf32> to vector<256xf32>
    %broadcast_in_dim3A_251 = vector.shape_cast %reduce_min3A_250 : vector<256xf32> to vector<256x1xf32>
    %eq3A_252 = vector.broadcast %broadcast_in_dim3A_251 : vector<256x1xf32> to vector<256x4096xf32>
    %eq3A_253 = arith.cmpf oeq, %select_n3A_248, %eq3A_252 : vector<256x4096xf32>
    %jit3A_254 = arith.constant 4096 : i32
    %broadcast_in_dim3A_255 = vector.broadcast %jit3A_254 : i32 to vector<256x4096xi32>
    %select_n3A_256 = arith.select %eq3A_253, %iota3A, %broadcast_in_dim3A_255 : vector<256x4096xi1>, vector<256x4096xi32>
    %reduce_min3A_257 = arith.constant dense<2147483647> : vector<256xi32>
    %reduce_min3A_258 = vector.multi_reduction <minsi>, %select_n3A_256, %reduce_min3A_257 [1] : vector<256x4096xi32> to vector<256xi32>
    %broadcast_in_dim3A_259 = vector.shape_cast %reduce_min3A_258 : vector<256xi32> to vector<256x1xi32>
    %swap3A_260 = arith.constant 0 : index
    %swap3A_261 = arith.constant 12 : index
    %swap3A_262 = vector.load %arg7[%swap3A_260, %swap3A_261] : memref<256x20xi32, #tpu.memory_space<vmem>>, vector<256x1xi32>
    tpu.vector_store %arg7[%swap3A_260, %swap3A_261], %broadcast_in_dim3A_259 {strides = array<i32>} : memref<256x20xi32, #tpu.memory_space<vmem>>, vector<256x1xi32>,
    %eq3A_263 = vector.broadcast %broadcast_in_dim3A_259 : vector<256x1xi32> to vector<256x4096xi32>
    %eq3A_264 = arith.cmpi eq, %iota3A, %eq3A_263 : vector<256x4096xi32>
    %jit3A_265 = arith.constant 0x7F800000 : f32
    %broadcast_in_dim3A_266 = vector.broadcast %jit3A_265 : f32 to vector<256x4096xf32>
    %select_n3A_267 = arith.select %eq3A_264, %broadcast_in_dim3A_266, %select_n3A_248 : vector<256x4096xi1>, vector<256x4096xf32>
    %reduce_min3A_268 = arith.constant dense<0x7F800000> : vector<256xf32>
    %reduce_min3A_269 = vector.multi_reduction <minimumf>, %select_n3A_267, %reduce_min3A_268 [1] : vector<256x4096xf32> to vector<256xf32>
    %broadcast_in_dim3A_270 = vector.shape_cast %reduce_min3A_269 : vector<256xf32> to vector<256x1xf32>
    %eq3A_271 = vector.broadcast %broadcast_in_dim3A_270 : vector<256x1xf32> to vector<256x4096xf32>
    %eq3A_272 = arith.cmpf oeq, %select_n3A_267, %eq3A_271 : vector<256x4096xf32>
    %jit3A_273 = arith.constant 4096 : i32
    %broadcast_in_dim3A_274 = vector.broadcast %jit3A_273 : i32 to vector<256x4096xi32>
    %select_n3A_275 = arith.select %eq3A_272, %iota3A, %broadcast_in_dim3A_274 : vector<256x4096xi1>, vector<256x4096xi32>
    %reduce_min3A_276 = arith.constant dense<2147483647> : vector<256xi32>
    %reduce_min3A_277 = vector.multi_reduction <minsi>, %select_n3A_275, %reduce_min3A_276 [1] : vector<256x4096xi32> to vector<256xi32>
    %broadcast_in_dim3A_278 = vector.shape_cast %reduce_min3A_277 : vector<256xi32> to vector<256x1xi32>
    %swap3A_279 = arith.constant 0 : index
    %swap3A_280 = arith.constant 13 : index
    %swap3A_281 = vector.load %arg7[%swap3A_279, %swap3A_280] : memref<256x20xi32, #tpu.memory_space<vmem>>, vector<256x1xi32>
    tpu.vector_store %arg7[%swap3A_279, %swap3A_280], %broadcast_in_dim3A_278 {strides = array<i32>} : memref<256x20xi32, #tpu.memory_space<vmem>>, vector<256x1xi32>,
    %eq3A_282 = vector.broadcast %broadcast_in_dim3A_278 : vector<256x1xi32> to vector<256x4096xi32>
    %eq3A_283 = arith.cmpi eq, %iota3A, %eq3A_282 : vector<256x4096xi32>
    %jit3A_284 = arith.constant 0x7F800000 : f32
    %broadcast_in_dim3A_285 = vector.broadcast %jit3A_284 : f32 to vector<256x4096xf32>
    %select_n3A_286 = arith.select %eq3A_283, %broadcast_in_dim3A_285, %select_n3A_267 : vector<256x4096xi1>, vector<256x4096xf32>
    %reduce_min3A_287 = arith.constant dense<0x7F800000> : vector<256xf32>
    %reduce_min3A_288 = vector.multi_reduction <minimumf>, %select_n3A_286, %reduce_min3A_287 [1] : vector<256x4096xf32> to vector<256xf32>
    %broadcast_in_dim3A_289 = vector.shape_cast %reduce_min3A_288 : vector<256xf32> to vector<256x1xf32>
    %eq3A_290 = vector.broadcast %broadcast_in_dim3A_289 : vector<256x1xf32> to vector<256x4096xf32>
    %eq3A_291 = arith.cmpf oeq, %select_n3A_286, %eq3A_290 : vector<256x4096xf32>
    %jit3A_292 = arith.constant 4096 : i32
    %broadcast_in_dim3A_293 = vector.broadcast %jit3A_292 : i32 to vector<256x4096xi32>
    %select_n3A_294 = arith.select %eq3A_291, %iota3A, %broadcast_in_dim3A_293 : vector<256x4096xi1>, vector<256x4096xi32>
    %reduce_min3A_295 = arith.constant dense<2147483647> : vector<256xi32>
    %reduce_min3A_296 = vector.multi_reduction <minsi>, %select_n3A_294, %reduce_min3A_295 [1] : vector<256x4096xi32> to vector<256xi32>
    %broadcast_in_dim3A_297 = vector.shape_cast %reduce_min3A_296 : vector<256xi32> to vector<256x1xi32>
    %swap3A_298 = arith.constant 0 : index
    %swap3A_299 = arith.constant 14 : index
    %swap3A_300 = vector.load %arg7[%swap3A_298, %swap3A_299] : memref<256x20xi32, #tpu.memory_space<vmem>>, vector<256x1xi32>
    tpu.vector_store %arg7[%swap3A_298, %swap3A_299], %broadcast_in_dim3A_297 {strides = array<i32>} : memref<256x20xi32, #tpu.memory_space<vmem>>, vector<256x1xi32>,
    %eq3A_301 = vector.broadcast %broadcast_in_dim3A_297 : vector<256x1xi32> to vector<256x4096xi32>
    %eq3A_302 = arith.cmpi eq, %iota3A, %eq3A_301 : vector<256x4096xi32>
    %jit3A_303 = arith.constant 0x7F800000 : f32
    %broadcast_in_dim3A_304 = vector.broadcast %jit3A_303 : f32 to vector<256x4096xf32>
    %select_n3A_305 = arith.select %eq3A_302, %broadcast_in_dim3A_304, %select_n3A_286 : vector<256x4096xi1>, vector<256x4096xf32>
    %reduce_min3A_306 = arith.constant dense<0x7F800000> : vector<256xf32>
    %reduce_min3A_307 = vector.multi_reduction <minimumf>, %select_n3A_305, %reduce_min3A_306 [1] : vector<256x4096xf32> to vector<256xf32>
    %broadcast_in_dim3A_308 = vector.shape_cast %reduce_min3A_307 : vector<256xf32> to vector<256x1xf32>
    %eq3A_309 = vector.broadcast %broadcast_in_dim3A_308 : vector<256x1xf32> to vector<256x4096xf32>
    %eq3A_310 = arith.cmpf oeq, %select_n3A_305, %eq3A_309 : vector<256x4096xf32>
    %jit3A_311 = arith.constant 4096 : i32
    %broadcast_in_dim3A_312 = vector.broadcast %jit3A_311 : i32 to vector<256x4096xi32>
    %select_n3A_313 = arith.select %eq3A_310, %iota3A, %broadcast_in_dim3A_312 : vector<256x4096xi1>, vector<256x4096xi32>
    %reduce_min3A_314 = arith.constant dense<2147483647> : vector<256xi32>
    %reduce_min3A_315 = vector.multi_reduction <minsi>, %select_n3A_313, %reduce_min3A_314 [1] : vector<256x4096xi32> to vector<256xi32>
    %broadcast_in_dim3A_316 = vector.shape_cast %reduce_min3A_315 : vector<256xi32> to vector<256x1xi32>
    %swap3A_317 = arith.constant 0 : index
    %swap3A_318 = arith.constant 15 : index
    %swap3A_319 = vector.load %arg7[%swap3A_317, %swap3A_318] : memref<256x20xi32, #tpu.memory_space<vmem>>, vector<256x1xi32>
    tpu.vector_store %arg7[%swap3A_317, %swap3A_318], %broadcast_in_dim3A_316 {strides = array<i32>} : memref<256x20xi32, #tpu.memory_space<vmem>>, vector<256x1xi32>,
    %eq3A_320 = vector.broadcast %broadcast_in_dim3A_316 : vector<256x1xi32> to vector<256x4096xi32>
    %eq3A_321 = arith.cmpi eq, %iota3A, %eq3A_320 : vector<256x4096xi32>
    %jit3A_322 = arith.constant 0x7F800000 : f32
    %broadcast_in_dim3A_323 = vector.broadcast %jit3A_322 : f32 to vector<256x4096xf32>
    %select_n3A_324 = arith.select %eq3A_321, %broadcast_in_dim3A_323, %select_n3A_305 : vector<256x4096xi1>, vector<256x4096xf32>
    %reduce_min3A_325 = arith.constant dense<0x7F800000> : vector<256xf32>
    %reduce_min3A_326 = vector.multi_reduction <minimumf>, %select_n3A_324, %reduce_min3A_325 [1] : vector<256x4096xf32> to vector<256xf32>
    %broadcast_in_dim3A_327 = vector.shape_cast %reduce_min3A_326 : vector<256xf32> to vector<256x1xf32>
    %eq3A_328 = vector.broadcast %broadcast_in_dim3A_327 : vector<256x1xf32> to vector<256x4096xf32>
    %eq3A_329 = arith.cmpf oeq, %select_n3A_324, %eq3A_328 : vector<256x4096xf32>
    %jit3A_330 = arith.constant 4096 : i32
    %broadcast_in_dim3A_331 = vector.broadcast %jit3A_330 : i32 to vector<256x4096xi32>
    %select_n3A_332 = arith.select %eq3A_329, %iota3A, %broadcast_in_dim3A_331 : vector<256x4096xi1>, vector<256x4096xi32>
    %reduce_min3A_333 = arith.constant dense<2147483647> : vector<256xi32>
    %reduce_min3A_334 = vector.multi_reduction <minsi>, %select_n3A_332, %reduce_min3A_333 [1] : vector<256x4096xi32> to vector<256xi32>
    %broadcast_in_dim3A_335 = vector.shape_cast %reduce_min3A_334 : vector<256xi32> to vector<256x1xi32>
    %swap3A_336 = arith.constant 0 : index
    %swap3A_337 = arith.constant 16 : index
    %swap3A_338 = vector.load %arg7[%swap3A_336, %swap3A_337] : memref<256x20xi32, #tpu.memory_space<vmem>>, vector<256x1xi32>
    tpu.vector_store %arg7[%swap3A_336, %swap3A_337], %broadcast_in_dim3A_335 {strides = array<i32>} : memref<256x20xi32, #tpu.memory_space<vmem>>, vector<256x1xi32>,
    %eq3A_339 = vector.broadcast %broadcast_in_dim3A_335 : vector<256x1xi32> to vector<256x4096xi32>
    %eq3A_340 = arith.cmpi eq, %iota3A, %eq3A_339 : vector<256x4096xi32>
    %jit3A_341 = arith.constant 0x7F800000 : f32
    %broadcast_in_dim3A_342 = vector.broadcast %jit3A_341 : f32 to vector<256x4096xf32>
    %select_n3A_343 = arith.select %eq3A_340, %broadcast_in_dim3A_342, %select_n3A_324 : vector<256x4096xi1>, vector<256x4096xf32>
    %reduce_min3A_344 = arith.constant dense<0x7F800000> : vector<256xf32>
    %reduce_min3A_345 = vector.multi_reduction <minimumf>, %select_n3A_343, %reduce_min3A_344 [1] : vector<256x4096xf32> to vector<256xf32>
    %broadcast_in_dim3A_346 = vector.shape_cast %reduce_min3A_345 : vector<256xf32> to vector<256x1xf32>
    %eq3A_347 = vector.broadcast %broadcast_in_dim3A_346 : vector<256x1xf32> to vector<256x4096xf32>
    %eq3A_348 = arith.cmpf oeq, %select_n3A_343, %eq3A_347 : vector<256x4096xf32>
    %jit3A_349 = arith.constant 4096 : i32
    %broadcast_in_dim3A_350 = vector.broadcast %jit3A_349 : i32 to vector<256x4096xi32>
    %select_n3A_351 = arith.select %eq3A_348, %iota3A, %broadcast_in_dim3A_350 : vector<256x4096xi1>, vector<256x4096xi32>
    %reduce_min3A_352 = arith.constant dense<2147483647> : vector<256xi32>
    %reduce_min3A_353 = vector.multi_reduction <minsi>, %select_n3A_351, %reduce_min3A_352 [1] : vector<256x4096xi32> to vector<256xi32>
    %broadcast_in_dim3A_354 = vector.shape_cast %reduce_min3A_353 : vector<256xi32> to vector<256x1xi32>
    %swap3A_355 = arith.constant 0 : index
    %swap3A_356 = arith.constant 17 : index
    %swap3A_357 = vector.load %arg7[%swap3A_355, %swap3A_356] : memref<256x20xi32, #tpu.memory_space<vmem>>, vector<256x1xi32>
    tpu.vector_store %arg7[%swap3A_355, %swap3A_356], %broadcast_in_dim3A_354 {strides = array<i32>} : memref<256x20xi32, #tpu.memory_space<vmem>>, vector<256x1xi32>,
    %eq3A_358 = vector.broadcast %broadcast_in_dim3A_354 : vector<256x1xi32> to vector<256x4096xi32>
    %eq3A_359 = arith.cmpi eq, %iota3A, %eq3A_358 : vector<256x4096xi32>
    %jit3A_360 = arith.constant 0x7F800000 : f32
    %broadcast_in_dim3A_361 = vector.broadcast %jit3A_360 : f32 to vector<256x4096xf32>
    %select_n3A_362 = arith.select %eq3A_359, %broadcast_in_dim3A_361, %select_n3A_343 : vector<256x4096xi1>, vector<256x4096xf32>
    %reduce_min3A_363 = arith.constant dense<0x7F800000> : vector<256xf32>
    %reduce_min3A_364 = vector.multi_reduction <minimumf>, %select_n3A_362, %reduce_min3A_363 [1] : vector<256x4096xf32> to vector<256xf32>
    %broadcast_in_dim3A_365 = vector.shape_cast %reduce_min3A_364 : vector<256xf32> to vector<256x1xf32>
    %eq3A_366 = vector.broadcast %broadcast_in_dim3A_365 : vector<256x1xf32> to vector<256x4096xf32>
    %eq3A_367 = arith.cmpf oeq, %select_n3A_362, %eq3A_366 : vector<256x4096xf32>
    %jit3A_368 = arith.constant 4096 : i32
    %broadcast_in_dim3A_369 = vector.broadcast %jit3A_368 : i32 to vector<256x4096xi32>
    %select_n3A_370 = arith.select %eq3A_367, %iota3A, %broadcast_in_dim3A_369 : vector<256x4096xi1>, vector<256x4096xi32>
    %reduce_min3A_371 = arith.constant dense<2147483647> : vector<256xi32>
    %reduce_min3A_372 = vector.multi_reduction <minsi>, %select_n3A_370, %reduce_min3A_371 [1] : vector<256x4096xi32> to vector<256xi32>
    %broadcast_in_dim3A_373 = vector.shape_cast %reduce_min3A_372 : vector<256xi32> to vector<256x1xi32>
    %swap3A_374 = arith.constant 0 : index
    %swap3A_375 = arith.constant 18 : index
    %swap3A_376 = vector.load %arg7[%swap3A_374, %swap3A_375] : memref<256x20xi32, #tpu.memory_space<vmem>>, vector<256x1xi32>
    tpu.vector_store %arg7[%swap3A_374, %swap3A_375], %broadcast_in_dim3A_373 {strides = array<i32>} : memref<256x20xi32, #tpu.memory_space<vmem>>, vector<256x1xi32>,
    %eq3A_377 = vector.broadcast %broadcast_in_dim3A_373 : vector<256x1xi32> to vector<256x4096xi32>
    %eq3A_378 = arith.cmpi eq, %iota3A, %eq3A_377 : vector<256x4096xi32>
    %jit3A_379 = arith.constant 0x7F800000 : f32
    %broadcast_in_dim3A_380 = vector.broadcast %jit3A_379 : f32 to vector<256x4096xf32>
    %select_n3A_381 = arith.select %eq3A_378, %broadcast_in_dim3A_380, %select_n3A_362 : vector<256x4096xi1>, vector<256x4096xf32>
    %reduce_min3A_382 = arith.constant dense<0x7F800000> : vector<256xf32>
    %reduce_min3A_383 = vector.multi_reduction <minimumf>, %select_n3A_381, %reduce_min3A_382 [1] : vector<256x4096xf32> to vector<256xf32>
    %broadcast_in_dim3A_384 = vector.shape_cast %reduce_min3A_383 : vector<256xf32> to vector<256x1xf32>
    %eq3A_385 = vector.broadcast %broadcast_in_dim3A_384 : vector<256x1xf32> to vector<256x4096xf32>
    %eq3A_386 = arith.cmpf oeq, %select_n3A_381, %eq3A_385 : vector<256x4096xf32>
    %jit3A_387 = arith.constant 4096 : i32
    %broadcast_in_dim3A_388 = vector.broadcast %jit3A_387 : i32 to vector<256x4096xi32>
    %select_n3A_389 = arith.select %eq3A_386, %iota3A, %broadcast_in_dim3A_388 : vector<256x4096xi1>, vector<256x4096xi32>
    %reduce_min3A_390 = arith.constant dense<2147483647> : vector<256xi32>
    %reduce_min3A_391 = vector.multi_reduction <minsi>, %select_n3A_389, %reduce_min3A_390 [1] : vector<256x4096xi32> to vector<256xi32>
    %broadcast_in_dim3A_392 = vector.shape_cast %reduce_min3A_391 : vector<256xi32> to vector<256x1xi32>
    %swap3A_393 = arith.constant 0 : index
    %swap3A_394 = arith.constant 19 : index
    %swap3A_395 = vector.load %arg7[%swap3A_393, %swap3A_394] : memref<256x20xi32, #tpu.memory_space<vmem>>, vector<256x1xi32>
    tpu.vector_store %arg7[%swap3A_393, %swap3A_394], %broadcast_in_dim3A_392 {strides = array<i32>} : memref<256x20xi32, #tpu.memory_space<vmem>>, vector<256x1xi32>,
    return
  }
  func.func @transform_0(%arg0: i32) -> (i32, i32) {
    %c0_i32 = arith.constant 0 : i32
    %c0_i32_0 = arith.constant 0 : i32
    return %arg0, %c0_i32 : i32, i32
  }
  func.func @transform_1(%arg0: i32) -> (i32, i32) {
    %c0_i32 = arith.constant 0 : i32
    %c0_i32_0 = arith.constant 0 : i32
    %c0_i32_1 = arith.constant 0 : i32
    return %c0_i32, %c0_i32_0 : i32, i32
  }
  func.func @transform_2(%arg0: i32) -> (i32, i32) {
    %c0_i32 = arith.constant 0 : i32
    %c0_i32_0 = arith.constant 0 : i32
    return %arg0, %c0_i32 : i32, i32
  }
  func.func @transform_3(%arg0: i32) -> (i32, i32) {
    %c0_i32 = arith.constant 0 : i32
    %c0_i32_0 = arith.constant 0 : i32
    %c0_i32_1 = arith.constant 0 : i32
    return %c0_i32, %c0_i32_0 : i32, i32
  }
  func.func @transform_4(%arg0: i32) -> (i32, i32) {
    %c0_i32 = arith.constant 0 : i32
    %c0_i32_0 = arith.constant 0 : i32
    return %arg0, %c0_i32 : i32, i32
  }
  func.func @transform_5(%arg0: i32) -> (i32, i32) {
    %c0_i32 = arith.constant 0 : i32
    %c0_i32_0 = arith.constant 0 : i32
    %c0_i32_1 = arith.constant 0 : i32
    return %c0_i32, %c0_i32_0 : i32, i32
  }
  func.func @transform_6(%arg0: i32) -> (i32, i32) {
    %c0_i32 = arith.constant 0 : i32
    %c0_i32_0 = arith.constant 0 : i32
    return %arg0, %c0_i32 : i32, i32
  }
}

module attributes {stable_mosaic.version = 14 : i64} {
  func.func @_aggr_body(%arg0: i32, %arg1: memref<256x20x256xf32, #tpu.memory_space<vmem>>, %arg2: memref<256x256xf32, #tpu.memory_space<vmem>>, %arg3: memref<256x256xf32, #tpu.memory_space<vmem>>) attributes {dimension_semantics = [#tpu.dimension_semantics<arbitrary>], iteration_bounds = array<i64: 16>, scalar_prefetch = 0 : i64, scratch_operands = 0 : i64, tpu.core_type = #tpu.core_type<tc>, window_params = [{transform_indices = @transform_0, window_bounds = array<i64: 256, 20, 256>}, {transform_indices = @transform_1, window_bounds = array<i64: 256, 256>}, {transform_indices = @transform_2, window_bounds = array<i64: 256, 256>}]} {
    %get3A = arith.constant 0 : index
    %get3A_0 = arith.constant 0 : index
    %get3A_1 = arith.constant 0 : index
    %get3A_2 = vector.load %arg1[%get3A, %get3A_0, %get3A_1] : memref<256x20x256xf32, #tpu.memory_space<vmem>>, vector<256x20x256xf32>
    %reduce_max3A = arith.constant dense<0xFF800000> : vector<256x256xf32>
    %reduce_max3A_3 = vector.multi_reduction <maximumf>, %get3A_2, %reduce_max3A [1] : vector<256x20x256xf32> to vector<256x256xf32>
    %get3A_4 = arith.constant 0 : index
    %get3A_5 = arith.constant 0 : index
    %get3A_6 = vector.load %arg2[%get3A_4, %get3A_5] : memref<256x256xf32, #tpu.memory_space<vmem>>, vector<256x256xf32>
    %add3A = arith.addf %get3A_6, %reduce_max3A_3 : vector<256x256xf32>
    %max3A = arith.constant 0.000000e+00 : f32
    %max3A_7 = vector.broadcast %max3A : f32 to vector<256x256xf32>
    %max3A_8 = arith.maximumf %add3A, %max3A_7 : vector<256x256xf32>
    %swap3A = arith.constant 0 : index
    %swap3A_9 = arith.constant 0 : index
    %swap3A_10 = vector.load %arg3[%swap3A, %swap3A_9] : memref<256x256xf32, #tpu.memory_space<vmem>>, vector<256x256xf32>
    tpu.vector_store %arg3[%swap3A, %swap3A_9], %max3A_8 {strides = array<i32>} : memref<256x256xf32, #tpu.memory_space<vmem>>, vector<256x256xf32>,
    return
  }
  func.func @transform_0(%arg0: i32) -> (i32, i32, i32) {
    %c0_i32 = arith.constant 0 : i32
    %c0_i32_0 = arith.constant 0 : i32
    %c0_i32_1 = arith.constant 0 : i32
    return %arg0, %c0_i32, %c0_i32_0 : i32, i32, i32
  }
  func.func @transform_1(%arg0: i32) -> (i32, i32) {
    %c0_i32 = arith.constant 0 : i32
    %c0_i32_0 = arith.constant 0 : i32
    return %arg0, %c0_i32 : i32, i32
  }
  func.func @transform_2(%arg0: i32) -> (i32, i32) {
    %c0_i32 = arith.constant 0 : i32
    %c0_i32_0 = arith.constant 0 : i32
    return %arg0, %c0_i32 : i32, i32
  }
}

module attributes {stable_mosaic.version = 14 : i64} {
  func.func @_final_body(%arg0: i32, %arg1: memref<512x512xf32, #tpu.memory_space<vmem>>, %arg2: memref<512x1024xf32, #tpu.memory_space<vmem>>, %arg3: memref<1x1024xf32, #tpu.memory_space<vmem>>, %arg4: memref<512x1xi32, #tpu.memory_space<vmem>>, %arg5: memref<1x512xi32, #tpu.memory_space<vmem>>, %arg6: memref<4x2048xf32, #tpu.memory_space<vmem>>, %arg7: memref<4x1024xf32, #tpu.memory_space<vmem>>, %arg8: memref<4x1xf32, #tpu.memory_space<vmem>>) attributes {dimension_semantics = [#tpu.dimension_semantics<arbitrary>], iteration_bounds = array<i64: 8>, scalar_prefetch = 0 : i64, scratch_operands = 2 : i64, tpu.core_type = #tpu.core_type<tc>, window_params = [{transform_indices = @transform_0, window_bounds = array<i64: 512, 512>}, {pipeline_mode = #tpu.pipeline_mode<synchronous>, transform_indices = @transform_1, window_bounds = array<i64: 512, 1024>}, {pipeline_mode = #tpu.pipeline_mode<synchronous>, transform_indices = @transform_2, window_bounds = array<i64: 1, 1024>}, {transform_indices = @transform_3, window_bounds = array<i64: 512, 1>}, {transform_indices = @transform_4, window_bounds = array<i64: 1, 512>}, {pipeline_mode = #tpu.pipeline_mode<synchronous>, transform_indices = @transform_5, window_bounds = array<i64: 4, 2048>}]} {
    %eq3A = arith.constant 0 : i32
    %eq3A_0 = arith.cmpi eq, %arg0, %eq3A : i32
    %convert_element_type3A = arith.extui %eq3A_0 : i1 to i32
    %cond3A = arith.constant 0 : i32
    %cond3A_1 = arith.cmpi ne, %convert_element_type3A, %cond3A : i32
    scf.if %cond3A_1 {
      %broadcast_in_dim3A_93 = arith.constant 0xFF800000 : f32
      %broadcast_in_dim3A_94 = vector.broadcast %broadcast_in_dim3A_93 : f32 to vector<4x2048xf32>
      %swap3A_95 = arith.constant 0 : index
      %swap3A_96 = arith.constant 0 : index
      %swap3A_97 = vector.load %arg6[%swap3A_95, %swap3A_96] : memref<4x2048xf32, #tpu.memory_space<vmem>>, vector<4x2048xf32>
      tpu.vector_store %arg6[%swap3A_95, %swap3A_96], %broadcast_in_dim3A_94 {strides = array<i32>} : memref<4x2048xf32, #tpu.memory_space<vmem>>, vector<4x2048xf32>,
      %broadcast_in_dim3A_98 = arith.constant 0.000000e+00 : f32
      %broadcast_in_dim3A_99 = vector.broadcast %broadcast_in_dim3A_98 : f32 to vector<4x1024xf32>
      %swap3A_100 = arith.constant 0 : index
      %swap3A_101 = arith.constant 0 : index
      %swap3A_102 = vector.load %arg7[%swap3A_100, %swap3A_101] : memref<4x1024xf32, #tpu.memory_space<vmem>>, vector<4x1024xf32>
      tpu.vector_store %arg7[%swap3A_100, %swap3A_101], %broadcast_in_dim3A_99 {strides = array<i32>} : memref<4x1024xf32, #tpu.memory_space<vmem>>, vector<4x1024xf32>,
      %broadcast_in_dim3A_103 = arith.constant 0.000000e+00 : f32
      %broadcast_in_dim3A_104 = vector.broadcast %broadcast_in_dim3A_103 : f32 to vector<4x1xf32>
      %swap3A_105 = arith.constant 0 : index
      %swap3A_106 = arith.constant 0 : index
      %swap3A_107 = vector.load %arg8[%swap3A_105, %swap3A_106] : memref<4x1xf32, #tpu.memory_space<vmem>>, vector<4x1xf32>
      tpu.vector_store %arg8[%swap3A_105, %swap3A_106], %broadcast_in_dim3A_104 {strides = array<i32>} : memref<4x1xf32, #tpu.memory_space<vmem>>, vector<4x1xf32>,
    } else {
    }
    %get3A = arith.constant 0 : index
    %get3A_2 = arith.constant 0 : index
    %get3A_3 = vector.load %arg1[%get3A, %get3A_2] : memref<512x512xf32, #tpu.memory_space<vmem>>, vector<512x512xf32>
    %get3A_4 = arith.constant 0 : index
    %get3A_5 = arith.constant 0 : index
    %get3A_6 = vector.load %arg2[%get3A_4, %get3A_5] : memref<512x1024xf32, #tpu.memory_space<vmem>>, vector<512x1024xf32>
    %dot_general3A = arith.constant dense<0.000000e+00> : vector<512x1024xf32>
    %dot_general3A_7 = tpu.matmul %get3A_3, %get3A_6, %dot_general3A {dimension_numbers = #tpu.dot_dimension_numbers<[1], [0], [0], [1], [0, 0, 1, 1], [], []>, transpose_lhs_hint = false} : vector<512x512xf32>, vector<512x1024xf32>, vector<512x1024xf32> -> vector<512x1024xf32>
    %get3A_8 = arith.constant 0 : index
    %get3A_9 = arith.constant 0 : index
    %get3A_10 = vector.load %arg3[%get3A_8, %get3A_9] : memref<1x1024xf32, #tpu.memory_space<vmem>>, vector<1x1024xf32>
    %add3A = vector.broadcast %get3A_10 : vector<1x1024xf32> to vector<512x1024xf32>
    %add3A_11 = arith.addf %dot_general3A_7, %add3A : vector<512x1024xf32>
    %max3A = arith.constant 0.000000e+00 : f32
    %max3A_12 = vector.broadcast %max3A : f32 to vector<512x1024xf32>
    %max3A_13 = arith.maximumf %add3A_11, %max3A_12 : vector<512x1024xf32>
    %get3A_14 = arith.constant 0 : index
    %get3A_15 = arith.constant 0 : index
    %get3A_16 = vector.load %arg4[%get3A_14, %get3A_15] : memref<512x1xi32, #tpu.memory_space<vmem>>, vector<512x1xi32>
    %get3A_17 = arith.constant 0 : index
    %get3A_18 = arith.constant 0 : index
    %get3A_19 = vector.load %arg5[%get3A_17, %get3A_18] : memref<1x512xi32, #tpu.memory_space<vmem>>, vector<1x512xi32>
    %iota3A = tpu.iota {dimensions = array<i32: 0>} : vector<4x512xi32>
    %eq3A_20 = vector.broadcast %get3A_19 : vector<1x512xi32> to vector<4x512xi32>
    %eq3A_21 = arith.cmpi eq, %iota3A, %eq3A_20 : vector<4x512xi32>
    %convert_element_type3A_22 = arith.extui %eq3A_21 : vector<4x512xi1> to vector<4x512xi32>
    %convert_element_type3A_23 = arith.sitofp %convert_element_type3A_22 : vector<4x512xi32> to vector<4x512xf32>
    %get3A_24 = arith.constant 0 : index
    %get3A_25 = arith.constant 0 : index
    %get3A_26 = vector.load %arg7[%get3A_24, %get3A_25] : memref<4x1024xf32, #tpu.memory_space<vmem>>, vector<4x1024xf32>
    %dot_general3A_27 = arith.constant dense<0.000000e+00> : vector<4x1024xf32>
    %dot_general3A_28 = tpu.matmul %convert_element_type3A_23, %max3A_13, %dot_general3A_27 {dimension_numbers = #tpu.dot_dimension_numbers<[1], [0], [0], [1], [0, 0, 1, 1], [], []>, transpose_lhs_hint = false} : vector<4x512xf32>, vector<512x1024xf32>, vector<4x1024xf32> -> vector<4x1024xf32>
    %add3A_29 = arith.addf %get3A_26, %dot_general3A_28 : vector<4x1024xf32>
    %swap3A = arith.constant 0 : index
    %swap3A_30 = arith.constant 0 : index
    %swap3A_31 = vector.load %arg7[%swap3A, %swap3A_30] : memref<4x1024xf32, #tpu.memory_space<vmem>>, vector<4x1024xf32>
    tpu.vector_store %arg7[%swap3A, %swap3A_30], %add3A_29 {strides = array<i32>} : memref<4x1024xf32, #tpu.memory_space<vmem>>, vector<4x1024xf32>,
    %get3A_32 = arith.constant 0 : index
    %get3A_33 = arith.constant 0 : index
    %get3A_34 = vector.load %arg8[%get3A_32, %get3A_33] : memref<4x1xf32, #tpu.memory_space<vmem>>, vector<4x1xf32>
    %reduce_sum3A = arith.constant dense<0.000000e+00> : vector<4xf32>
    %reduce_sum3A_35 = vector.multi_reduction <add>, %convert_element_type3A_23, %reduce_sum3A [1] : vector<4x512xf32> to vector<4xf32>
    %broadcast_in_dim3A = vector.shape_cast %reduce_sum3A_35 : vector<4xf32> to vector<4x1xf32>
    %add3A_36 = arith.addf %get3A_34, %broadcast_in_dim3A : vector<4x1xf32>
    %swap3A_37 = arith.constant 0 : index
    %swap3A_38 = arith.constant 0 : index
    %swap3A_39 = vector.load %arg8[%swap3A_37, %swap3A_38] : memref<4x1xf32, #tpu.memory_space<vmem>>, vector<4x1xf32>
    tpu.vector_store %arg8[%swap3A_37, %swap3A_38], %add3A_36 {strides = array<i32>} : memref<4x1xf32, #tpu.memory_space<vmem>>, vector<4x1xf32>,
    %eq3A_40 = arith.constant 0 : i32
    %eq3A_41 = vector.broadcast %eq3A_40 : i32 to vector<512x1xi32>
    %eq3A_42 = arith.cmpi eq, %get3A_16, %eq3A_41 : vector<512x1xi32>
    %jit3A = arith.constant 0xFF800000 : f32
    %broadcast_in_dim3A_43 = vector.shape_cast %eq3A_42 : vector<512x1xi1> to vector<512x1xi1>
    %broadcast_in_dim3A_44 = vector.broadcast %broadcast_in_dim3A_43 : vector<512x1xi1> to vector<512x1024xi1>
    %broadcast_in_dim3A_45 = vector.broadcast %jit3A : f32 to vector<512x1024xf32>
    %select_n3A = arith.select %broadcast_in_dim3A_44, %max3A_13, %broadcast_in_dim3A_45 : vector<512x1024xi1>, vector<512x1024xf32>
    %reduce_max3A = arith.constant dense<0xFF800000> : vector<1024xf32>
    %reduce_max3A_46 = vector.multi_reduction <maximumf>, %select_n3A, %reduce_max3A [0] : vector<512x1024xf32> to vector<1024xf32>
    %broadcast_in_dim3A_47 = vector.shape_cast %reduce_max3A_46 : vector<1024xf32> to vector<1x1024xf32>
    %eq3A_48 = arith.constant 1 : i32
    %eq3A_49 = vector.broadcast %eq3A_48 : i32 to vector<512x1xi32>
    %eq3A_50 = arith.cmpi eq, %get3A_16, %eq3A_49 : vector<512x1xi32>
    %jit3A_51 = arith.constant 0xFF800000 : f32
    %broadcast_in_dim3A_52 = vector.shape_cast %eq3A_50 : vector<512x1xi1> to vector<512x1xi1>
    %broadcast_in_dim3A_53 = vector.broadcast %broadcast_in_dim3A_52 : vector<512x1xi1> to vector<512x1024xi1>
    %broadcast_in_dim3A_54 = vector.broadcast %jit3A_51 : f32 to vector<512x1024xf32>
    %select_n3A_55 = arith.select %broadcast_in_dim3A_53, %max3A_13, %broadcast_in_dim3A_54 : vector<512x1024xi1>, vector<512x1024xf32>
    %reduce_max3A_56 = arith.constant dense<0xFF800000> : vector<1024xf32>
    %reduce_max3A_57 = vector.multi_reduction <maximumf>, %select_n3A_55, %reduce_max3A_56 [0] : vector<512x1024xf32> to vector<1024xf32>
    %broadcast_in_dim3A_58 = vector.shape_cast %reduce_max3A_57 : vector<1024xf32> to vector<1x1024xf32>
    %eq3A_59 = arith.constant 2 : i32
    %eq3A_60 = vector.broadcast %eq3A_59 : i32 to vector<512x1xi32>
    %eq3A_61 = arith.cmpi eq, %get3A_16, %eq3A_60 : vector<512x1xi32>
    %jit3A_62 = arith.constant 0xFF800000 : f32
    %broadcast_in_dim3A_63 = vector.shape_cast %eq3A_61 : vector<512x1xi1> to vector<512x1xi1>
    %broadcast_in_dim3A_64 = vector.broadcast %broadcast_in_dim3A_63 : vector<512x1xi1> to vector<512x1024xi1>
    %broadcast_in_dim3A_65 = vector.broadcast %jit3A_62 : f32 to vector<512x1024xf32>
    %select_n3A_66 = arith.select %broadcast_in_dim3A_64, %max3A_13, %broadcast_in_dim3A_65 : vector<512x1024xi1>, vector<512x1024xf32>
    %reduce_max3A_67 = arith.constant dense<0xFF800000> : vector<1024xf32>
    %reduce_max3A_68 = vector.multi_reduction <maximumf>, %select_n3A_66, %reduce_max3A_67 [0] : vector<512x1024xf32> to vector<1024xf32>
    %broadcast_in_dim3A_69 = vector.shape_cast %reduce_max3A_68 : vector<1024xf32> to vector<1x1024xf32>
    %eq3A_70 = arith.constant 3 : i32
    %eq3A_71 = vector.broadcast %eq3A_70 : i32 to vector<512x1xi32>
    %eq3A_72 = arith.cmpi eq, %get3A_16, %eq3A_71 : vector<512x1xi32>
    %jit3A_73 = arith.constant 0xFF800000 : f32
    %broadcast_in_dim3A_74 = vector.shape_cast %eq3A_72 : vector<512x1xi1> to vector<512x1xi1>
    %broadcast_in_dim3A_75 = vector.broadcast %broadcast_in_dim3A_74 : vector<512x1xi1> to vector<512x1024xi1>
    %broadcast_in_dim3A_76 = vector.broadcast %jit3A_73 : f32 to vector<512x1024xf32>
    %select_n3A_77 = arith.select %broadcast_in_dim3A_75, %max3A_13, %broadcast_in_dim3A_76 : vector<512x1024xi1>, vector<512x1024xf32>
    %reduce_max3A_78 = arith.constant dense<0xFF800000> : vector<1024xf32>
    %reduce_max3A_79 = vector.multi_reduction <maximumf>, %select_n3A_77, %reduce_max3A_78 [0] : vector<512x1024xf32> to vector<1024xf32>
    %broadcast_in_dim3A_80 = vector.shape_cast %reduce_max3A_79 : vector<1024xf32> to vector<1x1024xf32>
    %concatenate3A = tpu.concatenate %broadcast_in_dim3A_47, %broadcast_in_dim3A_58, %broadcast_in_dim3A_69, %broadcast_in_dim3A_80 in 0 : vector<1x1024xf32>, vector<1x1024xf32>, vector<1x1024xf32>, vector<1x1024xf32> -> vector<4x1024xf32>
    %get3A_81 = arith.constant 0 : index
    %get3A_82 = arith.constant 0 : index
    %get3A_83 = vector.load %arg6[%get3A_81, %get3A_82] : memref<4x2048xf32, #tpu.memory_space<vmem>>, vector<4x1024xf32>
    %max3A_84 = arith.maximumf %get3A_83, %concatenate3A : vector<4x1024xf32>
    %swap3A_85 = arith.constant 0 : index
    %swap3A_86 = arith.constant 0 : index
    %swap3A_87 = vector.load %arg6[%swap3A_85, %swap3A_86] : memref<4x2048xf32, #tpu.memory_space<vmem>>, vector<4x1024xf32>
    tpu.vector_store %arg6[%swap3A_85, %swap3A_86], %max3A_84 {strides = array<i32>} : memref<4x2048xf32, #tpu.memory_space<vmem>>, vector<4x1024xf32>,
    %eq3A_88 = arith.constant 7 : i32
    %eq3A_89 = arith.cmpi eq, %arg0, %eq3A_88 : i32
    %convert_element_type3A_90 = arith.extui %eq3A_89 : i1 to i32
    %cond3A_91 = arith.constant 0 : i32
    %cond3A_92 = arith.cmpi ne, %convert_element_type3A_90, %cond3A_91 : i32
    scf.if %cond3A_92 {
      %get3A_93 = arith.constant 0 : index
      %get3A_94 = arith.constant 0 : index
      %get3A_95 = vector.load %arg7[%get3A_93, %get3A_94] : memref<4x1024xf32, #tpu.memory_space<vmem>>, vector<4x1024xf32>
      %get3A_96 = arith.constant 0 : index
      %get3A_97 = arith.constant 0 : index
      %get3A_98 = vector.load %arg8[%get3A_96, %get3A_97] : memref<4x1xf32, #tpu.memory_space<vmem>>, vector<4x1xf32>
      %div3A = vector.broadcast %get3A_98 : vector<4x1xf32> to vector<4x1024xf32>
      %div3A_99 = arith.divf %get3A_95, %div3A : vector<4x1024xf32>
      %swap3A_100 = arith.constant 0 : index
      %swap3A_101 = arith.constant 1024 : index
      %swap3A_102 = vector.load %arg6[%swap3A_100, %swap3A_101] : memref<4x2048xf32, #tpu.memory_space<vmem>>, vector<4x1024xf32>
      tpu.vector_store %arg6[%swap3A_100, %swap3A_101], %div3A_99 {strides = array<i32>} : memref<4x2048xf32, #tpu.memory_space<vmem>>, vector<4x1024xf32>,
    } else {
    }
    return
  }
  func.func @transform_0(%arg0: i32) -> (i32, i32) {
    %c0_i32 = arith.constant 0 : i32
    %c0_i32_0 = arith.constant 0 : i32
    return %arg0, %c0_i32 : i32, i32
  }
  func.func @transform_1(%arg0: i32) -> (i32, i32) {
    %c0_i32 = arith.constant 0 : i32
    %c0_i32_0 = arith.constant 0 : i32
    %c0_i32_1 = arith.constant 0 : i32
    return %c0_i32, %c0_i32_0 : i32, i32
  }
  func.func @transform_2(%arg0: i32) -> (i32, i32) {
    %c0_i32 = arith.constant 0 : i32
    %c0_i32_0 = arith.constant 0 : i32
    %c0_i32_1 = arith.constant 0 : i32
    return %c0_i32, %c0_i32_0 : i32, i32
  }
  func.func @transform_3(%arg0: i32) -> (i32, i32) {
    %c0_i32 = arith.constant 0 : i32
    %c0_i32_0 = arith.constant 0 : i32
    return %arg0, %c0_i32 : i32, i32
  }
  func.func @transform_4(%arg0: i32) -> (i32, i32) {
    %c0_i32 = arith.constant 0 : i32
    %c0_i32_0 = arith.constant 0 : i32
    return %c0_i32, %arg0 : i32, i32
  }
  func.func @transform_5(%arg0: i32) -> (i32, i32) {
    %c0_i32 = arith.constant 0 : i32
    %c0_i32_0 = arith.constant 0 : i32
    %c0_i32_1 = arith.constant 0 : i32
    return %c0_i32, %c0_i32_0 : i32, i32
  }
}

</mosaic_0001>

<sc_bundles>
// kernel: kernel.19.cloned.1.call-start
scs
__scs_entry_jumppad:
0x0: {  	(pc) =	sbr.rel $0x88, $3  }
0x1: {  	(tag) =	ssettag $0x0;
	lr =	simm.s32 $0x1  }
0x2: {  	[smem:$0x3F95] =	sst lr;
	_ =	strace $0xD0000000  }
0x3: {  	_ = 	snop  }
0x4: {  	_ = 	snop  }
0x5: {  	_ = 	snop  }
0x6: {  	_ = 	snop  }
0x7: {  	_ = 	snop  }
__scs_overlays_trampoline_lowered:
0x8: {  	[smem:$0x3FA4] =	sst s0  }
0x9: {  	[smem:$0x3FA5] =	sst s1  }
0xa: {  	[smem:$0x3FA6] =	sst s2  }
0xb: {  	[smem:$0x3FA7] =	sst s3  }
0xc: {  	[smem:$0x3FA8] =	sst s4  }
0xd: {  	[smem:$0x3FA9] =	sst s5  }
0xe: {  	[smem:$0x3FAA] =	sst s6  }
0xf: {  	[smem:$0x3FAB] =	sst s7  }
0x10: {  	[smem:$0x3FAC] =	sst s8  }
0x11: {  	[smem:$0x3FAD] =	sst s9;
	s0 =	simm.s32 @!p0 $0x0  }
0x12: {  	s1 =	sld [smem:$0x3F93];
	s0 =	simm.s32 @p0 $0x1  }
0x13: {  	[smem:$0x3FAE] =	sst s0;
	s0 =	simm.s32 @!p1 $0x0  }
0x14: {  	s2 =	sld [smem:$0x3F92];
	s0 =	simm.s32 @p1 $0x1  }
0x15: {  	[smem:$0x3FAF] =	sst s0;
	s0 =	simm.s32 @!p2 $0x0  }
0x16: {  	s3 =	sld [smem:$0x3FDB];
	s0 =	simm.s32 @p2 $0x1  }
0x17: {  	s4 =	simm.s32 $0x1BF5;
	[smem:$0x3FB1] =	sst s0  }
0x18: {  	s0 =	sld [smem:$0x3F94];
	_ =	swait.ge [sflag:s4], $0x0  }
0x19: {  	s7 =	sld [smem:$0x3F95]  }
0x1a: {  	s8 =	sadd.s32 $0xFFFFE003, lr  }
0x1b: {  	s9 =	sadd.s32 $0xFFFFFEF7, lr;
	s5 =	simm.s32 $0xFFFFFFFF;
	p2 =	slt.u32 s8, $0xFFFFF086  }
0x1c: {  	p1 =	slt.u32 s9, $0xF7A;
	s5 =	simm.s32 @!p2 $0x0  }
0x1d: {  	s5 =	simm.s32 @p1 $0x1;
	p0 =	seq.s32 s7, s2  }
0x1e: {  	s7 =	smul.u32 @!p0 $0xF7A, s2;
	p2 =	seq.s32 @!p0 s5, $0x0  }
0x1f: {  	s9 =	smul.u32 $0xF7A, s1;
	s8 =	simm.s32 @!p0 $0x1BF5;
	p2 =	por !p2, p0  }
0x20: {  	[sflag:s8] =	ssyncset.s32 @!p0 $0xFFFFF086;
	s6 =	sadd.s32 @!p0 s3, s7;
	s7 =	simm.s32 @!p0 $0x108  }
0x21: {  	s3 =	sadd.s32 s3, s9;
	s6 =	sadd.s32 @!p0 $0x88, s6;
	s7 =	simm.s32 @p2 $0x1082  }
0x22: {  	[simem:s7], [sflag:s8] =	dma.local @!p0 [hbm:s6], $0xF7A  }
0x23: {  	s9 =	sor.u32 $0xD0000000, s2;
	s6 =	simm.s32 $0x108;
	_ =	swait.ge @!p0 [sflag:s8], $0x0  }
0x24: {  	s3 =	sadd.s32 $0x88, s3;
	s6 =	simm.s32 @!p1 $0x1082;
	[sflag:s4] =	ssyncset.s32 $0xFFFFF086  }
0x25: {  	[simem:s6], [sflag:s4] =	dma.local [hbm:s3], $0xF7A  }
0x26: {  	[smem:$0x3F95] =	sst s1;
	(tag) =	ssettag s2;
	_ =	strace s9  }
0x27: {  	s1 =	sld [smem:$0x3FA5]  }
0x28: {  	s2 =	sld [smem:$0x3FA6]  }
0x29: {  	s4 =	sld [smem:$0x3FA8]  }
0x2a: {  	p0 =	seq.s32 s5, $0x0;
	s5 =	sld [smem:$0x3FA9]  }
0x2b: {  	s6 =	sld [smem:$0x3FAA]  }
0x2c: {  	s7 =	sld [smem:$0x3FAB]  }
0x2d: {  	s3 =	simm.s32 $0x108;
	s8 =	sld [smem:$0x3FAC]  }
0x2e: {  	s3 =	simm.s32 @!p0 $0x1082;
	s9 =	sld [smem:$0x3FAD]  }
0x2f: {  	lr =	sadd.s32 s0, s3;
	s0 =	sld [smem:$0x3FA4]  }
0x30: {  	s3 =	sld [smem:$0x3FA7]  }
0x31: {  	[smem:$0x3FB0] =	sst s10  }
0x32: {  	s10 =	sld [smem:$0x3FAE];
	_ =	sdelay $0x3  }
0x33: {  	p0 =	seq.s32 s10, $0x1;
	s10 =	sld [smem:$0x3FB0];
	_ =	sdelay $0x3  }
0x34: {  	[smem:$0x3FB0] =	sst s10  }
0x35: {  	s10 =	sld [smem:$0x3FAF];
	_ =	sdelay $0x3  }
0x36: {  	p1 =	seq.s32 s10, $0x1;
	s10 =	sld [smem:$0x3FB0];
	_ =	sdelay $0x3  }
0x37: {  	[smem:$0x3FB0] =	sst s10  }
0x38: {  	s10 =	sld [smem:$0x3FB1]  }
0x39: {  	_ = 	snop;
	(pc) =	sbr.ind lr, $3  }
0x3a: {  	_ = 	snop  }
0x3b: {  	_ = 	snop  }
0x3c: {  	p2 =	seq.s32 s10, $0x1;
	s10 =	sld [smem:$0x3FB0]  }
0x3d: {  	_ =	shalt  }
0x3e: {  	_ =	shalt  }
0x3f: {  	_ =	shalt  }
0x40: {  	_ =	shalt  }
0x41: {  	_ =	shalt  }
0x42: {  	_ =	shalt  }
0x43: {  	_ =	shalt  }
0x44: {  	_ =	shalt  }
0x45: {  	_ =	shalt  }
0x46: {  	_ =	shalt  }
0x47: {  	_ =	shalt  }
0x48: {  	_ =	shalt  }
0x49: {  	_ =	shalt  }
0x4a: {  	_ =	shalt  }
0x4b: {  	_ =	shalt  }
0x4c: {  	_ =	shalt  }
0x4d: {  	_ =	shalt  }
0x4e: {  	_ =	shalt  }
0x4f: {  	_ =	shalt  }
0x50: {  	_ =	shalt  }
0x51: {  	_ =	shalt  }
0x52: {  	_ =	shalt  }
0x53: {  	_ =	shalt  }
0x54: {  	_ =	shalt  }
0x55: {  	_ =	shalt  }
0x56: {  	_ =	shalt  }
0x57: {  	_ =	shalt  }
0x58: {  	_ =	shalt  }
0x59: {  	_ =	shalt  }
0x5a: {  	_ =	shalt  }
0x5b: {  	_ =	shalt  }
0x5c: {  	_ =	shalt  }
0x5d: {  	_ =	shalt  }
0x5e: {  	_ =	shalt  }
0x5f: {  	_ =	shalt  }
0x60: {  	_ =	shalt  }
0x61: {  	_ =	shalt  }
0x62: {  	_ =	shalt  }
0x63: {  	_ =	shalt  }
0x64: {  	_ =	shalt  }
0x65: {  	_ =	shalt  }
0x66: {  	_ =	shalt  }
0x67: {  	_ =	shalt  }
0x68: {  	_ =	shalt  }
0x69: {  	_ =	shalt  }
0x6a: {  	_ =	shalt  }
0x6b: {  	_ =	shalt  }
0x6c: {  	_ =	shalt  }
0x6d: {  	_ =	shalt  }
0x6e: {  	_ =	shalt  }
0x6f: {  	_ =	shalt  }
0x70: {  	_ =	shalt  }
0x71: {  	_ =	shalt  }
0x72: {  	_ =	shalt  }
0x73: {  	_ =	shalt  }
0x74: {  	_ =	shalt  }
0x75: {  	_ =	shalt  }
0x76: {  	_ =	shalt  }
0x77: {  	_ =	shalt  }
0x78: {  	_ =	shalt  }
0x79: {  	_ =	shalt  }
0x7a: {  	_ =	shalt  }
0x7b: {  	_ =	shalt  }
0x7c: {  	_ =	shalt  }
0x7d: {  	_ =	shalt  }
0x7e: {  	_ =	shalt  }
0x7f: {  	_ =	shalt  }
0x80: {  	_ =	shalt  }
0x81: {  	_ =	shalt  }
0x82: {  	_ =	shalt  }
0x83: {  	_ =	shalt  }
0x84: {  	_ =	shalt  }
0x85: {  	_ =	shalt  }
0x86: {  	_ =	shalt  }
0x87: {  	_ =	shalt  }
.Lfunc_end0:
.L_simem_size_0:
called_computation_lowered:
.L_overlay_start_0:
0x88: {  	s2 =	sld [smem:$0x3FD9]  }
0x89: {  	s3 =	sld [smem:$0x3FFE];
	_ =	sdelay $0x1  }
0x8a: {  	s1 =	srdreg.scid  }
0x8b: {  	s0 =	sand.u32 $0x1, s1  }
0x8c: {  	s16 =	sshll.u32 s0, $0xA;
	s2 =	sadd.s32 s3, s2  }
0x8d: {  	s2 =	sadd.s32 s2, s16  }
0x8e: {  	[smem:$0x3FBC] =	sst s2  }
0x8f: {  	_ = 	snop  }
0x90: {  	(tm) =	ssettm $0x1  }
0x91: {  	s17 =	sld [smem:$0x3FFB];
	_ =	sdelay $0x3  }
0x92: {  	_ =	strace s17  }
0x93: {  	s2 =	sld [smem:$0x3FFC];
	_ =	sdelay $0x3  }
0x94: {  	_ =	strace s2  }
0x95: {  	s2 =	sld [smem:$0x3FFD];
	_ =	sdelay $0x3  }
0x96: {  	_ =	strace s2  }
0x97: {  	_ =	strace $0x8FFFFFFF  }
0x98: {  	s18 =	sld [smem:$0x3FDB];
	_ =	sdelay $0x1  }
0x99: {  	s19 =	simm.s32 $_scs_section_size  }
0x9a: {  	s4 =	simm.s32 $_size__tile_overlayer_lowered;
	s5 =	simm.s32 $_tile_overlayer_lowered  }
0x9b: {  	s22 =	simm.s32 $0x1BFF;
	s21 =	sshll.u32 s5, $0x1;
	s2 =	sadd.s32 s19, s18  }
0x9c: {  	s6 =	simm.s32 $0x0;
	s20 =	sshll.u32 s4, $0x1;
	s4 =	sadd.s32 s21, s2  }
0x9d: {  	[timem:s6], [sflag:s22] =	dma.local [hbm:s4], s20  }
0x9e: {  	_ =	swait.ge [sflag:s22], s20  }
0x9f: {  	s3 =	ssub.s32 $0x0, s20;
	[sflag:s22] =	ssyncset.done $0x0  }
0xa0: {  	[sflag:s22] =	ssyncadd.s32 s3;
	_ =	sdelay $0x1  }
0xa1: {  	s23 =	simm.s32 $0x1B8B  }
0xa2: {  	_ =	swait.ge [sflag:s23], $0x1  }
0xa3: {  	[sflag:s23] =	ssyncset.done $0x0  }
0xa4: {  	s25 =	simm.s32 $0x1B8E;
	s24 =	sld [smem:$0x3FFE];
	[sflag:s23] =	ssyncadd.s32 $0xFFFFFFFF  }
0xa5: {  	s26 =	simm.s32 $execute0_lowered;
	[smem:$0x3FD2] =	sst s25  }
0xa6: {  	s4 =	sshll.u32 s26, $0x1;
	_ =	strace $0x80000046;
	[dreg:$0x1] =	wrdreg $0xFFFFFFFF  }
0xa7: {  	s28 =	simm.s32 $_size_execute0_lowered;
	s2 =	sadd.s32 s2, s4;
	[dreg:$0x0] =	wrdreg $0x0  }
0xa8: {  	s4 =	sshll.u32 s28, $0x1;
	[dreg:$0x2] =	wrdreg s2  }
0xa9: {  	[dreg:$0x3] =	wrdreg s4  }
0xaa: {  	[dreg:$0x4] =	wrdreg $0xC0  }
0xab: {  	_ =	task [dreg:s6], $0x5FFFF  }
0xac: {  	[dreg:$0x1] =	wrdreg $0xFFFFFFFF  }
0xad: {  	[dreg:$0x0] =	wrdreg $0x60  }
0xae: {  	[dreg:$0x2] =	wrdreg s24  }
0xaf: {  	[dreg:$0x3] =	wrdreg $0x9  }
0xb0: {  	_ =	task.clear_ibuf [dreg:s6], $0x4FFFF;
	_ =	strace $0x90000046  }
0xb1: {  	s29 =	simm.s32 $0x9;
	_ =	strace $0x80000048  }
0xb2: {  	_ =	swait.ge [sflag:s29], $0x1  }
0xb3: {  	[sflag:s29] =	ssyncadd.s32 $0xFFFFFFFF  }
0xb4: {  	_ =	strace $0x90000048  }
0xb5: {  	_ =	sfence  }
0xb6: {  	s30 =	sld [smem:$0x0];
	_ =	sdelay $0x2  }
0xb7: {  	s31 =	sshll.u32 s1, $0xD;
	s1 =	sshrl.u32 s1, $0x2  }
0xb8: {  	s3 =	sand.u32 $0x4000, s31;
	s1 =	sadd.s32 s1, s30  }
0xb9: {  	s0 =	sor.u32 s3, s0;
	s1 =	sshll.u32 s1, $0x11  }
0xba: {  	s0 =	sor.u32 s1, s0  }
0xbb: {  	s0 =	sadd.s32 $0x8F2B, s0  }
0xbc: {  	[sflag:s0] =	ssyncadd.remote.s32 $0x1  }
0xbd: {  	_ =	sfence.sel $0xFFFF  }
0xbe: {  	[dreg:$0x0] =	wrdreg $0xFFFFFFFF;
	(pc) =	sbr.abs _section_cstart, $3  }
0xbf: {  	[dreg:$0x1] =	wrdreg $0xFFFFFFFF  }
0xc0: {  	_ =	task.clear_ibuf [dreg:s6], $0x2FFFF;
	_ =	strace $0x9FFFFFFF  }
0xc1: {  	(tm) =	ssettm $0x7FFFFFFF  }
tec
execute0_lowered:
.L_overlay_start_1:
0x0: {  	(tag) =	ssettag $0x1  }
0x1: {  	s4 =	rddreg [dreg:$0x0]  }
0x2: {  	s0 =	rddreg [dreg:$0x1];
	s2 =	simm.s32 $0x0;
	s1 =	stileid.u32  }
0x3: {  	s3 =	srdreg.scid;
	s10 =	simm.s32 $0x0;
	s6 =	smul.u32 $0x1400, s1  }
0x4: {  	[smem:$0x7FF] =	sst s2;
	s5 =	sand.u32 $0x1, s3;
	s8 =	smul.u32 $0x14000, s1  }
0x5: {  	s3 =	sadd.s32 $0x13E00, s4;
	s7 =	smul.u32 $0xA00, s5;
	s9 =	ssub.s32 $0x2, s5  }
0x6: {  	_ =	strace $0x80000047;
	s5 =	smul.u32 $0xA000, s5;
	s31 =	sshrl.u32 s9, $0x1  }
0x7: {  	s8 =	sadd.s32 s8, s4;
	s6 =	sadd.s32 s7, s6;
	s7 =	ssub.s32 s9, s31  }
0x8: {  	s5 =	sadd.s32 s5, s8;
	s8 =	simm.s32 $0x80;
	s6 =	sshrl.u32 s6, $0x3  }
0x9: {  	s9 =	simm.s32 $0x1;
	s5 =	sadd.s32 $0x26600, s5;
	s6 =	sadd.s32 s6, s4  }
0xa: {  	s4 =	smax.u32 s7, $0x1;
	s7 =	simm.s32 $0x2;
	s6 =	sadd.s32 $0x23E00, s6  }
.LBB2_1:
0xb: {  	s11 =	sadd.s32 $0x0, s6  }
0xc: {  	[tilespmem:s2], [sflag:$0x2] =	stream.linear.gather [hbm4b:s11+s2], $0x80, $0x38;
	[tilespmem:$0x4080] =	vst v63  }
0xd: {  	_ =	swait.ge [sflag:s7], $0x80  }
0xe: {  	[sflag:s7] =	ssyncset.done $0x0  }
0xf: {  	[sflag:s7] =	ssyncadd.s32 $0xFFFFFF80  }
0x10: {  	[tilespmem:s8], [sflag:$0x1] =	stream.indirect.gather [hbm4b:s3+s8], $0x80, s2, s8, $0xb8;
	[tilespmem:$0x4080] =	vst v63  }
0x11: {  	_ =	swait.ge [sflag:s9], $0x4000  }
0x12: {  	[sflag:s9] =	ssyncset.done $0x0  }
0x13: {  	[sflag:s9] =	ssyncadd.s32 $0xFFFFC000  }
0x14: {  	[hbm4b:s5+s2] =	stream.linear.scatter [tilespmem:s8], [sflag:$0x2], $0x4000, $0x38;
	[tilespmem:$0x4080] =	vst v63  }
0x15: {  	s12 =	simm.s32 $0x10;
	_ =	swait.ge [sflag:s7], $0x4000  }
0x16: {  	s13 =	simm.s32 $0x20;
	s11 =	sadd.s32 $0x800, s5;
	[sflag:s7] =	ssyncset.done $0x0  }
.LBB2_2:
0x17: {  	s14 =	sadd.s32 s12, s6  }
0x18: {  	[sflag:s7] =	ssyncadd.s32 $0xFFFFC000;
	s12 =	smov.u32 s13;
	s15 =	sadd.s32 $0x10, s13  }
0x19: {  	[tilespmem:s2], [sflag:$0x2] =	stream.linear.gather [hbm4b:s14+s2], $0x80, $0x38;
	[tilespmem:$0x4080] =	vst v63  }
0x1a: {  	p0 =	sne.s32 s13, $0x130;
	_ =	swait.ge [sflag:s7], $0x80  }
0x1b: {  	[sflag:s7] =	ssyncset.done $0x0  }
0x1c: {  	[sflag:s7] =	ssyncadd.s32 $0xFFFFFF80  }
0x1d: {  	[tilespmem:s8], [sflag:$0x1] =	stream.indirect.gather [hbm4b:s3+s8], $0x80, s2, s8, $0xb8;
	[tilespmem:$0x4080] =	vst v63  }
0x1e: {  	_ =	swait.ge [sflag:s9], $0x4000  }
.Ltmp0:
0x1f: {  	[sflag:s9] =	ssyncset.done $0x0;
	(pc) =	sbr.rel @p0 .LBB2_2-.Ltmp0, $4  }
0x20: {  	[sflag:s9] =	ssyncadd.s32 $0xFFFFC000  }
0x21: {  	[hbm4b:s11+s2] =	stream.linear.scatter [tilespmem:s8], [sflag:$0x2], $0x4000, $0x38;
	[tilespmem:$0x4080] =	vst v63  }
0x22: {  	_ =	swait.ge [sflag:s7], $0x4000  }
0x23: {  	s13 =	smov.u32 s15;
	s11 =	sadd.s32 $0x800, s11;
	[sflag:s7] =	ssyncset.done $0x0  }
0x24: {  	s12 =	sadd.s32 s12, s6;
	[sflag:s7] =	ssyncadd.s32 $0xFFFFC000  }
0x25: {  	[tilespmem:s2], [sflag:$0x2] =	stream.linear.gather [hbm4b:s12+s2], $0x80, $0x38;
	[tilespmem:$0x4080] =	vst v63  }
0x26: {  	_ =	swait.ge [sflag:s7], $0x80  }
0x27: {  	[sflag:s7] =	ssyncset.done $0x0  }
0x28: {  	[sflag:s7] =	ssyncadd.s32 $0xFFFFFF80  }
0x29: {  	[tilespmem:s8], [sflag:$0x1] =	stream.indirect.gather [hbm4b:s3+s8], $0x80, s2, s8, $0xb8;
	[tilespmem:$0x4080] =	vst v63  }
0x2a: {  	s10 =	sadd.s32 $0x1, s10;
	_ =	swait.ge [sflag:s9], $0x4000  }
0x2b: {  	p0 =	sne.s32 s10, s4;
	[sflag:s9] =	ssyncset.done $0x0  }
.Ltmp1:
0x2c: {  	[sflag:s9] =	ssyncadd.s32 $0xFFFFC000;
	(pc) =	sbr.rel @p0 .LBB2_1-.Ltmp1, $4  }
0x2d: {  	[hbm4b:s11+s2] =	stream.linear.scatter [tilespmem:s8], [sflag:$0x2], $0x4000, $0x38;
	[tilespmem:$0x4080] =	vst v63  }
0x2e: {  	_ =	swait.ge [sflag:s7], $0x4000  }
0x2f: {  	[sflag:s7] =	ssyncset.done $0x0  }
0x30: {  	[sflag:s7] =	ssyncadd.s32 $0xFFFFC000  }
0x31: {  	_ =	sfence.sel $0x180000  }
0x32: {  	[bflag:$0x0] =	sbarrier.arrive $0xFFFF  }
0x33: {  	p0 =	sne.s32 s1, $0x0;
	_ =	strace $0x90000047  }
0x34: {  	s0 =	sadd.s32 @!p0 $0x100000, s0;
	[bflag:$0x2] =	sbarrier.arrive $0xFFFF  }
0x35: {  	[sflag:s0] =	ssyncadd.tile.s32 @!p0 $0x1;
	_ =	shalt  }
.Lfunc_end2:
_tile_overlayer_lowered:
.L_overlay_start_2:
0x36: {  	(tag) =	ssettag $0x2  }
0x37: {  	s0 =	rddreg [dreg:$0x0];
	s2 =	stileid.u32  }
0x38: {  	s1 =	rddreg [dreg:$0x1];
	p0 =	sne.s32 s2, $0x0  }
0x39: {  	s3 =	rddreg [dreg:$0x2];
	[bflag:$0x3] =	sbarrier.arrive $0xFFFF;
	s2 =	simm.s32 @!p0 $0x1C02  }
0x3a: {  	[timem:s3], [sflag:s2] =	dma.local @!p0 [hbm:s0], s1  }
0x3b: {  	s0 =	simm.s32 @!p0 $0x2  }
0x3c: {  	_ =	swait.ge @!p0 [sflag:s0], s1  }
0x3d: {  	s1 =	ssub.s32 @!p0 $0x0, s1;
	[sflag:s0] =	ssyncset.done @!p0 $0x0  }
0x3e: {  	[sflag:s0] =	ssyncadd.s32 @!p0 s1  }
0x3f: {  	[bflag:$0x3] =	sbarrier.arrive $0xFFFF  }
0x40: {  	_ =	shalt  }

// kernel: kernel.22.cloned.1.call-start
scs
__scs_entry_jumppad:
0x0: {  	(pc) =	sbr.rel $0x88, $3  }
0x1: {  	(tag) =	ssettag $0x0;
	lr =	simm.s32 $0x1  }
0x2: {  	[smem:$0x3F95] =	sst lr;
	_ =	strace $0xD0000000  }
0x3: {  	_ = 	snop  }
0x4: {  	_ = 	snop  }
0x5: {  	_ = 	snop  }
0x6: {  	_ = 	snop  }
0x7: {  	_ = 	snop  }
__scs_overlays_trampoline_lowered:
0x8: {  	[smem:$0x3FA4] =	sst s0  }
0x9: {  	[smem:$0x3FA5] =	sst s1  }
0xa: {  	[smem:$0x3FA6] =	sst s2  }
0xb: {  	[smem:$0x3FA7] =	sst s3  }
0xc: {  	[smem:$0x3FA8] =	sst s4  }
0xd: {  	[smem:$0x3FA9] =	sst s5  }
0xe: {  	[smem:$0x3FAA] =	sst s6  }
0xf: {  	[smem:$0x3FAB] =	sst s7  }
0x10: {  	[smem:$0x3FAC] =	sst s8  }
0x11: {  	[smem:$0x3FAD] =	sst s9;
	s0 =	simm.s32 @!p0 $0x0  }
0x12: {  	s1 =	sld [smem:$0x3F93];
	s0 =	simm.s32 @p0 $0x1  }
0x13: {  	[smem:$0x3FAE] =	sst s0;
	s0 =	simm.s32 @!p1 $0x0  }
0x14: {  	s2 =	sld [smem:$0x3F92];
	s0 =	simm.s32 @p1 $0x1  }
0x15: {  	[smem:$0x3FAF] =	sst s0;
	s0 =	simm.s32 @!p2 $0x0  }
0x16: {  	s3 =	sld [smem:$0x3FDB];
	s0 =	simm.s32 @p2 $0x1  }
0x17: {  	s4 =	simm.s32 $0x1BF5;
	[smem:$0x3FB1] =	sst s0  }
0x18: {  	s0 =	sld [smem:$0x3F94];
	_ =	swait.ge [sflag:s4], $0x0  }
0x19: {  	s7 =	sld [smem:$0x3F95]  }
0x1a: {  	s8 =	sadd.s32 $0xFFFFE003, lr  }
0x1b: {  	s9 =	sadd.s32 $0xFFFFFEF7, lr;
	s5 =	simm.s32 $0xFFFFFFFF;
	p2 =	slt.u32 s8, $0xFFFFF086  }
0x1c: {  	p1 =	slt.u32 s9, $0xF7A;
	s5 =	simm.s32 @!p2 $0x0  }
0x1d: {  	s5 =	simm.s32 @p1 $0x1;
	p0 =	seq.s32 s7, s2  }
0x1e: {  	s7 =	smul.u32 @!p0 $0xF7A, s2;
	p2 =	seq.s32 @!p0 s5, $0x0  }
0x1f: {  	s9 =	smul.u32 $0xF7A, s1;
	s8 =	simm.s32 @!p0 $0x1BF5;
	p2 =	por !p2, p0  }
0x20: {  	[sflag:s8] =	ssyncset.s32 @!p0 $0xFFFFF086;
	s6 =	sadd.s32 @!p0 s3, s7;
	s7 =	simm.s32 @!p0 $0x108  }
0x21: {  	s3 =	sadd.s32 s3, s9;
	s6 =	sadd.s32 @!p0 $0x88, s6;
	s7 =	simm.s32 @p2 $0x1082  }
0x22: {  	[simem:s7], [sflag:s8] =	dma.local @!p0 [hbm:s6], $0xF7A  }
0x23: {  	s9 =	sor.u32 $0xD0000000, s2;
	s6 =	simm.s32 $0x108;
	_ =	swait.ge @!p0 [sflag:s8], $0x0  }
0x24: {  	s3 =	sadd.s32 $0x88, s3;
	s6 =	simm.s32 @!p1 $0x1082;
	[sflag:s4] =	ssyncset.s32 $0xFFFFF086  }
0x25: {  	[simem:s6], [sflag:s4] =	dma.local [hbm:s3], $0xF7A  }
0x26: {  	[smem:$0x3F95] =	sst s1;
	(tag) =	ssettag s2;
	_ =	strace s9  }
0x27: {  	s1 =	sld [smem:$0x3FA5]  }
0x28: {  	s2 =	sld [smem:$0x3FA6]  }
0x29: {  	s4 =	sld [smem:$0x3FA8]  }
0x2a: {  	p0 =	seq.s32 s5, $0x0;
	s5 =	sld [smem:$0x3FA9]  }
0x2b: {  	s6 =	sld [smem:$0x3FAA]  }
0x2c: {  	s7 =	sld [smem:$0x3FAB]  }
0x2d: {  	s3 =	simm.s32 $0x108;
	s8 =	sld [smem:$0x3FAC]  }
0x2e: {  	s3 =	simm.s32 @!p0 $0x1082;
	s9 =	sld [smem:$0x3FAD]  }
0x2f: {  	lr =	sadd.s32 s0, s3;
	s0 =	sld [smem:$0x3FA4]  }
0x30: {  	s3 =	sld [smem:$0x3FA7]  }
0x31: {  	[smem:$0x3FB0] =	sst s10  }
0x32: {  	s10 =	sld [smem:$0x3FAE];
	_ =	sdelay $0x3  }
0x33: {  	p0 =	seq.s32 s10, $0x1;
	s10 =	sld [smem:$0x3FB0];
	_ =	sdelay $0x3  }
0x34: {  	[smem:$0x3FB0] =	sst s10  }
0x35: {  	s10 =	sld [smem:$0x3FAF];
	_ =	sdelay $0x3  }
0x36: {  	p1 =	seq.s32 s10, $0x1;
	s10 =	sld [smem:$0x3FB0];
	_ =	sdelay $0x3  }
0x37: {  	[smem:$0x3FB0] =	sst s10  }
0x38: {  	s10 =	sld [smem:$0x3FB1]  }
0x39: {  	_ = 	snop;
	(pc) =	sbr.ind lr, $3  }
0x3a: {  	_ = 	snop  }
0x3b: {  	_ = 	snop  }
0x3c: {  	p2 =	seq.s32 s10, $0x1;
	s10 =	sld [smem:$0x3FB0]  }
0x3d: {  	_ =	shalt  }
0x3e: {  	_ =	shalt  }
0x3f: {  	_ =	shalt  }
0x40: {  	_ =	shalt  }
0x41: {  	_ =	shalt  }
0x42: {  	_ =	shalt  }
0x43: {  	_ =	shalt  }
0x44: {  	_ =	shalt  }
0x45: {  	_ =	shalt  }
0x46: {  	_ =	shalt  }
0x47: {  	_ =	shalt  }
0x48: {  	_ =	shalt  }
0x49: {  	_ =	shalt  }
0x4a: {  	_ =	shalt  }
0x4b: {  	_ =	shalt  }
0x4c: {  	_ =	shalt  }
0x4d: {  	_ =	shalt  }
0x4e: {  	_ =	shalt  }
0x4f: {  	_ =	shalt  }
0x50: {  	_ =	shalt  }
0x51: {  	_ =	shalt  }
0x52: {  	_ =	shalt  }
0x53: {  	_ =	shalt  }
0x54: {  	_ =	shalt  }
0x55: {  	_ =	shalt  }
0x56: {  	_ =	shalt  }
0x57: {  	_ =	shalt  }
0x58: {  	_ =	shalt  }
0x59: {  	_ =	shalt  }
0x5a: {  	_ =	shalt  }
0x5b: {  	_ =	shalt  }
0x5c: {  	_ =	shalt  }
0x5d: {  	_ =	shalt  }
0x5e: {  	_ =	shalt  }
0x5f: {  	_ =	shalt  }
0x60: {  	_ =	shalt  }
0x61: {  	_ =	shalt  }
0x62: {  	_ =	shalt  }
0x63: {  	_ =	shalt  }
0x64: {  	_ =	shalt  }
0x65: {  	_ =	shalt  }
0x66: {  	_ =	shalt  }
0x67: {  	_ =	shalt  }
0x68: {  	_ =	shalt  }
0x69: {  	_ =	shalt  }
0x6a: {  	_ =	shalt  }
0x6b: {  	_ =	shalt  }
0x6c: {  	_ =	shalt  }
0x6d: {  	_ =	shalt  }
0x6e: {  	_ =	shalt  }
0x6f: {  	_ =	shalt  }
0x70: {  	_ =	shalt  }
0x71: {  	_ =	shalt  }
0x72: {  	_ =	shalt  }
0x73: {  	_ =	shalt  }
0x74: {  	_ =	shalt  }
0x75: {  	_ =	shalt  }
0x76: {  	_ =	shalt  }
0x77: {  	_ =	shalt  }
0x78: {  	_ =	shalt  }
0x79: {  	_ =	shalt  }
0x7a: {  	_ =	shalt  }
0x7b: {  	_ =	shalt  }
0x7c: {  	_ =	shalt  }
0x7d: {  	_ =	shalt  }
0x7e: {  	_ =	shalt  }
0x7f: {  	_ =	shalt  }
0x80: {  	_ =	shalt  }
0x81: {  	_ =	shalt  }
0x82: {  	_ =	shalt  }
0x83: {  	_ =	shalt  }
0x84: {  	_ =	shalt  }
0x85: {  	_ =	shalt  }
0x86: {  	_ =	shalt  }
0x87: {  	_ =	shalt  }
.Lfunc_end0:
.L_simem_size_0:
called_computation.1_lowered:
.L_overlay_start_0:
0x88: {  	s2 =	sld [smem:$0x3FD9]  }
0x89: {  	s3 =	sld [smem:$0x3FFE];
	_ =	sdelay $0x1  }
0x8a: {  	s1 =	srdreg.scid  }
0x8b: {  	s0 =	sand.u32 $0x1, s1  }
0x8c: {  	s16 =	sshll.u32 s0, $0xA;
	s2 =	sadd.s32 s3, s2  }
0x8d: {  	s2 =	sadd.s32 s2, s16  }
0x8e: {  	[smem:$0x3FBC] =	sst s2  }
0x8f: {  	_ = 	snop  }
0x90: {  	(tm) =	ssettm $0x1  }
0x91: {  	s17 =	sld [smem:$0x3FFB];
	_ =	sdelay $0x3  }
0x92: {  	_ =	strace s17  }
0x93: {  	s2 =	sld [smem:$0x3FFC];
	_ =	sdelay $0x3  }
0x94: {  	_ =	strace s2  }
0x95: {  	s2 =	sld [smem:$0x3FFD];
	_ =	sdelay $0x3  }
0x96: {  	_ =	strace s2  }
0x97: {  	_ =	strace $0x8FFFFFFF  }
0x98: {  	s18 =	sld [smem:$0x3FDB];
	_ =	sdelay $0x1  }
0x99: {  	s19 =	simm.s32 $_scs_section_size  }
0x9a: {  	s4 =	simm.s32 $_size__tile_overlayer_lowered;
	s5 =	simm.s32 $_tile_overlayer_lowered  }
0x9b: {  	s22 =	simm.s32 $0x1BFF;
	s21 =	sshll.u32 s5, $0x1;
	s2 =	sadd.s32 s19, s18  }
0x9c: {  	s6 =	simm.s32 $0x0;
	s20 =	sshll.u32 s4, $0x1;
	s4 =	sadd.s32 s21, s2  }
0x9d: {  	[timem:s6], [sflag:s22] =	dma.local [hbm:s4], s20  }
0x9e: {  	_ =	swait.ge [sflag:s22], s20  }
0x9f: {  	s3 =	ssub.s32 $0x0, s20;
	[sflag:s22] =	ssyncset.done $0x0  }
0xa0: {  	[sflag:s22] =	ssyncadd.s32 s3;
	_ =	sdelay $0x1  }
0xa1: {  	s23 =	simm.s32 $0x1B8B  }
0xa2: {  	_ =	swait.ge [sflag:s23], $0x1  }
0xa3: {  	[sflag:s23] =	ssyncset.done $0x0  }
0xa4: {  	s25 =	simm.s32 $0x1B8E;
	s24 =	sld [smem:$0x3FFE];
	[sflag:s23] =	ssyncadd.s32 $0xFFFFFFFF  }
0xa5: {  	s26 =	simm.s32 $execute0_lowered;
	[smem:$0x3FD2] =	sst s25  }
0xa6: {  	s4 =	sshll.u32 s26, $0x1;
	_ =	strace $0x80000049;
	[dreg:$0x1] =	wrdreg $0xFFFFFFFF  }
0xa7: {  	s28 =	simm.s32 $_size_execute0_lowered;
	s2 =	sadd.s32 s2, s4;
	[dreg:$0x0] =	wrdreg $0x0  }
0xa8: {  	s4 =	sshll.u32 s28, $0x1;
	[dreg:$0x2] =	wrdreg s2  }
0xa9: {  	[dreg:$0x3] =	wrdreg s4  }
0xaa: {  	[dreg:$0x4] =	wrdreg $0xC0  }
0xab: {  	_ =	task [dreg:s6], $0x5FFFF  }
0xac: {  	[dreg:$0x1] =	wrdreg $0xFFFFFFFF  }
0xad: {  	[dreg:$0x0] =	wrdreg $0x60  }
0xae: {  	[dreg:$0x2] =	wrdreg s24  }
0xaf: {  	[dreg:$0x3] =	wrdreg $0x9  }
0xb0: {  	_ =	task.clear_ibuf [dreg:s6], $0x4FFFF;
	_ =	strace $0x90000049  }
0xb1: {  	s29 =	simm.s32 $0x9;
	_ =	strace $0x8000004B  }
0xb2: {  	_ =	swait.ge [sflag:s29], $0x1  }
0xb3: {  	[sflag:s29] =	ssyncadd.s32 $0xFFFFFFFF  }
0xb4: {  	_ =	strace $0x9000004B  }
0xb5: {  	_ =	sfence  }
0xb6: {  	s30 =	sld [smem:$0x0];
	_ =	sdelay $0x2  }
0xb7: {  	s31 =	sshll.u32 s1, $0xD;
	s1 =	sshrl.u32 s1, $0x2  }
0xb8: {  	s3 =	sand.u32 $0x4000, s31;
	s1 =	sadd.s32 s1, s30  }
0xb9: {  	s0 =	sor.u32 s3, s0;
	s1 =	sshll.u32 s1, $0x11  }
0xba: {  	s0 =	sor.u32 s1, s0  }
0xbb: {  	s0 =	sadd.s32 $0x8F2B, s0  }
0xbc: {  	[sflag:s0] =	ssyncadd.remote.s32 $0x1  }
0xbd: {  	_ =	sfence.sel $0xFFFF  }
0xbe: {  	[dreg:$0x0] =	wrdreg $0xFFFFFFFF;
	(pc) =	sbr.abs _section_cstart, $3  }
0xbf: {  	[dreg:$0x1] =	wrdreg $0xFFFFFFFF  }
0xc0: {  	_ =	task.clear_ibuf [dreg:s6], $0x2FFFF;
	_ =	strace $0x9FFFFFFF  }
0xc1: {  	(tm) =	ssettm $0x7FFFFFFF  }
tec
execute0_lowered:
.L_overlay_start_1:
0x0: {  	(tag) =	ssettag $0x1  }
0x1: {  	s4 =	rddreg [dreg:$0x0]  }
0x2: {  	s0 =	rddreg [dreg:$0x1];
	s2 =	simm.s32 $0x0;
	s1 =	stileid.u32  }
0x3: {  	s3 =	srdreg.scid;
	s10 =	simm.s32 $0x0;
	s6 =	smul.u32 $0x1400, s1  }
0x4: {  	[smem:$0x7FF] =	sst s2;
	s5 =	sand.u32 $0x1, s3;
	s8 =	smul.u32 $0x14000, s1  }
0x5: {  	s3 =	sadd.s32 $0x23E00, s4;
	s7 =	smul.u32 $0xA00, s5;
	s9 =	ssub.s32 $0x2, s5  }
0x6: {  	_ =	strace $0x8000004A;
	s5 =	smul.u32 $0xA000, s5;
	s31 =	sshrl.u32 s9, $0x1  }
0x7: {  	s8 =	sadd.s32 s8, s4;
	s6 =	sadd.s32 s7, s6;
	s7 =	ssub.s32 s9, s31  }
0x8: {  	s5 =	sadd.s32 s5, s8;
	s8 =	simm.s32 $0x80;
	s6 =	sshrl.u32 s6, $0x3  }
0x9: {  	s9 =	simm.s32 $0x1;
	s5 =	sadd.s32 $0x36600, s5;
	s6 =	sadd.s32 s6, s4  }
0xa: {  	s4 =	smax.u32 s7, $0x1;
	s7 =	simm.s32 $0x2;
	s6 =	sadd.s32 $0x33E00, s6  }
.LBB2_1:
0xb: {  	s11 =	sadd.s32 $0x0, s6  }
0xc: {  	[tilespmem:s2], [sflag:$0x2] =	stream.linear.gather [hbm4b:s11+s2], $0x80, $0x38;
	[tilespmem:$0x4080] =	vst v63  }
0xd: {  	_ =	swait.ge [sflag:s7], $0x80  }
0xe: {  	[sflag:s7] =	ssyncset.done $0x0  }
0xf: {  	[sflag:s7] =	ssyncadd.s32 $0xFFFFFF80  }
0x10: {  	[tilespmem:s8], [sflag:$0x1] =	stream.indirect.gather [hbm4b:s3+s8], $0x80, s2, s8, $0xb8;
	[tilespmem:$0x4080] =	vst v63  }
0x11: {  	_ =	swait.ge [sflag:s9], $0x4000  }
0x12: {  	[sflag:s9] =	ssyncset.done $0x0  }
0x13: {  	[sflag:s9] =	ssyncadd.s32 $0xFFFFC000  }
0x14: {  	[hbm4b:s5+s2] =	stream.linear.scatter [tilespmem:s8], [sflag:$0x2], $0x4000, $0x38;
	[tilespmem:$0x4080] =	vst v63  }
0x15: {  	s12 =	simm.s32 $0x10;
	_ =	swait.ge [sflag:s7], $0x4000  }
0x16: {  	s13 =	simm.s32 $0x20;
	s11 =	sadd.s32 $0x800, s5;
	[sflag:s7] =	ssyncset.done $0x0  }
.LBB2_2:
0x17: {  	s14 =	sadd.s32 s12, s6  }
0x18: {  	[sflag:s7] =	ssyncadd.s32 $0xFFFFC000;
	s12 =	smov.u32 s13;
	s15 =	sadd.s32 $0x10, s13  }
0x19: {  	[tilespmem:s2], [sflag:$0x2] =	stream.linear.gather [hbm4b:s14+s2], $0x80, $0x38;
	[tilespmem:$0x4080] =	vst v63  }
0x1a: {  	p0 =	sne.s32 s13, $0x130;
	_ =	swait.ge [sflag:s7], $0x80  }
0x1b: {  	[sflag:s7] =	ssyncset.done $0x0  }
0x1c: {  	[sflag:s7] =	ssyncadd.s32 $0xFFFFFF80  }
0x1d: {  	[tilespmem:s8], [sflag:$0x1] =	stream.indirect.gather [hbm4b:s3+s8], $0x80, s2, s8, $0xb8;
	[tilespmem:$0x4080] =	vst v63  }
0x1e: {  	_ =	swait.ge [sflag:s9], $0x4000  }
.Ltmp0:
0x1f: {  	[sflag:s9] =	ssyncset.done $0x0;
	(pc) =	sbr.rel @p0 .LBB2_2-.Ltmp0, $4  }
0x20: {  	[sflag:s9] =	ssyncadd.s32 $0xFFFFC000  }
0x21: {  	[hbm4b:s11+s2] =	stream.linear.scatter [tilespmem:s8], [sflag:$0x2], $0x4000, $0x38;
	[tilespmem:$0x4080] =	vst v63  }
0x22: {  	_ =	swait.ge [sflag:s7], $0x4000  }
0x23: {  	s13 =	smov.u32 s15;
	s11 =	sadd.s32 $0x800, s11;
	[sflag:s7] =	ssyncset.done $0x0  }
0x24: {  	s12 =	sadd.s32 s12, s6;
	[sflag:s7] =	ssyncadd.s32 $0xFFFFC000  }
0x25: {  	[tilespmem:s2], [sflag:$0x2] =	stream.linear.gather [hbm4b:s12+s2], $0x80, $0x38;
	[tilespmem:$0x4080] =	vst v63  }
0x26: {  	_ =	swait.ge [sflag:s7], $0x80  }
0x27: {  	[sflag:s7] =	ssyncset.done $0x0  }
0x28: {  	[sflag:s7] =	ssyncadd.s32 $0xFFFFFF80  }
0x29: {  	[tilespmem:s8], [sflag:$0x1] =	stream.indirect.gather [hbm4b:s3+s8], $0x80, s2, s8, $0xb8;
	[tilespmem:$0x4080] =	vst v63  }
0x2a: {  	s10 =	sadd.s32 $0x1, s10;
	_ =	swait.ge [sflag:s9], $0x4000  }
0x2b: {  	p0 =	sne.s32 s10, s4;
	[sflag:s9] =	ssyncset.done $0x0  }
.Ltmp1:
0x2c: {  	[sflag:s9] =	ssyncadd.s32 $0xFFFFC000;
	(pc) =	sbr.rel @p0 .LBB2_1-.Ltmp1, $4  }
0x2d: {  	[hbm4b:s11+s2] =	stream.linear.scatter [tilespmem:s8], [sflag:$0x2], $0x4000, $0x38;
	[tilespmem:$0x4080] =	vst v63  }
0x2e: {  	_ =	swait.ge [sflag:s7], $0x4000  }
0x2f: {  	[sflag:s7] =	ssyncset.done $0x0  }
0x30: {  	[sflag:s7] =	ssyncadd.s32 $0xFFFFC000  }
0x31: {  	_ =	sfence.sel $0x180000  }
0x32: {  	[bflag:$0x0] =	sbarrier.arrive $0xFFFF  }
0x33: {  	p0 =	sne.s32 s1, $0x0;
	_ =	strace $0x9000004A  }
0x34: {  	s0 =	sadd.s32 @!p0 $0x100000, s0;
	[bflag:$0x2] =	sbarrier.arrive $0xFFFF  }
0x35: {  	[sflag:s0] =	ssyncadd.tile.s32 @!p0 $0x1;
	_ =	shalt  }
.Lfunc_end2:
_tile_overlayer_lowered:
.L_overlay_start_2:
0x36: {  	(tag) =	ssettag $0x2  }
0x37: {  	s0 =	rddreg [dreg:$0x0];
	s2 =	stileid.u32  }
0x38: {  	s1 =	rddreg [dreg:$0x1];
	p0 =	sne.s32 s2, $0x0  }
0x39: {  	s3 =	rddreg [dreg:$0x2];
	[bflag:$0x3] =	sbarrier.arrive $0xFFFF;
	s2 =	simm.s32 @!p0 $0x1C02  }
0x3a: {  	[timem:s3], [sflag:s2] =	dma.local @!p0 [hbm:s0], s1  }
0x3b: {  	s0 =	simm.s32 @!p0 $0x2  }
0x3c: {  	_ =	swait.ge @!p0 [sflag:s0], s1  }
0x3d: {  	s1 =	ssub.s32 @!p0 $0x0, s1;
	[sflag:s0] =	ssyncset.done @!p0 $0x0  }
0x3e: {  	[sflag:s0] =	ssyncadd.s32 @!p0 s1  }
0x3f: {  	[bflag:$0x3] =	sbarrier.arrive $0xFFFF  }
0x40: {  	_ =	shalt  }

// kernel: kernel.25.cloned.1.call-start
scs
__scs_entry_jumppad:
0x0: {  	(pc) =	sbr.rel $0x88, $3  }
0x1: {  	(tag) =	ssettag $0x0;
	lr =	simm.s32 $0x1  }
0x2: {  	[smem:$0x3F95] =	sst lr;
	_ =	strace $0xD0000000  }
0x3: {  	_ = 	snop  }
0x4: {  	_ = 	snop  }
0x5: {  	_ = 	snop  }
0x6: {  	_ = 	snop  }
0x7: {  	_ = 	snop  }
__scs_overlays_trampoline_lowered:
0x8: {  	[smem:$0x3FA4] =	sst s0  }
0x9: {  	[smem:$0x3FA5] =	sst s1  }
0xa: {  	[smem:$0x3FA6] =	sst s2  }
0xb: {  	[smem:$0x3FA7] =	sst s3  }
0xc: {  	[smem:$0x3FA8] =	sst s4  }
0xd: {  	[smem:$0x3FA9] =	sst s5  }
0xe: {  	[smem:$0x3FAA] =	sst s6  }
0xf: {  	[smem:$0x3FAB] =	sst s7  }
0x10: {  	[smem:$0x3FAC] =	sst s8  }
0x11: {  	[smem:$0x3FAD] =	sst s9;
	s0 =	simm.s32 @!p0 $0x0  }
0x12: {  	s1 =	sld [smem:$0x3F93];
	s0 =	simm.s32 @p0 $0x1  }
0x13: {  	[smem:$0x3FAE] =	sst s0;
	s0 =	simm.s32 @!p1 $0x0  }
0x14: {  	s2 =	sld [smem:$0x3F92];
	s0 =	simm.s32 @p1 $0x1  }
0x15: {  	[smem:$0x3FAF] =	sst s0;
	s0 =	simm.s32 @!p2 $0x0  }
0x16: {  	s3 =	sld [smem:$0x3FDB];
	s0 =	simm.s32 @p2 $0x1  }
0x17: {  	s4 =	simm.s32 $0x1BF5;
	[smem:$0x3FB1] =	sst s0  }
0x18: {  	s0 =	sld [smem:$0x3F94];
	_ =	swait.ge [sflag:s4], $0x0  }
0x19: {  	s7 =	sld [smem:$0x3F95]  }
0x1a: {  	s8 =	sadd.s32 $0xFFFFE003, lr  }
0x1b: {  	s9 =	sadd.s32 $0xFFFFFEF7, lr;
	s5 =	simm.s32 $0xFFFFFFFF;
	p2 =	slt.u32 s8, $0xFFFFF086  }
0x1c: {  	p1 =	slt.u32 s9, $0xF7A;
	s5 =	simm.s32 @!p2 $0x0  }
0x1d: {  	s5 =	simm.s32 @p1 $0x1;
	p0 =	seq.s32 s7, s2  }
0x1e: {  	s7 =	smul.u32 @!p0 $0xF7A, s2;
	p2 =	seq.s32 @!p0 s5, $0x0  }
0x1f: {  	s9 =	smul.u32 $0xF7A, s1;
	s8 =	simm.s32 @!p0 $0x1BF5;
	p2 =	por !p2, p0  }
0x20: {  	[sflag:s8] =	ssyncset.s32 @!p0 $0xFFFFF086;
	s6 =	sadd.s32 @!p0 s3, s7;
	s7 =	simm.s32 @!p0 $0x108  }
0x21: {  	s3 =	sadd.s32 s3, s9;
	s6 =	sadd.s32 @!p0 $0x88, s6;
	s7 =	simm.s32 @p2 $0x1082  }
0x22: {  	[simem:s7], [sflag:s8] =	dma.local @!p0 [hbm:s6], $0xF7A  }
0x23: {  	s9 =	sor.u32 $0xD0000000, s2;
	s6 =	simm.s32 $0x108;
	_ =	swait.ge @!p0 [sflag:s8], $0x0  }
0x24: {  	s3 =	sadd.s32 $0x88, s3;
	s6 =	simm.s32 @!p1 $0x1082;
	[sflag:s4] =	ssyncset.s32 $0xFFFFF086  }
0x25: {  	[simem:s6], [sflag:s4] =	dma.local [hbm:s3], $0xF7A  }
0x26: {  	[smem:$0x3F95] =	sst s1;
	(tag) =	ssettag s2;
	_ =	strace s9  }
0x27: {  	s1 =	sld [smem:$0x3FA5]  }
0x28: {  	s2 =	sld [smem:$0x3FA6]  }
0x29: {  	s4 =	sld [smem:$0x3FA8]  }
0x2a: {  	p0 =	seq.s32 s5, $0x0;
	s5 =	sld [smem:$0x3FA9]  }
0x2b: {  	s6 =	sld [smem:$0x3FAA]  }
0x2c: {  	s7 =	sld [smem:$0x3FAB]  }
0x2d: {  	s3 =	simm.s32 $0x108;
	s8 =	sld [smem:$0x3FAC]  }
0x2e: {  	s3 =	simm.s32 @!p0 $0x1082;
	s9 =	sld [smem:$0x3FAD]  }
0x2f: {  	lr =	sadd.s32 s0, s3;
	s0 =	sld [smem:$0x3FA4]  }
0x30: {  	s3 =	sld [smem:$0x3FA7]  }
0x31: {  	[smem:$0x3FB0] =	sst s10  }
0x32: {  	s10 =	sld [smem:$0x3FAE];
	_ =	sdelay $0x3  }
0x33: {  	p0 =	seq.s32 s10, $0x1;
	s10 =	sld [smem:$0x3FB0];
	_ =	sdelay $0x3  }
0x34: {  	[smem:$0x3FB0] =	sst s10  }
0x35: {  	s10 =	sld [smem:$0x3FAF];
	_ =	sdelay $0x3  }
0x36: {  	p1 =	seq.s32 s10, $0x1;
	s10 =	sld [smem:$0x3FB0];
	_ =	sdelay $0x3  }
0x37: {  	[smem:$0x3FB0] =	sst s10  }
0x38: {  	s10 =	sld [smem:$0x3FB1]  }
0x39: {  	_ = 	snop;
	(pc) =	sbr.ind lr, $3  }
0x3a: {  	_ = 	snop  }
0x3b: {  	_ = 	snop  }
0x3c: {  	p2 =	seq.s32 s10, $0x1;
	s10 =	sld [smem:$0x3FB0]  }
0x3d: {  	_ =	shalt  }
0x3e: {  	_ =	shalt  }
0x3f: {  	_ =	shalt  }
0x40: {  	_ =	shalt  }
0x41: {  	_ =	shalt  }
0x42: {  	_ =	shalt  }
0x43: {  	_ =	shalt  }
0x44: {  	_ =	shalt  }
0x45: {  	_ =	shalt  }
0x46: {  	_ =	shalt  }
0x47: {  	_ =	shalt  }
0x48: {  	_ =	shalt  }
0x49: {  	_ =	shalt  }
0x4a: {  	_ =	shalt  }
0x4b: {  	_ =	shalt  }
0x4c: {  	_ =	shalt  }
0x4d: {  	_ =	shalt  }
0x4e: {  	_ =	shalt  }
0x4f: {  	_ =	shalt  }
0x50: {  	_ =	shalt  }
0x51: {  	_ =	shalt  }
0x52: {  	_ =	shalt  }
0x53: {  	_ =	shalt  }
0x54: {  	_ =	shalt  }
0x55: {  	_ =	shalt  }
0x56: {  	_ =	shalt  }
0x57: {  	_ =	shalt  }
0x58: {  	_ =	shalt  }
0x59: {  	_ =	shalt  }
0x5a: {  	_ =	shalt  }
0x5b: {  	_ =	shalt  }
0x5c: {  	_ =	shalt  }
0x5d: {  	_ =	shalt  }
0x5e: {  	_ =	shalt  }
0x5f: {  	_ =	shalt  }
0x60: {  	_ =	shalt  }
0x61: {  	_ =	shalt  }
0x62: {  	_ =	shalt  }
0x63: {  	_ =	shalt  }
0x64: {  	_ =	shalt  }
0x65: {  	_ =	shalt  }
0x66: {  	_ =	shalt  }
0x67: {  	_ =	shalt  }
0x68: {  	_ =	shalt  }
0x69: {  	_ =	shalt  }
0x6a: {  	_ =	shalt  }
0x6b: {  	_ =	shalt  }
0x6c: {  	_ =	shalt  }
0x6d: {  	_ =	shalt  }
0x6e: {  	_ =	shalt  }
0x6f: {  	_ =	shalt  }
0x70: {  	_ =	shalt  }
0x71: {  	_ =	shalt  }
0x72: {  	_ =	shalt  }
0x73: {  	_ =	shalt  }
0x74: {  	_ =	shalt  }
0x75: {  	_ =	shalt  }
0x76: {  	_ =	shalt  }
0x77: {  	_ =	shalt  }
0x78: {  	_ =	shalt  }
0x79: {  	_ =	shalt  }
0x7a: {  	_ =	shalt  }
0x7b: {  	_ =	shalt  }
0x7c: {  	_ =	shalt  }
0x7d: {  	_ =	shalt  }
0x7e: {  	_ =	shalt  }
0x7f: {  	_ =	shalt  }
0x80: {  	_ =	shalt  }
0x81: {  	_ =	shalt  }
0x82: {  	_ =	shalt  }
0x83: {  	_ =	shalt  }
0x84: {  	_ =	shalt  }
0x85: {  	_ =	shalt  }
0x86: {  	_ =	shalt  }
0x87: {  	_ =	shalt  }
.Lfunc_end0:
.L_simem_size_0:
called_computation.2_lowered:
.L_overlay_start_0:
0x88: {  	s2 =	sld [smem:$0x3FD9]  }
0x89: {  	s3 =	sld [smem:$0x3FFE];
	_ =	sdelay $0x1  }
0x8a: {  	s1 =	srdreg.scid  }
0x8b: {  	s0 =	sand.u32 $0x1, s1  }
0x8c: {  	s16 =	sshll.u32 s0, $0xA;
	s2 =	sadd.s32 s3, s2  }
0x8d: {  	s2 =	sadd.s32 s2, s16  }
0x8e: {  	[smem:$0x3FBC] =	sst s2  }
0x8f: {  	_ = 	snop  }
0x90: {  	(tm) =	ssettm $0x1  }
0x91: {  	s17 =	sld [smem:$0x3FFB];
	_ =	sdelay $0x3  }
0x92: {  	_ =	strace s17  }
0x93: {  	s2 =	sld [smem:$0x3FFC];
	_ =	sdelay $0x3  }
0x94: {  	_ =	strace s2  }
0x95: {  	s2 =	sld [smem:$0x3FFD];
	_ =	sdelay $0x3  }
0x96: {  	_ =	strace s2  }
0x97: {  	_ =	strace $0x8FFFFFFF  }
0x98: {  	s18 =	sld [smem:$0x3FDB];
	_ =	sdelay $0x1  }
0x99: {  	s19 =	simm.s32 $_scs_section_size  }
0x9a: {  	s4 =	simm.s32 $_size__tile_overlayer_lowered;
	s5 =	simm.s32 $_tile_overlayer_lowered  }
0x9b: {  	s22 =	simm.s32 $0x1BFF;
	s21 =	sshll.u32 s5, $0x1;
	s2 =	sadd.s32 s19, s18  }
0x9c: {  	s6 =	simm.s32 $0x0;
	s20 =	sshll.u32 s4, $0x1;
	s4 =	sadd.s32 s21, s2  }
0x9d: {  	[timem:s6], [sflag:s22] =	dma.local [hbm:s4], s20  }
0x9e: {  	_ =	swait.ge [sflag:s22], s20  }
0x9f: {  	s3 =	ssub.s32 $0x0, s20;
	[sflag:s22] =	ssyncset.done $0x0  }
0xa0: {  	[sflag:s22] =	ssyncadd.s32 s3;
	_ =	sdelay $0x1  }
0xa1: {  	s23 =	simm.s32 $0x1B8B  }
0xa2: {  	_ =	swait.ge [sflag:s23], $0x1  }
0xa3: {  	[sflag:s23] =	ssyncset.done $0x0  }
0xa4: {  	s25 =	simm.s32 $0x1B8E;
	s24 =	sld [smem:$0x3FFE];
	[sflag:s23] =	ssyncadd.s32 $0xFFFFFFFF  }
0xa5: {  	s26 =	simm.s32 $execute0_lowered;
	[smem:$0x3FD2] =	sst s25  }
0xa6: {  	s4 =	sshll.u32 s26, $0x1;
	_ =	strace $0x8000004C;
	[dreg:$0x1] =	wrdreg $0xFFFFFFFF  }
0xa7: {  	s28 =	simm.s32 $_size_execute0_lowered;
	s2 =	sadd.s32 s2, s4;
	[dreg:$0x0] =	wrdreg $0x0  }
0xa8: {  	s4 =	sshll.u32 s28, $0x1;
	[dreg:$0x2] =	wrdreg s2  }
0xa9: {  	[dreg:$0x3] =	wrdreg s4  }
0xaa: {  	[dreg:$0x4] =	wrdreg $0xC0  }
0xab: {  	_ =	task [dreg:s6], $0x5FFFF  }
0xac: {  	[dreg:$0x1] =	wrdreg $0xFFFFFFFF  }
0xad: {  	[dreg:$0x0] =	wrdreg $0x60  }
0xae: {  	[dreg:$0x2] =	wrdreg s24  }
0xaf: {  	[dreg:$0x3] =	wrdreg $0x9  }
0xb0: {  	_ =	task.clear_ibuf [dreg:s6], $0x4FFFF;
	_ =	strace $0x9000004C  }
0xb1: {  	s29 =	simm.s32 $0x9;
	_ =	strace $0x8000004E  }
0xb2: {  	_ =	swait.ge [sflag:s29], $0x1  }
0xb3: {  	[sflag:s29] =	ssyncadd.s32 $0xFFFFFFFF  }
0xb4: {  	_ =	strace $0x9000004E  }
0xb5: {  	_ =	sfence  }
0xb6: {  	s30 =	sld [smem:$0x0];
	_ =	sdelay $0x2  }
0xb7: {  	s31 =	sshll.u32 s1, $0xD;
	s1 =	sshrl.u32 s1, $0x2  }
0xb8: {  	s3 =	sand.u32 $0x4000, s31;
	s1 =	sadd.s32 s1, s30  }
0xb9: {  	s0 =	sor.u32 s3, s0;
	s1 =	sshll.u32 s1, $0x11  }
0xba: {  	s0 =	sor.u32 s1, s0  }
0xbb: {  	s0 =	sadd.s32 $0x8F2B, s0  }
0xbc: {  	[sflag:s0] =	ssyncadd.remote.s32 $0x1  }
0xbd: {  	_ =	sfence.sel $0xFFFF  }
0xbe: {  	[dreg:$0x0] =	wrdreg $0xFFFFFFFF;
	(pc) =	sbr.abs _section_cstart, $3  }
0xbf: {  	[dreg:$0x1] =	wrdreg $0xFFFFFFFF  }
0xc0: {  	_ =	task.clear_ibuf [dreg:s6], $0x2FFFF;
	_ =	strace $0x9FFFFFFF  }
0xc1: {  	(tm) =	ssettm $0x7FFFFFFF  }
tec
execute0_lowered:
.L_overlay_start_1:
0x0: {  	(tag) =	ssettag $0x1  }
0x1: {  	s4 =	rddreg [dreg:$0x0]  }
0x2: {  	s0 =	rddreg [dreg:$0x1];
	s2 =	simm.s32 $0x0;
	s1 =	stileid.u32  }
0x3: {  	s3 =	srdreg.scid;
	s10 =	simm.s32 $0x0;
	s6 =	smul.u32 $0x1400, s1  }
0x4: {  	[smem:$0x7FF] =	sst s2;
	s5 =	sand.u32 $0x1, s3;
	s8 =	smul.u32 $0x14000, s1  }
0x5: {  	s3 =	sadd.s32 $0x33E00, s4;
	s7 =	smul.u32 $0xA00, s5;
	s9 =	ssub.s32 $0x2, s5  }
0x6: {  	_ =	strace $0x8000004D;
	s5 =	smul.u32 $0xA000, s5;
	s31 =	sshrl.u32 s9, $0x1  }
0x7: {  	s8 =	sadd.s32 s8, s4;
	s6 =	sadd.s32 s7, s6;
	s7 =	ssub.s32 s9, s31  }
0x8: {  	s5 =	sadd.s32 s5, s8;
	s8 =	simm.s32 $0x80;
	s6 =	sshrl.u32 s6, $0x3  }
0x9: {  	s9 =	simm.s32 $0x1;
	s5 =	sadd.s32 $0x46600, s5;
	s6 =	sadd.s32 s6, s4  }
0xa: {  	s4 =	smax.u32 s7, $0x1;
	s7 =	simm.s32 $0x2;
	s6 =	sadd.s32 $0x43E00, s6  }
.LBB2_1:
0xb: {  	s11 =	sadd.s32 $0x0, s6  }
0xc: {  	[tilespmem:s2], [sflag:$0x2] =	stream.linear.gather [hbm4b:s11+s2], $0x80, $0x38;
	[tilespmem:$0x4080] =	vst v63  }
0xd: {  	_ =	swait.ge [sflag:s7], $0x80  }
0xe: {  	[sflag:s7] =	ssyncset.done $0x0  }
0xf: {  	[sflag:s7] =	ssyncadd.s32 $0xFFFFFF80  }
0x10: {  	[tilespmem:s8], [sflag:$0x1] =	stream.indirect.gather [hbm4b:s3+s8], $0x80, s2, s8, $0xb8;
	[tilespmem:$0x4080] =	vst v63  }
0x11: {  	_ =	swait.ge [sflag:s9], $0x4000  }
0x12: {  	[sflag:s9] =	ssyncset.done $0x0  }
0x13: {  	[sflag:s9] =	ssyncadd.s32 $0xFFFFC000  }
0x14: {  	[hbm4b:s5+s2] =	stream.linear.scatter [tilespmem:s8], [sflag:$0x2], $0x4000, $0x38;
	[tilespmem:$0x4080] =	vst v63  }
0x15: {  	s12 =	simm.s32 $0x10;
	_ =	swait.ge [sflag:s7], $0x4000  }
0x16: {  	s13 =	simm.s32 $0x20;
	s11 =	sadd.s32 $0x800, s5;
	[sflag:s7] =	ssyncset.done $0x0  }
.LBB2_2:
0x17: {  	s14 =	sadd.s32 s12, s6  }
0x18: {  	[sflag:s7] =	ssyncadd.s32 $0xFFFFC000;
	s12 =	smov.u32 s13;
	s15 =	sadd.s32 $0x10, s13  }
0x19: {  	[tilespmem:s2], [sflag:$0x2] =	stream.linear.gather [hbm4b:s14+s2], $0x80, $0x38;
	[tilespmem:$0x4080] =	vst v63  }
0x1a: {  	p0 =	sne.s32 s13, $0x130;
	_ =	swait.ge [sflag:s7], $0x80  }
0x1b: {  	[sflag:s7] =	ssyncset.done $0x0  }
0x1c: {  	[sflag:s7] =	ssyncadd.s32 $0xFFFFFF80  }
0x1d: {  	[tilespmem:s8], [sflag:$0x1] =	stream.indirect.gather [hbm4b:s3+s8], $0x80, s2, s8, $0xb8;
	[tilespmem:$0x4080] =	vst v63  }
0x1e: {  	_ =	swait.ge [sflag:s9], $0x4000  }
.Ltmp0:
0x1f: {  	[sflag:s9] =	ssyncset.done $0x0;
	(pc) =	sbr.rel @p0 .LBB2_2-.Ltmp0, $4  }
0x20: {  	[sflag:s9] =	ssyncadd.s32 $0xFFFFC000  }
0x21: {  	[hbm4b:s11+s2] =	stream.linear.scatter [tilespmem:s8], [sflag:$0x2], $0x4000, $0x38;
	[tilespmem:$0x4080] =	vst v63  }
0x22: {  	_ =	swait.ge [sflag:s7], $0x4000  }
0x23: {  	s13 =	smov.u32 s15;
	s11 =	sadd.s32 $0x800, s11;
	[sflag:s7] =	ssyncset.done $0x0  }
0x24: {  	s12 =	sadd.s32 s12, s6;
	[sflag:s7] =	ssyncadd.s32 $0xFFFFC000  }
0x25: {  	[tilespmem:s2], [sflag:$0x2] =	stream.linear.gather [hbm4b:s12+s2], $0x80, $0x38;
	[tilespmem:$0x4080] =	vst v63  }
0x26: {  	_ =	swait.ge [sflag:s7], $0x80  }
0x27: {  	[sflag:s7] =	ssyncset.done $0x0  }
0x28: {  	[sflag:s7] =	ssyncadd.s32 $0xFFFFFF80  }
0x29: {  	[tilespmem:s8], [sflag:$0x1] =	stream.indirect.gather [hbm4b:s3+s8], $0x80, s2, s8, $0xb8;
	[tilespmem:$0x4080] =	vst v63  }
0x2a: {  	s10 =	sadd.s32 $0x1, s10;
	_ =	swait.ge [sflag:s9], $0x4000  }
0x2b: {  	p0 =	sne.s32 s10, s4;
	[sflag:s9] =	ssyncset.done $0x0  }
.Ltmp1:
0x2c: {  	[sflag:s9] =	ssyncadd.s32 $0xFFFFC000;
	(pc) =	sbr.rel @p0 .LBB2_1-.Ltmp1, $4  }
0x2d: {  	[hbm4b:s11+s2] =	stream.linear.scatter [tilespmem:s8], [sflag:$0x2], $0x4000, $0x38;
	[tilespmem:$0x4080] =	vst v63  }
0x2e: {  	_ =	swait.ge [sflag:s7], $0x4000  }
0x2f: {  	[sflag:s7] =	ssyncset.done $0x0  }
0x30: {  	[sflag:s7] =	ssyncadd.s32 $0xFFFFC000  }
0x31: {  	_ =	sfence.sel $0x180000  }
0x32: {  	[bflag:$0x0] =	sbarrier.arrive $0xFFFF  }
0x33: {  	p0 =	sne.s32 s1, $0x0;
	_ =	strace $0x9000004D  }
0x34: {  	s0 =	sadd.s32 @!p0 $0x100000, s0;
	[bflag:$0x2] =	sbarrier.arrive $0xFFFF  }
0x35: {  	[sflag:s0] =	ssyncadd.tile.s32 @!p0 $0x1;
	_ =	shalt  }
.Lfunc_end2:
_tile_overlayer_lowered:
.L_overlay_start_2:
0x36: {  	(tag) =	ssettag $0x2  }
0x37: {  	s0 =	rddreg [dreg:$0x0];
	s2 =	stileid.u32  }
0x38: {  	s1 =	rddreg [dreg:$0x1];
	p0 =	sne.s32 s2, $0x0  }
0x39: {  	s3 =	rddreg [dreg:$0x2];
	[bflag:$0x3] =	sbarrier.arrive $0xFFFF;
	s2 =	simm.s32 @!p0 $0x1C02  }
0x3a: {  	[timem:s3], [sflag:s2] =	dma.local @!p0 [hbm:s0], s1  }
0x3b: {  	s0 =	simm.s32 @!p0 $0x2  }
0x3c: {  	_ =	swait.ge @!p0 [sflag:s0], s1  }
0x3d: {  	s1 =	ssub.s32 @!p0 $0x0, s1;
	[sflag:s0] =	ssyncset.done @!p0 $0x0  }
0x3e: {  	[sflag:s0] =	ssyncadd.s32 @!p0 s1  }
0x3f: {  	[bflag:$0x3] =	sbarrier.arrive $0xFFFF  }
0x40: {  	_ =	shalt  }

// kernel: kernel.28.cloned.1.call-start
scs
__scs_entry_jumppad:
0x0: {  	(pc) =	sbr.rel $0x88, $3  }
0x1: {  	(tag) =	ssettag $0x0;
	lr =	simm.s32 $0x1  }
0x2: {  	[smem:$0x3F95] =	sst lr;
	_ =	strace $0xD0000000  }
0x3: {  	_ = 	snop  }
0x4: {  	_ = 	snop  }
0x5: {  	_ = 	snop  }
0x6: {  	_ = 	snop  }
0x7: {  	_ = 	snop  }
__scs_overlays_trampoline_lowered:
0x8: {  	[smem:$0x3FA4] =	sst s0  }
0x9: {  	[smem:$0x3FA5] =	sst s1  }
0xa: {  	[smem:$0x3FA6] =	sst s2  }
0xb: {  	[smem:$0x3FA7] =	sst s3  }
0xc: {  	[smem:$0x3FA8] =	sst s4  }
0xd: {  	[smem:$0x3FA9] =	sst s5  }
0xe: {  	[smem:$0x3FAA] =	sst s6  }
0xf: {  	[smem:$0x3FAB] =	sst s7  }
0x10: {  	[smem:$0x3FAC] =	sst s8  }
0x11: {  	[smem:$0x3FAD] =	sst s9;
	s0 =	simm.s32 @!p0 $0x0  }
0x12: {  	s1 =	sld [smem:$0x3F93];
	s0 =	simm.s32 @p0 $0x1  }
0x13: {  	[smem:$0x3FAE] =	sst s0;
	s0 =	simm.s32 @!p1 $0x0  }
0x14: {  	s2 =	sld [smem:$0x3F92];
	s0 =	simm.s32 @p1 $0x1  }
0x15: {  	[smem:$0x3FAF] =	sst s0;
	s0 =	simm.s32 @!p2 $0x0  }
0x16: {  	s3 =	sld [smem:$0x3FDB];
	s0 =	simm.s32 @p2 $0x1  }
0x17: {  	s4 =	simm.s32 $0x1BF5;
	[smem:$0x3FB1] =	sst s0  }
0x18: {  	s0 =	sld [smem:$0x3F94];
	_ =	swait.ge [sflag:s4], $0x0  }
0x19: {  	s7 =	sld [smem:$0x3F95]  }
0x1a: {  	s8 =	sadd.s32 $0xFFFFE003, lr  }
0x1b: {  	s9 =	sadd.s32 $0xFFFFFEF7, lr;
	s5 =	simm.s32 $0xFFFFFFFF;
	p2 =	slt.u32 s8, $0xFFFFF086  }
0x1c: {  	p1 =	slt.u32 s9, $0xF7A;
	s5 =	simm.s32 @!p2 $0x0  }
0x1d: {  	s5 =	simm.s32 @p1 $0x1;
	p0 =	seq.s32 s7, s2  }
0x1e: {  	s7 =	smul.u32 @!p0 $0xF7A, s2;
	p2 =	seq.s32 @!p0 s5, $0x0  }
0x1f: {  	s9 =	smul.u32 $0xF7A, s1;
	s8 =	simm.s32 @!p0 $0x1BF5;
	p2 =	por !p2, p0  }
0x20: {  	[sflag:s8] =	ssyncset.s32 @!p0 $0xFFFFF086;
	s6 =	sadd.s32 @!p0 s3, s7;
	s7 =	simm.s32 @!p0 $0x108  }
0x21: {  	s3 =	sadd.s32 s3, s9;
	s6 =	sadd.s32 @!p0 $0x88, s6;
	s7 =	simm.s32 @p2 $0x1082  }
0x22: {  	[simem:s7], [sflag:s8] =	dma.local @!p0 [hbm:s6], $0xF7A  }
0x23: {  	s9 =	sor.u32 $0xD0000000, s2;
	s6 =	simm.s32 $0x108;
	_ =	swait.ge @!p0 [sflag:s8], $0x0  }
0x24: {  	s3 =	sadd.s32 $0x88, s3;
	s6 =	simm.s32 @!p1 $0x1082;
	[sflag:s4] =	ssyncset.s32 $0xFFFFF086  }
0x25: {  	[simem:s6], [sflag:s4] =	dma.local [hbm:s3], $0xF7A  }
0x26: {  	[smem:$0x3F95] =	sst s1;
	(tag) =	ssettag s2;
	_ =	strace s9  }
0x27: {  	s1 =	sld [smem:$0x3FA5]  }
0x28: {  	s2 =	sld [smem:$0x3FA6]  }
0x29: {  	s4 =	sld [smem:$0x3FA8]  }
0x2a: {  	p0 =	seq.s32 s5, $0x0;
	s5 =	sld [smem:$0x3FA9]  }
0x2b: {  	s6 =	sld [smem:$0x3FAA]  }
0x2c: {  	s7 =	sld [smem:$0x3FAB]  }
0x2d: {  	s3 =	simm.s32 $0x108;
	s8 =	sld [smem:$0x3FAC]  }
0x2e: {  	s3 =	simm.s32 @!p0 $0x1082;
	s9 =	sld [smem:$0x3FAD]  }
0x2f: {  	lr =	sadd.s32 s0, s3;
	s0 =	sld [smem:$0x3FA4]  }
0x30: {  	s3 =	sld [smem:$0x3FA7]  }
0x31: {  	[smem:$0x3FB0] =	sst s10  }
0x32: {  	s10 =	sld [smem:$0x3FAE];
	_ =	sdelay $0x3  }
0x33: {  	p0 =	seq.s32 s10, $0x1;
	s10 =	sld [smem:$0x3FB0];
	_ =	sdelay $0x3  }
0x34: {  	[smem:$0x3FB0] =	sst s10  }
0x35: {  	s10 =	sld [smem:$0x3FAF];
	_ =	sdelay $0x3  }
0x36: {  	p1 =	seq.s32 s10, $0x1;
	s10 =	sld [smem:$0x3FB0];
	_ =	sdelay $0x3  }
0x37: {  	[smem:$0x3FB0] =	sst s10  }
0x38: {  	s10 =	sld [smem:$0x3FB1]  }
0x39: {  	_ = 	snop;
	(pc) =	sbr.ind lr, $3  }
0x3a: {  	_ = 	snop  }
0x3b: {  	_ = 	snop  }
0x3c: {  	p2 =	seq.s32 s10, $0x1;
	s10 =	sld [smem:$0x3FB0]  }
0x3d: {  	_ =	shalt  }
0x3e: {  	_ =	shalt  }
0x3f: {  	_ =	shalt  }
0x40: {  	_ =	shalt  }
0x41: {  	_ =	shalt  }
0x42: {  	_ =	shalt  }
0x43: {  	_ =	shalt  }
0x44: {  	_ =	shalt  }
0x45: {  	_ =	shalt  }
0x46: {  	_ =	shalt  }
0x47: {  	_ =	shalt  }
0x48: {  	_ =	shalt  }
0x49: {  	_ =	shalt  }
0x4a: {  	_ =	shalt  }
0x4b: {  	_ =	shalt  }
0x4c: {  	_ =	shalt  }
0x4d: {  	_ =	shalt  }
0x4e: {  	_ =	shalt  }
0x4f: {  	_ =	shalt  }
0x50: {  	_ =	shalt  }
0x51: {  	_ =	shalt  }
0x52: {  	_ =	shalt  }
0x53: {  	_ =	shalt  }
0x54: {  	_ =	shalt  }
0x55: {  	_ =	shalt  }
0x56: {  	_ =	shalt  }
0x57: {  	_ =	shalt  }
0x58: {  	_ =	shalt  }
0x59: {  	_ =	shalt  }
0x5a: {  	_ =	shalt  }
0x5b: {  	_ =	shalt  }
0x5c: {  	_ =	shalt  }
0x5d: {  	_ =	shalt  }
0x5e: {  	_ =	shalt  }
0x5f: {  	_ =	shalt  }
0x60: {  	_ =	shalt  }
0x61: {  	_ =	shalt  }
0x62: {  	_ =	shalt  }
0x63: {  	_ =	shalt  }
0x64: {  	_ =	shalt  }
0x65: {  	_ =	shalt  }
0x66: {  	_ =	shalt  }
0x67: {  	_ =	shalt  }
0x68: {  	_ =	shalt  }
0x69: {  	_ =	shalt  }
0x6a: {  	_ =	shalt  }
0x6b: {  	_ =	shalt  }
0x6c: {  	_ =	shalt  }
0x6d: {  	_ =	shalt  }
0x6e: {  	_ =	shalt  }
0x6f: {  	_ =	shalt  }
0x70: {  	_ =	shalt  }
0x71: {  	_ =	shalt  }
0x72: {  	_ =	shalt  }
0x73: {  	_ =	shalt  }
0x74: {  	_ =	shalt  }
0x75: {  	_ =	shalt  }
0x76: {  	_ =	shalt  }
0x77: {  	_ =	shalt  }
0x78: {  	_ =	shalt  }
0x79: {  	_ =	shalt  }
0x7a: {  	_ =	shalt  }
0x7b: {  	_ =	shalt  }
0x7c: {  	_ =	shalt  }
0x7d: {  	_ =	shalt  }
0x7e: {  	_ =	shalt  }
0x7f: {  	_ =	shalt  }
0x80: {  	_ =	shalt  }
0x81: {  	_ =	shalt  }
0x82: {  	_ =	shalt  }
0x83: {  	_ =	shalt  }
0x84: {  	_ =	shalt  }
0x85: {  	_ =	shalt  }
0x86: {  	_ =	shalt  }
0x87: {  	_ =	shalt  }
.Lfunc_end0:
.L_simem_size_0:
called_computation.3_lowered:
.L_overlay_start_0:
0x88: {  	s2 =	sld [smem:$0x3FD9]  }
0x89: {  	s3 =	sld [smem:$0x3FFE];
	_ =	sdelay $0x1  }
0x8a: {  	s1 =	srdreg.scid  }
0x8b: {  	s0 =	sand.u32 $0x1, s1  }
0x8c: {  	s16 =	sshll.u32 s0, $0xA;
	s2 =	sadd.s32 s3, s2  }
0x8d: {  	s2 =	sadd.s32 s2, s16  }
0x8e: {  	[smem:$0x3FBC] =	sst s2  }
0x8f: {  	_ = 	snop  }
0x90: {  	(tm) =	ssettm $0x1  }
0x91: {  	s17 =	sld [smem:$0x3FFB];
	_ =	sdelay $0x3  }
0x92: {  	_ =	strace s17  }
0x93: {  	s2 =	sld [smem:$0x3FFC];
	_ =	sdelay $0x3  }
0x94: {  	_ =	strace s2  }
0x95: {  	s2 =	sld [smem:$0x3FFD];
	_ =	sdelay $0x3  }
0x96: {  	_ =	strace s2  }
0x97: {  	_ =	strace $0x8FFFFFFF  }
0x98: {  	s18 =	sld [smem:$0x3FDB];
	_ =	sdelay $0x1  }
0x99: {  	s19 =	simm.s32 $_scs_section_size  }
0x9a: {  	s4 =	simm.s32 $_size__tile_overlayer_lowered;
	s5 =	simm.s32 $_tile_overlayer_lowered  }
0x9b: {  	s22 =	simm.s32 $0x1BFF;
	s21 =	sshll.u32 s5, $0x1;
	s2 =	sadd.s32 s19, s18  }
0x9c: {  	s6 =	simm.s32 $0x0;
	s20 =	sshll.u32 s4, $0x1;
	s4 =	sadd.s32 s21, s2  }
0x9d: {  	[timem:s6], [sflag:s22] =	dma.local [hbm:s4], s20  }
0x9e: {  	_ =	swait.ge [sflag:s22], s20  }
0x9f: {  	s3 =	ssub.s32 $0x0, s20;
	[sflag:s22] =	ssyncset.done $0x0  }
0xa0: {  	[sflag:s22] =	ssyncadd.s32 s3;
	_ =	sdelay $0x1  }
0xa1: {  	s23 =	simm.s32 $0x1B8B  }
0xa2: {  	_ =	swait.ge [sflag:s23], $0x1  }
0xa3: {  	[sflag:s23] =	ssyncset.done $0x0  }
0xa4: {  	s25 =	simm.s32 $0x1B8E;
	s24 =	sld [smem:$0x3FFE];
	[sflag:s23] =	ssyncadd.s32 $0xFFFFFFFF  }
0xa5: {  	s26 =	simm.s32 $execute0_lowered;
	[smem:$0x3FD2] =	sst s25  }
0xa6: {  	s4 =	sshll.u32 s26, $0x1;
	_ =	strace $0x8000004F;
	[dreg:$0x1] =	wrdreg $0xFFFFFFFF  }
0xa7: {  	s28 =	simm.s32 $_size_execute0_lowered;
	s2 =	sadd.s32 s2, s4;
	[dreg:$0x0] =	wrdreg $0x0  }
0xa8: {  	s4 =	sshll.u32 s28, $0x1;
	[dreg:$0x2] =	wrdreg s2  }
0xa9: {  	[dreg:$0x3] =	wrdreg s4  }
0xaa: {  	[dreg:$0x4] =	wrdreg $0xC0  }
0xab: {  	_ =	task [dreg:s6], $0x5FFFF  }
0xac: {  	[dreg:$0x1] =	wrdreg $0xFFFFFFFF  }
0xad: {  	[dreg:$0x0] =	wrdreg $0x60  }
0xae: {  	[dreg:$0x2] =	wrdreg s24  }
0xaf: {  	[dreg:$0x3] =	wrdreg $0x9  }
0xb0: {  	_ =	task.clear_ibuf [dreg:s6], $0x4FFFF;
	_ =	strace $0x9000004F  }
0xb1: {  	s29 =	simm.s32 $0x9;
	_ =	strace $0x80000051  }
0xb2: {  	_ =	swait.ge [sflag:s29], $0x1  }
0xb3: {  	[sflag:s29] =	ssyncadd.s32 $0xFFFFFFFF  }
0xb4: {  	_ =	strace $0x90000051  }
0xb5: {  	_ =	sfence  }
0xb6: {  	s30 =	sld [smem:$0x0];
	_ =	sdelay $0x2  }
0xb7: {  	s31 =	sshll.u32 s1, $0xD;
	s1 =	sshrl.u32 s1, $0x2  }
0xb8: {  	s3 =	sand.u32 $0x4000, s31;
	s1 =	sadd.s32 s1, s30  }
0xb9: {  	s0 =	sor.u32 s3, s0;
	s1 =	sshll.u32 s1, $0x11  }
0xba: {  	s0 =	sor.u32 s1, s0  }
0xbb: {  	s0 =	sadd.s32 $0x8F2B, s0  }
0xbc: {  	[sflag:s0] =	ssyncadd.remote.s32 $0x1  }
0xbd: {  	_ =	sfence.sel $0xFFFF  }
0xbe: {  	[dreg:$0x0] =	wrdreg $0xFFFFFFFF;
	(pc) =	sbr.abs _section_cstart, $3  }
0xbf: {  	[dreg:$0x1] =	wrdreg $0xFFFFFFFF  }
0xc0: {  	_ =	task.clear_ibuf [dreg:s6], $0x2FFFF;
	_ =	strace $0x9FFFFFFF  }
0xc1: {  	(tm) =	ssettm $0x7FFFFFFF  }
tec
execute0_lowered:
.L_overlay_start_1:
0x0: {  	(tag) =	ssettag $0x1  }
0x1: {  	s4 =	rddreg [dreg:$0x0]  }
0x2: {  	s0 =	rddreg [dreg:$0x1];
	s2 =	simm.s32 $0x0;
	s3 =	srdreg.scid  }
0x3: {  	s1 =	stileid.u32;
	s10 =	simm.s32 $0x1080;
	s11 =	simm.s32 $0x1880  }
0x4: {  	s12 =	simm.s32 $0x2080;
	s13 =	simm.s32 $0x2880;
	s14 =	simm.s32 $0x3080  }
0x5: {  	s15 =	simm.s32 $0x3880;
	s16 =	simm.s32 $0x4080;
	s17 =	simm.s32 $0x4880  }
0x6: {  	s18 =	simm.s32 $0x5080;
	s19 =	simm.s32 $0x5880;
	s20 =	simm.s32 $0x6080  }
0x7: {  	s21 =	simm.s32 $0x6880;
	s22 =	simm.s32 $0x7080;
	s23 =	simm.s32 $0x7880  }
0x8: {  	s24 =	simm.s32 $0x1;
	s25 =	simm.s32 $0x0;
	s6 =	smul.u32 $0x1400, s1  }
0x9: {  	[smem:$0x7FF] =	sst s2;
	s5 =	sand.u32 $0x1, s3;
	s8 =	smul.u32 $0x28000, s1  }
0xa: {  	s3 =	sadd.s32 $0x43E00, s4;
	s7 =	smul.u32 $0xA00, s5;
	s9 =	ssub.s32 $0x2, s5  }
0xb: {  	_ =	strace $0x80000050;
	s5 =	smul.u32 $0x14000, s5;
	s31 =	sshrl.u32 s9, $0x1  }
0xc: {  	s8 =	sadd.s32 s8, s4;
	s6 =	sadd.s32 s7, s6;
	s7 =	ssub.s32 s9, s31  }
0xd: {  	v2 =	vlaneseq.u32;
	s5 =	sadd.s32 s5, s8;
	s8 =	simm.s32 $0x80;
	s6 =	sshrl.u32 s6, $0x3  }
0xe: {  	vm0 =	vmmov $0xffff;
	v1 =	vshrl.u32 v2, $0x3;
	s9 =	simm.s32 $0x880;
	s5 =	sadd.s32 $0x86600, s5;
	s6 =	sadd.s32 s6, s4  }
0xf: {  	v0 =	vand.u32 $0x7, v2;
	v2 =	vor.u32 $0x8, v2;
	v1 =	vmul.u32 $0x8, v1;
	s4 =	smax.u32 s7, $0x1;
	s7 =	simm.s32 $0x2;
	s6 =	sadd.s32 $0x83E00, s6  }
.LBB2_1:
0x10: {  	s26 =	smov.u32 s5;
	s28 =	simm.s32 $0x0  }
.LBB2_2:
0x11: {  	s29 =	sadd.s32 s28, s6  }
0x12: {  	[tilespmem:s2], [sflag:$0x2] =	stream.linear.gather [hbm4b:s29+s2], $0x80, $0x38;
	[tilespmem:$0x8080] =	vst v63  }
0x13: {  	_ =	swait.ge [sflag:s7], $0x80  }
0x14: {  	[sflag:s7] =	ssyncset.done $0x0  }
0x15: {  	[sflag:s7] =	ssyncadd.s32 $0xFFFFFF80  }
0x16: {  	v3 =	vld [tilespmem:$0x0];
	_ =	sdelay $0x4  }
0x17: {  	v4 =	vshll.u32 v3, $0x1  }
0x18: {  	v3 =	vand.u32 $0x7, v3;
	v4 =	vand.u32 $0xFFFFFFF0, v4  }
0x19: {  	v3 =	vor.u32 v3, v4  }
0x1a: {  	v4 =	vperm.xlane v3, v0;
	_ =	sdelay $0x1  }
0x1b: {  	v3 =	vperm.xlane v3, v2;
	v4 =	vadd.s32 v1, v4;
	_ =	sdelay $0x1  }
0x1c: {  	v3 =	vadd.s32 v1, v3;
	_ =	sdelay $0x2  }
0x1d: {  	[tilespmem:s8], [sflag:$0x1] =	stream.indirect_vreg.gather [hbm4b:s3+s2], $0x80, v4, vm0, $0xb8;
	[tilespmem:$0x8080] =	vst v63  }
0x1e: {  	_ = 	snop  }
0x1f: {  	[tilespmem:s9], [sflag:$0x1] =	stream.indirect_vreg.gather [hbm4b:s3+s2], $0x80, v3, vm0, $0xb8;
	[tilespmem:$0x8080] =	vst v63  }
0x20: {  	v3 =	vld [tilespmem:$0x10];
	_ =	sdelay $0x4  }
0x21: {  	v57 =	vshll.u32 v3, $0x1  }
0x22: {  	v3 =	vand.u32 $0x7, v3;
	v4 =	vand.u32 $0xFFFFFFF0, v57  }
0x23: {  	v3 =	vor.u32 v3, v4  }
0x24: {  	v4 =	vperm.xlane v3, v0;
	_ =	sdelay $0x1  }
0x25: {  	v3 =	vperm.xlane v3, v2;
	v4 =	vadd.s32 v1, v4;
	_ =	sdelay $0x1  }
0x26: {  	v3 =	vadd.s32 v1, v3;
	_ =	sdelay $0x2  }
0x27: {  	[tilespmem:s10], [sflag:$0x1] =	stream.indirect_vreg.gather [hbm4b:s3+s2], $0x80, v4, vm0, $0xb8;
	[tilespmem:$0x8080] =	vst v63  }
0x28: {  	_ = 	snop  }
0x29: {  	[tilespmem:s11], [sflag:$0x1] =	stream.indirect_vreg.gather [hbm4b:s3+s2], $0x80, v3, vm0, $0xb8;
	[tilespmem:$0x8080] =	vst v63  }
0x2a: {  	v3 =	vld [tilespmem:$0x20];
	_ =	sdelay $0x4  }
0x2b: {  	v58 =	vshll.u32 v3, $0x1  }
0x2c: {  	v3 =	vand.u32 $0x7, v3;
	v4 =	vand.u32 $0xFFFFFFF0, v58  }
0x2d: {  	v3 =	vor.u32 v3, v4  }
0x2e: {  	v4 =	vperm.xlane v3, v0;
	_ =	sdelay $0x1  }
0x2f: {  	v3 =	vperm.xlane v3, v2;
	v4 =	vadd.s32 v1, v4;
	_ =	sdelay $0x1  }
0x30: {  	v3 =	vadd.s32 v1, v3;
	_ =	sdelay $0x2  }
0x31: {  	[tilespmem:s12], [sflag:$0x1] =	stream.indirect_vreg.gather [hbm4b:s3+s2], $0x80, v4, vm0, $0xb8;
	[tilespmem:$0x8080] =	vst v63  }
0x32: {  	_ = 	snop  }
0x33: {  	[tilespmem:s13], [sflag:$0x1] =	stream.indirect_vreg.gather [hbm4b:s3+s2], $0x80, v3, vm0, $0xb8;
	[tilespmem:$0x8080] =	vst v63  }
0x34: {  	v3 =	vld [tilespmem:$0x30];
	_ =	sdelay $0x4  }
0x35: {  	v59 =	vshll.u32 v3, $0x1  }
0x36: {  	v3 =	vand.u32 $0x7, v3;
	v4 =	vand.u32 $0xFFFFFFF0, v59  }
0x37: {  	v3 =	vor.u32 v3, v4  }
0x38: {  	v4 =	vperm.xlane v3, v0;
	_ =	sdelay $0x1  }
0x39: {  	v3 =	vperm.xlane v3, v2;
	v4 =	vadd.s32 v1, v4;
	_ =	sdelay $0x1  }
0x3a: {  	v3 =	vadd.s32 v1, v3;
	_ =	sdelay $0x2  }
0x3b: {  	[tilespmem:s14], [sflag:$0x1] =	stream.indirect_vreg.gather [hbm4b:s3+s2], $0x80, v4, vm0, $0xb8;
	[tilespmem:$0x8080] =	vst v63  }
0x3c: {  	_ = 	snop  }
0x3d: {  	[tilespmem:s15], [sflag:$0x1] =	stream.indirect_vreg.gather [hbm4b:s3+s2], $0x80, v3, vm0, $0xb8;
	[tilespmem:$0x8080] =	vst v63  }
0x3e: {  	v3 =	vld [tilespmem:$0x40];
	_ =	sdelay $0x4  }
0x3f: {  	v60 =	vshll.u32 v3, $0x1  }
0x40: {  	v3 =	vand.u32 $0x7, v3;
	v4 =	vand.u32 $0xFFFFFFF0, v60  }
0x41: {  	v3 =	vor.u32 v3, v4  }
0x42: {  	v4 =	vperm.xlane v3, v0;
	_ =	sdelay $0x1  }
0x43: {  	v3 =	vperm.xlane v3, v2;
	v4 =	vadd.s32 v1, v4;
	_ =	sdelay $0x1  }
0x44: {  	v3 =	vadd.s32 v1, v3;
	_ =	sdelay $0x2  }
0x45: {  	[tilespmem:s16], [sflag:$0x1] =	stream.indirect_vreg.gather [hbm4b:s3+s2], $0x80, v4, vm0, $0xb8;
	[tilespmem:$0x8080] =	vst v63  }
0x46: {  	_ = 	snop  }
0x47: {  	[tilespmem:s17], [sflag:$0x1] =	stream.indirect_vreg.gather [hbm4b:s3+s2], $0x80, v3, vm0, $0xb8;
	[tilespmem:$0x8080] =	vst v63  }
0x48: {  	v3 =	vld [tilespmem:$0x50];
	_ =	sdelay $0x4  }
0x49: {  	v61 =	vshll.u32 v3, $0x1  }
0x4a: {  	v3 =	vand.u32 $0x7, v3;
	v4 =	vand.u32 $0xFFFFFFF0, v61  }
0x4b: {  	v3 =	vor.u32 v3, v4  }
0x4c: {  	v4 =	vperm.xlane v3, v0;
	_ =	sdelay $0x1  }
0x4d: {  	v3 =	vperm.xlane v3, v2;
	v4 =	vadd.s32 v1, v4;
	_ =	sdelay $0x1  }
0x4e: {  	v3 =	vadd.s32 v1, v3;
	_ =	sdelay $0x2  }
0x4f: {  	[tilespmem:s18], [sflag:$0x1] =	stream.indirect_vreg.gather [hbm4b:s3+s2], $0x80, v4, vm0, $0xb8;
	[tilespmem:$0x8080] =	vst v63  }
0x50: {  	_ = 	snop  }
0x51: {  	[tilespmem:s19], [sflag:$0x1] =	stream.indirect_vreg.gather [hbm4b:s3+s2], $0x80, v3, vm0, $0xb8;
	[tilespmem:$0x8080] =	vst v63  }
0x52: {  	v3 =	vld [tilespmem:$0x60];
	_ =	sdelay $0x4  }
0x53: {  	v62 =	vshll.u32 v3, $0x1  }
0x54: {  	v3 =	vand.u32 $0x7, v3;
	v4 =	vand.u32 $0xFFFFFFF0, v62  }
0x55: {  	v3 =	vor.u32 v3, v4  }
0x56: {  	v4 =	vperm.xlane v3, v0;
	_ =	sdelay $0x1  }
0x57: {  	v3 =	vperm.xlane v3, v2;
	v4 =	vadd.s32 v1, v4;
	_ =	sdelay $0x1  }
0x58: {  	v3 =	vadd.s32 v1, v3;
	_ =	sdelay $0x2  }
0x59: {  	[tilespmem:s20], [sflag:$0x1] =	stream.indirect_vreg.gather [hbm4b:s3+s2], $0x80, v4, vm0, $0xb8;
	[tilespmem:$0x8080] =	vst v63  }
0x5a: {  	_ = 	snop  }
0x5b: {  	[tilespmem:s21], [sflag:$0x1] =	stream.indirect_vreg.gather [hbm4b:s3+s2], $0x80, v3, vm0, $0xb8;
	[tilespmem:$0x8080] =	vst v63  }
0x5c: {  	v3 =	vld [tilespmem:$0x70];
	_ =	sdelay $0x4  }
0x5d: {  	v63 =	vshll.u32 v3, $0x1  }
0x5e: {  	v3 =	vand.u32 $0x7, v3;
	v4 =	vand.u32 $0xFFFFFFF0, v63  }
0x5f: {  	v3 =	vor.u32 v3, v4  }
0x60: {  	v4 =	vperm.xlane v3, v0;
	_ =	sdelay $0x1  }
0x61: {  	v3 =	vperm.xlane v3, v2;
	v4 =	vadd.s32 v1, v4;
	_ =	sdelay $0x1  }
0x62: {  	v3 =	vadd.s32 v1, v3;
	_ =	sdelay $0x2  }
0x63: {  	[tilespmem:s22], [sflag:$0x1] =	stream.indirect_vreg.gather [hbm4b:s3+s2], $0x80, v4, vm0, $0xb8;
	[tilespmem:$0x8080] =	vst v63  }
0x64: {  	_ = 	snop  }
0x65: {  	[tilespmem:s23], [sflag:$0x1] =	stream.indirect_vreg.gather [hbm4b:s3+s2], $0x80, v3, vm0, $0xb8;
	[tilespmem:$0x8080] =	vst v63  }
0x66: {  	_ =	swait.ge [sflag:s24], $0x8000  }
0x67: {  	p0 =	sne.s32 s28, $0x130;
	[sflag:s24] =	ssyncset.done $0x0  }
.Ltmp0:
0x68: {  	[sflag:s24] =	ssyncadd.s32 $0xFFFF8000;
	(pc) =	sbr.rel @p0 .LBB2_2-.Ltmp0, $4  }
0x69: {  	[hbm4b:s26+s2] =	stream.linear.scatter [tilespmem:s8], [sflag:$0x2], $0x8000, $0x38;
	[tilespmem:$0x8080] =	vst v63  }
0x6a: {  	_ =	swait.ge [sflag:s7], $0x8000  }
0x6b: {  	[sflag:s7] =	ssyncset.done $0x0  }
0x6c: {  	s28 =	sadd.s32 $0x10, s28;
	s26 =	sadd.s32 $0x1000, s26;
	[sflag:s7] =	ssyncadd.s32 $0xFFFF8000  }
0x6d: {  	s25 =	sadd.s32 $0x1, s25  }
0x6e: {  	p0 =	sne.s32 s25, s4  }
.Ltmp1:
0x6f: {  	_ = 	snop;
	(pc) =	sbr.rel @p0 .LBB2_1-.Ltmp1, $1  }
0x70: {  	_ =	sdelay $0x3  }
0x71: {  	_ =	sfence.sel $0x180000  }
0x72: {  	[bflag:$0x0] =	sbarrier.arrive $0xFFFF  }
0x73: {  	p0 =	sne.s32 s1, $0x0;
	_ =	strace $0x90000050  }
0x74: {  	s0 =	sadd.s32 @!p0 $0x100000, s0;
	[bflag:$0x2] =	sbarrier.arrive $0xFFFF  }
0x75: {  	[sflag:s0] =	ssyncadd.tile.s32 @!p0 $0x1;
	_ =	shalt  }
.Lfunc_end2:
_tile_overlayer_lowered:
.L_overlay_start_2:
0x76: {  	(tag) =	ssettag $0x2  }
0x77: {  	s0 =	rddreg [dreg:$0x0];
	s2 =	stileid.u32  }
0x78: {  	s1 =	rddreg [dreg:$0x1];
	p0 =	sne.s32 s2, $0x0  }
0x79: {  	s3 =	rddreg [dreg:$0x2];
	[bflag:$0x3] =	sbarrier.arrive $0xFFFF;
	s2 =	simm.s32 @!p0 $0x1C02  }
0x7a: {  	[timem:s3], [sflag:s2] =	dma.local @!p0 [hbm:s0], s1  }
0x7b: {  	s0 =	simm.s32 @!p0 $0x2  }
0x7c: {  	_ =	swait.ge @!p0 [sflag:s0], s1  }
0x7d: {  	s1 =	ssub.s32 @!p0 $0x0, s1;
	[sflag:s0] =	ssyncset.done @!p0 $0x0  }
0x7e: {  	[sflag:s0] =	ssyncadd.s32 @!p0 s1  }
0x7f: {  	[bflag:$0x3] =	sbarrier.arrive $0xFFFF  }
0x80: {  	_ =	shalt  }

</sc_bundles>
